<compile_context>
chip_gen: v7x
topology: tpu7x:2x2x1
jax: 0.10.2.dev20260603
libtpu: 0.0.44.dev20260713+nightly
codegen_flags: <defaults>
</compile_context>

<pallas_src>
import functools

import jax
import jax.numpy as jnp
from jax import lax
from jax.experimental import pallas as pl
from jax.experimental.pallas import tpu as pltpu
from jax.experimental.pallas import tpu_sc as plsc

NC, NS, L = 2, 16, 16
NW = NC * NS
CB = 128


def _sc_mesh():
    return plsc.VectorSubcoreMesh(
        core_axis_name="c", subcore_axis_name="s",
        num_cores=NC, num_subcores=NS)


def _build_sc_prep(n_pad, n_chunks, dummy):
    cw = n_chunks // NW

    @functools.partial(
        pl.kernel,
        out_type=[
            jax.ShapeDtypeStruct((n_chunks, CB), jnp.int32),
            jax.ShapeDtypeStruct((n_chunks, CB), jnp.int32),
            jax.ShapeDtypeStruct((NC, n_pad), jnp.float32),
        ],
        mesh=_sc_mesh(),
        scratch_types=[
            pltpu.VMEM((cw, CB), jnp.int32),
            pltpu.VMEM((cw, CB), jnp.int32),
            pltpu.VMEM((cw, CB), jnp.int32),
            pltpu.VMEM((cw, CB), jnp.int32),
            pltpu.VMEM((CB,), jnp.float32),
            pltpu.VMEM((2048,), jnp.float32),
            pltpu.VMEM_SHARED((n_pad,), jnp.float32),
        ],
    )
    def prep(rows_hbm, cols_hbm, rowm_hbm, colm_hbm, degp_hbm,
             rbuf, cbuf, rm, cm, ones_b, zbuf, deg_sh):
        cidx = lax.axis_index("c")
        sidx = lax.axis_index("s")
        wid = sidx * NC + cidx
        base = wid * cw

        pltpu.sync_copy(rows_hbm.at[pl.ds(base, cw)], rbuf)
        pltpu.sync_copy(cols_hbm.at[pl.ds(base, cw)], cbuf)

        for k in range(CB // L):
            ones_b[pl.ds(k * L, L)] = jnp.ones((L,), jnp.float32)

        @pl.when(sidx == 0)
        def _zero_deg():
            def zb(i, carry):
                zbuf[pl.ds(i * L, L)] = jnp.zeros((L,), jnp.float32)
                return carry
            lax.fori_loop(0, 2048 // L, zb, 0)

            def zc(t, carry):
                pltpu.sync_copy(zbuf, deg_sh.at[pl.ds(t * 2048, 2048)])
                return carry
            lax.fori_loop(0, n_pad // 2048, zc, 0)

        def remap(j, carry):
            for k in range(CB // L):
                dvec = dummy + k * L + lax.broadcasted_iota(jnp.int32, (L,), 0)
                r = rbuf[j, pl.ds(k * L, L)]
                c2 = cbuf[j, pl.ds(k * L, L)]
                m = r == c2
                rm[j, pl.ds(k * L, L)] = jnp.where(m, dvec, r)
                cm[j, pl.ds(k * L, L)] = jnp.where(m, dvec, c2)
            return carry
        lax.fori_loop(0, cw, remap, 0)

        pltpu.sync_copy(rm, rowm_hbm.at[pl.ds(base, cw)])
        pltpu.sync_copy(cm, colm_hbm.at[pl.ds(base, cw)])

        plsc.subcore_barrier()

        def scat(j, carry):
            pltpu.sync_copy(ones_b, deg_sh.at[rm.at[j]], add=True)
            return carry
        lax.fori_loop(0, cw, scat, 0)

        plsc.subcore_barrier()

        @pl.when(sidx == 0)
        def _drain():
            pltpu.sync_copy(deg_sh, degp_hbm.at[cidx])

    return prep


def _build_sc_prop(n_pad, n_chunks):
    cw = n_chunks // NW
    ch = cw // 2
    rpt = n_pad // NS

    @functools.partial(
        pl.kernel,
        out_type=jax.ShapeDtypeStruct((NC, n_pad, 128), jnp.float32),
        mesh=_sc_mesh(),
        scratch_types=[
            pltpu.VMEM((ch, CB), jnp.int32),
            pltpu.VMEM((ch, CB), jnp.int32),
            pltpu.VMEM((2, CB, 128), jnp.float32),
            pltpu.VMEM_SHARED((n_pad, 128), jnp.float32),
            pltpu.SemaphoreType.DMA,
            pltpu.SemaphoreType.DMA,
        ],
    )
    def prop(g_hbm, rowm_hbm, colm_hbm, part_hbm, rbuf, cbuf, msg,
             acc_sh, sem0, sem1):
        cidx = lax.axis_index("c")
        sidx = lax.axis_index("s")
        wid = sidx * NC + cidx
        base = wid * cw

        pltpu.sync_copy(rowm_hbm.at[pl.ds(base, ch)], rbuf)
        pltpu.sync_copy(colm_hbm.at[pl.ds(base, ch)], cbuf)
        pltpu.async_copy(g_hbm.at[rbuf.at[0]], msg.at[0], sem0)

        def zb(i, carry):
            for k in range(128 // L):
                msg[1, i, pl.ds(k * L, L)] = jnp.zeros((L,), jnp.float32)
            return carry
        lax.fori_loop(0, CB, zb, 0)

        def zc(t, carry):
            pltpu.sync_copy(msg.at[1], acc_sh.at[pl.ds(sidx * rpt + t * CB, CB)])
            return carry
        lax.fori_loop(0, rpt // CB, zc, 0)

        plsc.subcore_barrier()

        for h in range(2):
            if h:
                pltpu.sync_copy(rowm_hbm.at[pl.ds(base + h * ch, ch)], rbuf)
                pltpu.sync_copy(colm_hbm.at[pl.ds(base + h * ch, ch)], cbuf)
                pltpu.async_copy(g_hbm.at[rbuf.at[0]], msg.at[0], sem0)

            def body(jj, carry):
                j = jj * 2
                pltpu.async_copy(g_hbm.at[rbuf.at[j + 1]], msg.at[1], sem1)
                pltpu.make_async_copy(
                    g_hbm.at[rbuf.at[j]], msg.at[0], sem0).wait()
                pltpu.sync_copy(msg.at[0], acc_sh.at[cbuf.at[j]], add=True)

                @pl.when(jj < ch // 2 - 1)
                def _():
                    pltpu.async_copy(
                        g_hbm.at[rbuf.at[j + 2]], msg.at[0], sem0)

                pltpu.make_async_copy(
                    g_hbm.at[rbuf.at[j + 1]], msg.at[1], sem1).wait()
                pltpu.sync_copy(msg.at[1], acc_sh.at[cbuf.at[j + 1]], add=True)
                return carry
            lax.fori_loop(0, ch // 2, body, 0)

        plsc.subcore_barrier()

        pltpu.sync_copy(acc_sh.at[pl.ds(sidx * rpt, rpt)],
                        part_hbm.at[cidx, pl.ds(sidx * rpt, rpt)])

    return prop


def _mm_scale_call(degp3, x_pad, w, n, bm=5120):
    n_pad = x_pad.shape[0]
    d_out = w.shape[1]

    def body(d_ref, x_ref, w_ref, g_ref, dis_ref):
        i = pl.program_id(0)
        deg = d_ref[0] + d_ref[1] + 1.0
        idx = lax.broadcasted_iota(jnp.int32, (bm, 1), 0) + i * bm
        dis = jnp.where(idx < n, lax.rsqrt(deg), 0.0)
        dis_ref[...] = dis
        g_ref[...] = jnp.dot(x_ref[...], w_ref[...],
                             preferred_element_type=jnp.float32) * dis

    return pl.pallas_call(
        body,
        grid=(n_pad // bm,),
        in_specs=[
            pl.BlockSpec((NC, bm, 1), lambda i: (0, i, 0)),
            pl.BlockSpec((bm, x_pad.shape[1]), lambda i: (i, 0)),
            pl.BlockSpec(w.shape, lambda i: (0, 0)),
        ],
        out_specs=[
            pl.BlockSpec((bm, d_out), lambda i: (i, 0)),
            pl.BlockSpec((bm, 1), lambda i: (i, 0)),
        ],
        out_shape=[
            jax.ShapeDtypeStruct((n_pad, d_out), jnp.float32),
            jax.ShapeDtypeStruct((n_pad, 1), jnp.float32),
        ],
    )(degp3, x_pad, w)


def _mid_call(part, g1, dis_col, b1r, w2, bm=5120):
    n_pad = g1.shape[0]
    d_out = w2.shape[1]

    def body(p_ref, g_ref, d_ref, b_ref, w_ref, o_ref):
        agg = p_ref[0] + p_ref[1] + g_ref[...]
        h1 = jnp.maximum(agg * d_ref[...] + b_ref[...], 0.0)
        o_ref[...] = jnp.dot(h1, w_ref[...],
                             preferred_element_type=jnp.float32) * d_ref[...]

    return pl.pallas_call(
        body,
        grid=(n_pad // bm,),
        in_specs=[
            pl.BlockSpec((NC, bm, 128), lambda i: (0, i, 0)),
            pl.BlockSpec((bm, 128), lambda i: (i, 0)),
            pl.BlockSpec((bm, 1), lambda i: (i, 0)),
            pl.BlockSpec((1, 128), lambda i: (0, 0)),
            pl.BlockSpec(w2.shape, lambda i: (0, 0)),
        ],
        out_specs=pl.BlockSpec((bm, d_out), lambda i: (i, 0)),
        out_shape=jax.ShapeDtypeStruct((n_pad, d_out), jnp.float32),
    )(part, g1, dis_col, b1r, w2)


def _fin_call(part, g2, dis_col, b2r, n, bm=5120):
    n_pad = g2.shape[0]

    def body(p_ref, g_ref, d_ref, b_ref, o_ref):
        o_ref[...] = (p_ref[0] + p_ref[1] + g_ref[...]) * d_ref[...] + b_ref[...]

    return pl.pallas_call(
        body,
        grid=(pl.cdiv(n, bm),),
        in_specs=[
            pl.BlockSpec((NC, bm, 128), lambda i: (0, i, 0)),
            pl.BlockSpec((bm, 128), lambda i: (i, 0)),
            pl.BlockSpec((bm, 1), lambda i: (i, 0)),
            pl.BlockSpec((1, 128), lambda i: (0, 0)),
        ],
        out_specs=pl.BlockSpec((bm, 128), lambda i: (i, 0)),
        out_shape=jax.ShapeDtypeStruct((n, 128), jnp.float32),
    )(part, g2, dis_col, b2r)


def kernel(x, edge_index, cache_name, W1, b1, W2, b2):
    del cache_name
    n, din = x.shape
    e = edge_index.shape[1]
    dummy = n
    n_pad = ((n + CB + 1023) // 1024) * 1024

    cw = -(-(-(-e // CB)) // NW)
    cw = cw + (cw % 2)
    n_chunks = cw * NW
    e_pad = n_chunks * CB

    ei_pad = jnp.concatenate(
        [edge_index, jnp.zeros((2, e_pad - e), jnp.int32)], axis=1)
    rows2d = ei_pad[0].reshape(n_chunks, CB)
    cols2d = ei_pad[1].reshape(n_chunks, CB)
    x_pad = jnp.zeros((n_pad, din), jnp.float32).at[:n].set(x)

    prep = _build_sc_prep(n_pad, n_chunks, dummy)
    prop = _build_sc_prop(n_pad, n_chunks)

    rowm, colm, degp = prep(rows2d, cols2d)
    g1, dis_col = _mm_scale_call(degp.reshape(NC, n_pad, 1), x_pad, W1, n)
    part1 = prop(g1, rowm, colm)
    g2 = _mid_call(part1, g1, dis_col, b1.reshape(1, 128), W2)
    part2 = prop(g2, rowm, colm)
    return _fin_call(part2, g2, dis_col, b2.reshape(1, 128), n)

# --- scband reference (transcript-rebuilt; emitter-appended) ---
"""Pipeline reference for scband-udagcn-encoder-609885356320 (READ-ONLY COPY).

The authoritative reference and input builder live on the scoring server;
editing this copy changes nothing except your own understanding.
"""

import jax, jax.numpy as jnp
import numpy as np


def glorot(key, shape):
    limit = np.sqrt(6.0 / (shape[0] + shape[1]))
    return jax.random.uniform(key, shape, jnp.float32, -limit, limit)


def gcn_norm_np(edge_index, num_nodes):
    # Faithful port of CachedGCNConv.norm with edge_weight=None, improved=False.
    # add_remaining_self_loops: drop existing self-loops (preserving their weights),
    # then add a self-loop for every node with fill_value=1.
    ei = edge_index
    E = ei.shape[1]
    ew = jnp.ones(E, dtype=jnp.float32)
    mask = ei[0] != ei[1]
    inv = ~mask
    loop_w = jnp.ones(num_nodes, dtype=jnp.float32)  # fill_value = 1
    loop_w = loop_w.at[jnp.where(inv, ei[0], num_nodes)].set(
        jnp.where(inv, ew, 1.0), mode='drop'
    )  # preserve existing self-loop weights
    loop_idx = jnp.arange(num_nodes, dtype=ei.dtype)
    new_ei = jnp.concatenate([ei, jnp.stack([loop_idx, loop_idx])], axis=1)
    new_ew = jnp.concatenate([ew * mask, loop_w]).astype(jnp.float64)
    row, col = new_ei[0], new_ei[1]
    deg = jnp.zeros(num_nodes, dtype=jnp.float64).at[row].add(new_ew)
    dis = jnp.where(deg > 0, deg ** -0.5, 0.0)
    norm = (dis[row] * new_ew * dis[col]).astype(jnp.float32)
    return new_ei.astype(jnp.int32), norm


def setup_inputs(seed: int = 0) -> dict:
    key = jax.random.key(seed)
    k1, k2, k3, k4 = jax.random.split(key, 4)
    N, E = 10000, 320000
    Din, Dh, Dout = 128, 128, 128
    x = jax.random.normal(k1, (N, Din), jnp.float32)
    edge_index = jax.random.randint(k2, (2, E), 0, N, jnp.int32)
    W1 = glorot(k3, (Din, Dh))
    b1 = jnp.zeros((Dh,), jnp.float32)
    W2 = glorot(k4, (Dh, Dout))
    b2 = jnp.zeros((Dout,), jnp.float32)
    return {"x": x, "edge_index": edge_index, "cache_name": 0,
            "W1": W1, "b1": b1, "W2": W2, "b2": b2}


def reference(x, edge_index, cache_name, W1, b1, W2, b2):
    N = x.shape[0]
    ei, norm = gcn_norm_np(edge_index, N)  # same normalized graph reused by both layers (cache)
    row, col = ei[0], ei[1]

    def conv(h, W, b):
        h = h @ W                               # x = matmul(x, weight)
        msg = norm[:, None] * h[row]            # message: norm * x_j (x_j = x[source])
        out = jax.ops.segment_sum(msg, col, num_segments=N)  # aggr='add' at target
        return out + b                          # update: aggr_out + bias

    h = conv(x, W1, b1)
    h = jax.nn.relu(h)
    # dropout=0.0 -> identity
    out = conv(h, W2, b2)
    return out

if __name__ == "__main__":
    import jax
    _d = setup_inputs()
    print(jax.jit(kernel)(*tuple(_d.values())))

</pallas_src>

<mosaic_0001>
#map = affine_map<(d0, d1) -> (0, 0)>
#map1 = affine_map<(d0, d1) -> (0, 0, 0)>
module attributes {stable_mosaic.version = 14 : i64} {
  func.func @prop(%arg0: i32, %arg1: i32, %arg2: memref<10240x128xf32, #tpu.memory_space<hbm>>, %arg3: memref<2560x128xi32, #tpu.memory_space<hbm>>, %arg4: memref<2560x128xi32, #tpu.memory_space<hbm>>, %arg5: memref<2x10240x128xf32, #tpu.memory_space<hbm>>, %arg6: memref<40x128xi32, #tpu.memory_space<vmem>>, %arg7: memref<40x128xi32, #tpu.memory_space<vmem>>, %arg8: memref<2x128x128xf32, #tpu.memory_space<vmem>>, %arg9: memref<10240x128xf32, #tpu.memory_space<vmem_shared>>, %arg10: memref<!tpu.dma_semaphore, #tpu.memory_space<semaphore_mem>>, %arg11: memref<!tpu.dma_semaphore, #tpu.memory_space<semaphore_mem>>) attributes {dimension_semantics = [#tpu.dimension_semantics<core_parallel>, #tpu.dimension_semantics<subcore_parallel>], iteration_bounds = array<i64: 2, 16>, scalar_prefetch = 0 : i64, scratch_operands = 6 : i64, tpu.core_type = #tpu.core_type<sc_vector_subcore>, window_params = [{transform_indices = #map}, {transform_indices = #map}, {transform_indices = #map}, {transform_indices = #map1}]} {
    %mul3A = arith.constant 2 : i32
    %mul3A_0 = arith.muli %arg1, %mul3A : i32
    %add3A = arith.addi %mul3A_0, %arg0 : i32
    %mul3A_1 = arith.constant 80 : i32
    %mul3A_2 = arith.muli %add3A, %mul3A_1 : i32
    "tpu.region"() ({
      %run_scoped3A = tpu.sem_alloc : memref<!tpu.dma_semaphore, #tpu.memory_space<semaphore_mem>>
      %dma_start3A_58 = arith.constant 0 : i32
      %dma_start3A_59 = tpu.memref_slice %arg3[%mul3A_2, %dma_start3A_58] : memref<2560x128xi32, #tpu.memory_space<hbm>> -> memref<40x128xi32, #tpu.memory_space<hbm>>
      %dma_start3A_60 = arith.constant 0 : i32
      %dma_start3A_61 = tpu.memref_slice %arg3[%mul3A_2, %dma_start3A_60] : memref<2560x128xi32, #tpu.memory_space<hbm>> -> memref<40x128xi32, #tpu.memory_space<hbm>>
      tpu.enqueue_dma source(%dma_start3A_61 : memref<40x128xi32, #tpu.memory_space<hbm>>) target(%arg6 : memref<40x128xi32, #tpu.memory_space<vmem>>) target_semaphore(%run_scoped3A : memref<!tpu.dma_semaphore, #tpu.memory_space<semaphore_mem>>)
      %dma_wait3A = arith.constant 0 : i32
      %dma_wait3A_62 = tpu.memref_slice %arg3[%mul3A_2, %dma_wait3A] : memref<2560x128xi32, #tpu.memory_space<hbm>> -> memref<40x128xi32, #tpu.memory_space<hbm>>
      %dma_wait3A_63 = arith.constant 0 : i32
      %dma_wait3A_64 = tpu.memref_slice %arg3[%mul3A_2, %dma_wait3A_63] : memref<2560x128xi32, #tpu.memory_space<hbm>> -> memref<40x128xi32, #tpu.memory_space<hbm>>
      tpu.wait_dma2 semaphore(%run_scoped3A : memref<!tpu.dma_semaphore, #tpu.memory_space<semaphore_mem>>) src(%dma_wait3A_64 : memref<40x128xi32, #tpu.memory_space<hbm>>) dst(%arg6 : memref<40x128xi32, #tpu.memory_space<vmem>>)
      tpu.yield
    }) : () -> ()
    "tpu.region"() ({
      %run_scoped3A = tpu.sem_alloc : memref<!tpu.dma_semaphore, #tpu.memory_space<semaphore_mem>>
      %dma_start3A_58 = arith.constant 0 : i32
      %dma_start3A_59 = tpu.memref_slice %arg4[%mul3A_2, %dma_start3A_58] : memref<2560x128xi32, #tpu.memory_space<hbm>> -> memref<40x128xi32, #tpu.memory_space<hbm>>
      %dma_start3A_60 = arith.constant 0 : i32
      %dma_start3A_61 = tpu.memref_slice %arg4[%mul3A_2, %dma_start3A_60] : memref<2560x128xi32, #tpu.memory_space<hbm>> -> memref<40x128xi32, #tpu.memory_space<hbm>>
      tpu.enqueue_dma source(%dma_start3A_61 : memref<40x128xi32, #tpu.memory_space<hbm>>) target(%arg7 : memref<40x128xi32, #tpu.memory_space<vmem>>) target_semaphore(%run_scoped3A : memref<!tpu.dma_semaphore, #tpu.memory_space<semaphore_mem>>)
      %dma_wait3A = arith.constant 0 : i32
      %dma_wait3A_62 = tpu.memref_slice %arg4[%mul3A_2, %dma_wait3A] : memref<2560x128xi32, #tpu.memory_space<hbm>> -> memref<40x128xi32, #tpu.memory_space<hbm>>
      %dma_wait3A_63 = arith.constant 0 : i32
      %dma_wait3A_64 = tpu.memref_slice %arg4[%mul3A_2, %dma_wait3A_63] : memref<2560x128xi32, #tpu.memory_space<hbm>> -> memref<40x128xi32, #tpu.memory_space<hbm>>
      tpu.wait_dma2 semaphore(%run_scoped3A : memref<!tpu.dma_semaphore, #tpu.memory_space<semaphore_mem>>) src(%dma_wait3A_64 : memref<40x128xi32, #tpu.memory_space<hbm>>) dst(%arg7 : memref<40x128xi32, #tpu.memory_space<vmem>>)
      tpu.yield
    }) : () -> ()
    %dma_start3A = arith.constant 0 : i32
    %dma_start3A_3 = arith.constant 0 : i32
    %dma_start3A_4 = arith.constant 0 : i32
    %dma_start3A_5 = arith.constant 0 : i32
    %dma_start3A_6 = tpu.memref_slice %arg8[%dma_start3A_3, %dma_start3A_4, %dma_start3A_5] : memref<2x128x128xf32, #tpu.memory_space<vmem>> -> memref<1x128x128xf32, #tpu.memory_space<vmem>>
    %dma_start3A_7 = tpu.memref_squeeze %dma_start3A_6 : memref<1x128x128xf32, #tpu.memory_space<vmem>> -> memref<128x128xf32, #tpu.memory_space<vmem>>
    %dma_start3A_8 = arith.constant 0 : i32
    %dma_start3A_9 = tpu.memref_slice %arg6[%dma_start3A, %dma_start3A_8] : memref<40x128xi32, #tpu.memory_space<vmem>> -> memref<1x128xi32, #tpu.memory_space<vmem>>
    %dma_start3A_10 = tpu.memref_squeeze %dma_start3A_9 : memref<1x128xi32, #tpu.memory_space<vmem>> -> memref<128xi32, #tpu.memory_space<vmem>>
    %dma_start3A_11 = arith.constant 0 : i32
    %dma_start3A_12 = arith.constant 0 : i32
    %dma_start3A_13 = tpu.memref_slice %arg2[%dma_start3A_11, %dma_start3A_12] : memref<10240x128xf32, #tpu.memory_space<hbm>> -> memref<10240x128xf32, #tpu.memory_space<hbm>>
    tpu.enqueue_indirect_dma source(%dma_start3A_13 : memref<10240x128xf32, #tpu.memory_space<hbm>>) target(%dma_start3A_7 : memref<128x128xf32, #tpu.memory_space<vmem>>) offsets(%dma_start3A_10 : memref<128xi32, #tpu.memory_space<vmem>>) semaphore(%arg10 : memref<!tpu.dma_semaphore, #tpu.memory_space<semaphore_mem>>)
    %scan3A = arith.constant 0 : i32
    %scan3A_14 = arith.constant 0 : i32
    %scan3A_15 = arith.constant 128 : i32
    %scan3A_16 = arith.addi %scan3A_14, %scan3A_15 : i32
    %scan3A_17 = arith.constant 1 : i32
    scf.for %scan3A_58 = %scan3A_14 to %scan3A_16 step %scan3A_17  : i32 {
      %broadcast_in_dim3A = arith.constant 0.000000e+00 : f32
      %broadcast_in_dim3A_59 = vector.broadcast %broadcast_in_dim3A : f32 to vector<16xf32>
      %swap3A = arith.constant 1 : i32
      %swap3A_60 = arith.index_cast %swap3A : i32 to index
      %swap3A_61 = arith.index_cast %scan3A_58 : i32 to index
      %swap3A_62 = arith.constant 0 : index
      %swap3A_63 = tpu.vector_load %arg8[%swap3A_60, %swap3A_61, %swap3A_62] {strides = array<i32>} : memref<2x128x128xf32, #tpu.memory_space<vmem>>, vector<1x1x16xf32>,
      %swap3A_64 = vector.shape_cast %swap3A_63 : vector<1x1x16xf32> to vector<16xf32>
      %swap3A_65 = vector.shape_cast %broadcast_in_dim3A_59 : vector<16xf32> to vector<1x1x16xf32>
      tpu.vector_store %arg8[%swap3A_60, %swap3A_61, %swap3A_62], %swap3A_65 {strides = array<i32>} : memref<2x128x128xf32, #tpu.memory_space<vmem>>, vector<1x1x16xf32>,
      %broadcast_in_dim3A_66 = arith.constant 0.000000e+00 : f32
      %broadcast_in_dim3A_67 = vector.broadcast %broadcast_in_dim3A_66 : f32 to vector<16xf32>
      %swap3A_68 = arith.constant 1 : i32
      %swap3A_69 = arith.index_cast %swap3A_68 : i32 to index
      %swap3A_70 = arith.index_cast %scan3A_58 : i32 to index
      %swap3A_71 = arith.constant 16 : index
      %swap3A_72 = tpu.vector_load %arg8[%swap3A_69, %swap3A_70, %swap3A_71] {strides = array<i32>} : memref<2x128x128xf32, #tpu.memory_space<vmem>>, vector<1x1x16xf32>,
      %swap3A_73 = vector.shape_cast %swap3A_72 : vector<1x1x16xf32> to vector<16xf32>
      %swap3A_74 = vector.shape_cast %broadcast_in_dim3A_67 : vector<16xf32> to vector<1x1x16xf32>
      tpu.vector_store %arg8[%swap3A_69, %swap3A_70, %swap3A_71], %swap3A_74 {strides = array<i32>} : memref<2x128x128xf32, #tpu.memory_space<vmem>>, vector<1x1x16xf32>,
      %broadcast_in_dim3A_75 = arith.constant 0.000000e+00 : f32
      %broadcast_in_dim3A_76 = vector.broadcast %broadcast_in_dim3A_75 : f32 to vector<16xf32>
      %swap3A_77 = arith.constant 1 : i32
      %swap3A_78 = arith.index_cast %swap3A_77 : i32 to index
      %swap3A_79 = arith.index_cast %scan3A_58 : i32 to index
      %swap3A_80 = arith.constant 32 : index
      %swap3A_81 = tpu.vector_load %arg8[%swap3A_78, %swap3A_79, %swap3A_80] {strides = array<i32>} : memref<2x128x128xf32, #tpu.memory_space<vmem>>, vector<1x1x16xf32>,
      %swap3A_82 = vector.shape_cast %swap3A_81 : vector<1x1x16xf32> to vector<16xf32>
      %swap3A_83 = vector.shape_cast %broadcast_in_dim3A_76 : vector<16xf32> to vector<1x1x16xf32>
      tpu.vector_store %arg8[%swap3A_78, %swap3A_79, %swap3A_80], %swap3A_83 {strides = array<i32>} : memref<2x128x128xf32, #tpu.memory_space<vmem>>, vector<1x1x16xf32>,
      %broadcast_in_dim3A_84 = arith.constant 0.000000e+00 : f32
      %broadcast_in_dim3A_85 = vector.broadcast %broadcast_in_dim3A_84 : f32 to vector<16xf32>
      %swap3A_86 = arith.constant 1 : i32
      %swap3A_87 = arith.index_cast %swap3A_86 : i32 to index
      %swap3A_88 = arith.index_cast %scan3A_58 : i32 to index
      %swap3A_89 = arith.constant 48 : index
      %swap3A_90 = tpu.vector_load %arg8[%swap3A_87, %swap3A_88, %swap3A_89] {strides = array<i32>} : memref<2x128x128xf32, #tpu.memory_space<vmem>>, vector<1x1x16xf32>,
      %swap3A_91 = vector.shape_cast %swap3A_90 : vector<1x1x16xf32> to vector<16xf32>
      %swap3A_92 = vector.shape_cast %broadcast_in_dim3A_85 : vector<16xf32> to vector<1x1x16xf32>
      tpu.vector_store %arg8[%swap3A_87, %swap3A_88, %swap3A_89], %swap3A_92 {strides = array<i32>} : memref<2x128x128xf32, #tpu.memory_space<vmem>>, vector<1x1x16xf32>,
      %broadcast_in_dim3A_93 = arith.constant 0.000000e+00 : f32
      %broadcast_in_dim3A_94 = vector.broadcast %broadcast_in_dim3A_93 : f32 to vector<16xf32>
      %swap3A_95 = arith.constant 1 : i32
      %swap3A_96 = arith.index_cast %swap3A_95 : i32 to index
      %swap3A_97 = arith.index_cast %scan3A_58 : i32 to index
      %swap3A_98 = arith.constant 64 : index
      %swap3A_99 = tpu.vector_load %arg8[%swap3A_96, %swap3A_97, %swap3A_98] {strides = array<i32>} : memref<2x128x128xf32, #tpu.memory_space<vmem>>, vector<1x1x16xf32>,
      %swap3A_100 = vector.shape_cast %swap3A_99 : vector<1x1x16xf32> to vector<16xf32>
      %swap3A_101 = vector.shape_cast %broadcast_in_dim3A_94 : vector<16xf32> to vector<1x1x16xf32>
      tpu.vector_store %arg8[%swap3A_96, %swap3A_97, %swap3A_98], %swap3A_101 {strides = array<i32>} : memref<2x128x128xf32, #tpu.memory_space<vmem>>, vector<1x1x16xf32>,
      %broadcast_in_dim3A_102 = arith.constant 0.000000e+00 : f32
      %broadcast_in_dim3A_103 = vector.broadcast %broadcast_in_dim3A_102 : f32 to vector<16xf32>
      %swap3A_104 = arith.constant 1 : i32
      %swap3A_105 = arith.index_cast %swap3A_104 : i32 to index
      %swap3A_106 = arith.index_cast %scan3A_58 : i32 to index
      %swap3A_107 = arith.constant 80 : index
      %swap3A_108 = tpu.vector_load %arg8[%swap3A_105, %swap3A_106, %swap3A_107] {strides = array<i32>} : memref<2x128x128xf32, #tpu.memory_space<vmem>>, vector<1x1x16xf32>,
      %swap3A_109 = vector.shape_cast %swap3A_108 : vector<1x1x16xf32> to vector<16xf32>
      %swap3A_110 = vector.shape_cast %broadcast_in_dim3A_103 : vector<16xf32> to vector<1x1x16xf32>
      tpu.vector_store %arg8[%swap3A_105, %swap3A_106, %swap3A_107], %swap3A_110 {strides = array<i32>} : memref<2x128x128xf32, #tpu.memory_space<vmem>>, vector<1x1x16xf32>,
      %broadcast_in_dim3A_111 = arith.constant 0.000000e+00 : f32
      %broadcast_in_dim3A_112 = vector.broadcast %broadcast_in_dim3A_111 : f32 to vector<16xf32>
      %swap3A_113 = arith.constant 1 : i32
      %swap3A_114 = arith.index_cast %swap3A_113 : i32 to index
      %swap3A_115 = arith.index_cast %scan3A_58 : i32 to index
      %swap3A_116 = arith.constant 96 : index
      %swap3A_117 = tpu.vector_load %arg8[%swap3A_114, %swap3A_115, %swap3A_116] {strides = array<i32>} : memref<2x128x128xf32, #tpu.memory_space<vmem>>, vector<1x1x16xf32>,
      %swap3A_118 = vector.shape_cast %swap3A_117 : vector<1x1x16xf32> to vector<16xf32>
      %swap3A_119 = vector.shape_cast %broadcast_in_dim3A_112 : vector<16xf32> to vector<1x1x16xf32>
      tpu.vector_store %arg8[%swap3A_114, %swap3A_115, %swap3A_116], %swap3A_119 {strides = array<i32>} : memref<2x128x128xf32, #tpu.memory_space<vmem>>, vector<1x1x16xf32>,
      %broadcast_in_dim3A_120 = arith.constant 0.000000e+00 : f32
      %broadcast_in_dim3A_121 = vector.broadcast %broadcast_in_dim3A_120 : f32 to vector<16xf32>
      %swap3A_122 = arith.constant 1 : i32
      %swap3A_123 = arith.index_cast %swap3A_122 : i32 to index
      %swap3A_124 = arith.index_cast %scan3A_58 : i32 to index
      %swap3A_125 = arith.constant 112 : index
      %swap3A_126 = tpu.vector_load %arg8[%swap3A_123, %swap3A_124, %swap3A_125] {strides = array<i32>} : memref<2x128x128xf32, #tpu.memory_space<vmem>>, vector<1x1x16xf32>,
      %swap3A_127 = vector.shape_cast %swap3A_126 : vector<1x1x16xf32> to vector<16xf32>
      %swap3A_128 = vector.shape_cast %broadcast_in_dim3A_121 : vector<16xf32> to vector<1x1x16xf32>
      tpu.vector_store %arg8[%swap3A_123, %swap3A_124, %swap3A_125], %swap3A_128 {strides = array<i32>} : memref<2x128x128xf32, #tpu.memory_space<vmem>>, vector<1x1x16xf32>,
    }
    %scan3A_18 = arith.constant 128 : i32
    %scan3A_19 = arith.constant 0 : i32
    %scan3A_20 = arith.constant 0 : i32
    %scan3A_21 = arith.constant 5 : i32
    %scan3A_22 = arith.addi %scan3A_20, %scan3A_21 : i32
    %scan3A_23 = arith.constant 1 : i32
    scf.for %scan3A_58 = %scan3A_20 to %scan3A_22 step %scan3A_23  : i32 {
      %mul3A_59 = arith.constant 640 : i32
      %mul3A_60 = arith.muli %arg1, %mul3A_59 : i32
      %mul3A_61 = arith.constant 128 : i32
      %mul3A_62 = arith.muli %scan3A_58, %mul3A_61 : i32
      %add3A_63 = arith.addi %mul3A_60, %mul3A_62 : i32
      %run_scoped3A = arith.constant 1 : i32
      "tpu.region"() ({
        %run_scoped3A_64 = tpu.sem_alloc : memref<!tpu.dma_semaphore, #tpu.memory_space<semaphore_mem>>
        %dma_start3A_65 = arith.constant 0 : i32
        %dma_start3A_66 = arith.constant 0 : i32
        %dma_start3A_67 = tpu.memref_slice %arg8[%run_scoped3A, %dma_start3A_65, %dma_start3A_66] : memref<2x128x128xf32, #tpu.memory_space<vmem>> -> memref<1x128x128xf32, #tpu.memory_space<vmem>>
        %dma_start3A_68 = tpu.memref_squeeze %dma_start3A_67 : memref<1x128x128xf32, #tpu.memory_space<vmem>> -> memref<128x128xf32, #tpu.memory_space<vmem>>
        %dma_start3A_69 = arith.constant 0 : i32
        %dma_start3A_70 = tpu.memref_slice %arg9[%add3A_63, %dma_start3A_69] : memref<10240x128xf32, #tpu.memory_space<vmem_shared>> -> memref<128x128xf32, #tpu.memory_space<vmem_shared>>
        %dma_start3A_71 = arith.constant 0 : i32
        %dma_start3A_72 = tpu.memref_slice %arg9[%add3A_63, %dma_start3A_71] : memref<10240x128xf32, #tpu.memory_space<vmem_shared>> -> memref<128x128xf32, #tpu.memory_space<vmem_shared>>
        %dma_start3A_73 = arith.constant 0 : i32
        %dma_start3A_74 = arith.constant 0 : i32
        %dma_start3A_75 = tpu.memref_slice %arg8[%run_scoped3A, %dma_start3A_73, %dma_start3A_74] : memref<2x128x128xf32, #tpu.memory_space<vmem>> -> memref<1x128x128xf32, #tpu.memory_space<vmem>>
        %dma_start3A_76 = tpu.memref_squeeze %dma_start3A_75 : memref<1x128x128xf32, #tpu.memory_space<vmem>> -> memref<128x128xf32, #tpu.memory_space<vmem>>
        tpu.enqueue_dma source(%dma_start3A_76 : memref<128x128xf32, #tpu.memory_space<vmem>>) target(%dma_start3A_72 : memref<128x128xf32, #tpu.memory_space<vmem_shared>>) target_semaphore(%run_scoped3A_64 : memref<!tpu.dma_semaphore, #tpu.memory_space<semaphore_mem>>)
        %dma_wait3A = arith.constant 0 : i32
        %dma_wait3A_77 = arith.constant 0 : i32
        %dma_wait3A_78 = tpu.memref_slice %arg8[%run_scoped3A, %dma_wait3A, %dma_wait3A_77] : memref<2x128x128xf32, #tpu.memory_space<vmem>> -> memref<1x128x128xf32, #tpu.memory_space<vmem>>
        %dma_wait3A_79 = tpu.memref_squeeze %dma_wait3A_78 : memref<1x128x128xf32, #tpu.memory_space<vmem>> -> memref<128x128xf32, #tpu.memory_space<vmem>>
        %dma_wait3A_80 = arith.constant 0 : i32
        %dma_wait3A_81 = tpu.memref_slice %arg9[%add3A_63, %dma_wait3A_80] : memref<10240x128xf32, #tpu.memory_space<vmem_shared>> -> memref<128x128xf32, #tpu.memory_space<vmem_shared>>
        %dma_wait3A_82 = arith.constant 0 : i32
        %dma_wait3A_83 = tpu.memref_slice %arg9[%add3A_63, %dma_wait3A_82] : memref<10240x128xf32, #tpu.memory_space<vmem_shared>> -> memref<128x128xf32, #tpu.memory_space<vmem_shared>>
        %dma_wait3A_84 = arith.constant 0 : i32
        %dma_wait3A_85 = arith.constant 0 : i32
        %dma_wait3A_86 = tpu.memref_slice %arg8[%run_scoped3A, %dma_wait3A_84, %dma_wait3A_85] : memref<2x128x128xf32, #tpu.memory_space<vmem>> -> memref<1x128x128xf32, #tpu.memory_space<vmem>>
        %dma_wait3A_87 = tpu.memref_squeeze %dma_wait3A_86 : memref<1x128x128xf32, #tpu.memory_space<vmem>> -> memref<128x128xf32, #tpu.memory_space<vmem>>
        tpu.wait_dma2 semaphore(%run_scoped3A_64 : memref<!tpu.dma_semaphore, #tpu.memory_space<semaphore_mem>>) src(%dma_wait3A_87 : memref<128x128xf32, #tpu.memory_space<vmem>>) dst(%dma_wait3A_83 : memref<128x128xf32, #tpu.memory_space<vmem_shared>>)
        tpu.yield
      }) : () -> ()
    }
    %scan3A_24 = arith.constant 5 : i32
    %barrier3A = arith.constant 0 : index
    tpu.barrier barrier_id(%barrier3A)
    %scan3A_25 = arith.constant 0 : i32
    %scan3A_26 = arith.constant 0 : i32
    %scan3A_27 = arith.constant 20 : i32
    %scan3A_28 = arith.addi %scan3A_26, %scan3A_27 : i32
    %scan3A_29 = arith.constant 1 : i32
    scf.for %scan3A_58 = %scan3A_26 to %scan3A_28 step %scan3A_29  : i32 {
      %mul3A_59 = arith.constant 2 : i32
      %mul3A_60 = arith.muli %scan3A_58, %mul3A_59 : i32
      %add3A_61 = arith.constant 1 : i32
      %add3A_62 = arith.addi %mul3A_60, %add3A_61 : i32
      %dma_start3A_63 = arith.constant 1 : i32
      %dma_start3A_64 = arith.constant 0 : i32
      %dma_start3A_65 = arith.constant 0 : i32
      %dma_start3A_66 = tpu.memref_slice %arg8[%dma_start3A_63, %dma_start3A_64, %dma_start3A_65] : memref<2x128x128xf32, #tpu.memory_space<vmem>> -> memref<1x128x128xf32, #tpu.memory_space<vmem>>
      %dma_start3A_67 = tpu.memref_squeeze %dma_start3A_66 : memref<1x128x128xf32, #tpu.memory_space<vmem>> -> memref<128x128xf32, #tpu.memory_space<vmem>>
      %dma_start3A_68 = arith.constant 0 : i32
      %dma_start3A_69 = tpu.memref_slice %arg6[%add3A_62, %dma_start3A_68] : memref<40x128xi32, #tpu.memory_space<vmem>> -> memref<1x128xi32, #tpu.memory_space<vmem>>
      %dma_start3A_70 = tpu.memref_squeeze %dma_start3A_69 : memref<1x128xi32, #tpu.memory_space<vmem>> -> memref<128xi32, #tpu.memory_space<vmem>>
      %dma_start3A_71 = arith.constant 0 : i32
      %dma_start3A_72 = arith.constant 0 : i32
      %dma_start3A_73 = tpu.memref_slice %arg2[%dma_start3A_71, %dma_start3A_72] : memref<10240x128xf32, #tpu.memory_space<hbm>> -> memref<10240x128xf32, #tpu.memory_space<hbm>>
      tpu.enqueue_indirect_dma source(%dma_start3A_73 : memref<10240x128xf32, #tpu.memory_space<hbm>>) target(%dma_start3A_67 : memref<128x128xf32, #tpu.memory_space<vmem>>) offsets(%dma_start3A_70 : memref<128xi32, #tpu.memory_space<vmem>>) semaphore(%arg11 : memref<!tpu.dma_semaphore, #tpu.memory_space<semaphore_mem>>)
      %dma_wait3A = arith.constant 0 : i32
      %dma_wait3A_74 = arith.constant 0 : i32
      %dma_wait3A_75 = arith.constant 0 : i32
      %dma_wait3A_76 = tpu.memref_slice %arg8[%dma_wait3A, %dma_wait3A_74, %dma_wait3A_75] : memref<2x128x128xf32, #tpu.memory_space<vmem>> -> memref<1x128x128xf32, #tpu.memory_space<vmem>>
      %dma_wait3A_77 = tpu.memref_squeeze %dma_wait3A_76 : memref<1x128x128xf32, #tpu.memory_space<vmem>> -> memref<128x128xf32, #tpu.memory_space<vmem>>
      %dma_wait3A_78 = arith.constant 0 : i32
      %dma_wait3A_79 = tpu.memref_slice %arg6[%mul3A_60, %dma_wait3A_78] : memref<40x128xi32, #tpu.memory_space<vmem>> -> memref<1x128xi32, #tpu.memory_space<vmem>>
      %dma_wait3A_80 = tpu.memref_squeeze %dma_wait3A_79 : memref<1x128xi32, #tpu.memory_space<vmem>> -> memref<128xi32, #tpu.memory_space<vmem>>
      %dma_wait3A_81 = arith.constant 0 : i32
      %dma_wait3A_82 = arith.constant 0 : i32
      %dma_wait3A_83 = tpu.memref_slice %arg2[%dma_wait3A_81, %dma_wait3A_82] : memref<10240x128xf32, #tpu.memory_space<hbm>> -> memref<10240x128xf32, #tpu.memory_space<hbm>>
      tpu.wait_indirect_dma semaphore(%arg10 : memref<!tpu.dma_semaphore, #tpu.memory_space<semaphore_mem>>) src(%dma_wait3A_83 : memref<10240x128xf32, #tpu.memory_space<hbm>>) dst(%dma_wait3A_77 : memref<128x128xf32, #tpu.memory_space<vmem>>)
      %run_scoped3A = arith.constant 0 : i32
      "tpu.region"() ({
        %run_scoped3A_102 = tpu.sem_alloc : memref<!tpu.dma_semaphore, #tpu.memory_space<semaphore_mem>>
        %dma_start3A_103 = arith.constant 0 : i32
        %dma_start3A_104 = arith.constant 0 : i32
        %dma_start3A_105 = tpu.memref_slice %arg8[%run_scoped3A, %dma_start3A_103, %dma_start3A_104] : memref<2x128x128xf32, #tpu.memory_space<vmem>> -> memref<1x128x128xf32, #tpu.memory_space<vmem>>
        %dma_start3A_106 = tpu.memref_squeeze %dma_start3A_105 : memref<1x128x128xf32, #tpu.memory_space<vmem>> -> memref<128x128xf32, #tpu.memory_space<vmem>>
        %dma_start3A_107 = arith.constant 0 : i32
        %dma_start3A_108 = tpu.memref_slice %arg7[%mul3A_60, %dma_start3A_107] : memref<40x128xi32, #tpu.memory_space<vmem>> -> memref<1x128xi32, #tpu.memory_space<vmem>>
        %dma_start3A_109 = tpu.memref_squeeze %dma_start3A_108 : memref<1x128xi32, #tpu.memory_space<vmem>> -> memref<128xi32, #tpu.memory_space<vmem>>
        %dma_start3A_110 = arith.constant 0 : i32
        %dma_start3A_111 = arith.constant 0 : i32
        %dma_start3A_112 = tpu.memref_slice %arg9[%dma_start3A_110, %dma_start3A_111] : memref<10240x128xf32, #tpu.memory_space<vmem_shared>> -> memref<10240x128xf32, #tpu.memory_space<vmem_shared>>
        tpu.enqueue_indirect_dma source(%dma_start3A_106 : memref<128x128xf32, #tpu.memory_space<vmem>>) target(%dma_start3A_112 : memref<10240x128xf32, #tpu.memory_space<vmem_shared>>) offsets(%dma_start3A_109 : memref<128xi32, #tpu.memory_space<vmem>>) semaphore(%run_scoped3A_102 : memref<!tpu.dma_semaphore, #tpu.memory_space<semaphore_mem>>) {add = true}
        %dma_wait3A_113 = arith.constant 0 : i32
        %dma_wait3A_114 = arith.constant 0 : i32
        %dma_wait3A_115 = tpu.memref_slice %arg8[%run_scoped3A, %dma_wait3A_113, %dma_wait3A_114] : memref<2x128x128xf32, #tpu.memory_space<vmem>> -> memref<1x128x128xf32, #tpu.memory_space<vmem>>
        %dma_wait3A_116 = tpu.memref_squeeze %dma_wait3A_115 : memref<1x128x128xf32, #tpu.memory_space<vmem>> -> memref<128x128xf32, #tpu.memory_space<vmem>>
        %dma_wait3A_117 = arith.constant 0 : i32
        %dma_wait3A_118 = tpu.memref_slice %arg7[%mul3A_60, %dma_wait3A_117] : memref<40x128xi32, #tpu.memory_space<vmem>> -> memref<1x128xi32, #tpu.memory_space<vmem>>
        %dma_wait3A_119 = tpu.memref_squeeze %dma_wait3A_118 : memref<1x128xi32, #tpu.memory_space<vmem>> -> memref<128xi32, #tpu.memory_space<vmem>>
        %dma_wait3A_120 = arith.constant 0 : i32
        %dma_wait3A_121 = arith.constant 0 : i32
        %dma_wait3A_122 = tpu.memref_slice %arg9[%dma_wait3A_120, %dma_wait3A_121] : memref<10240x128xf32, #tpu.memory_space<vmem_shared>> -> memref<10240x128xf32, #tpu.memory_space<vmem_shared>>
        tpu.wait_indirect_dma semaphore(%run_scoped3A_102 : memref<!tpu.dma_semaphore, #tpu.memory_space<semaphore_mem>>) src(%dma_wait3A_116 : memref<128x128xf32, #tpu.memory_space<vmem>>) dst(%dma_wait3A_122 : memref<10240x128xf32, #tpu.memory_space<vmem_shared>>)
        tpu.yield
      }) : () -> ()
      %lt3A = arith.constant 19 : i32
      %lt3A_84 = arith.cmpi slt, %scan3A_58, %lt3A : i32
      %convert_element_type3A = arith.extui %lt3A_84 : i1 to i32
      %cond3A = arith.constant 0 : i32
      %cond3A_85 = arith.cmpi ne, %convert_element_type3A, %cond3A : i32
      scf.if %cond3A_85 {
        %add3A_102 = arith.constant 2 : i32
        %add3A_103 = arith.addi %mul3A_60, %add3A_102 : i32
        %dma_start3A_104 = arith.constant 0 : i32
        %dma_start3A_105 = arith.constant 0 : i32
        %dma_start3A_106 = arith.constant 0 : i32
        %dma_start3A_107 = tpu.memref_slice %arg8[%dma_start3A_104, %dma_start3A_105, %dma_start3A_106] : memref<2x128x128xf32, #tpu.memory_space<vmem>> -> memref<1x128x128xf32, #tpu.memory_space<vmem>>
        %dma_start3A_108 = tpu.memref_squeeze %dma_start3A_107 : memref<1x128x128xf32, #tpu.memory_space<vmem>> -> memref<128x128xf32, #tpu.memory_space<vmem>>
        %dma_start3A_109 = arith.constant 0 : i32
        %dma_start3A_110 = tpu.memref_slice %arg6[%add3A_103, %dma_start3A_109] : memref<40x128xi32, #tpu.memory_space<vmem>> -> memref<1x128xi32, #tpu.memory_space<vmem>>
        %dma_start3A_111 = tpu.memref_squeeze %dma_start3A_110 : memref<1x128xi32, #tpu.memory_space<vmem>> -> memref<128xi32, #tpu.memory_space<vmem>>
        %dma_start3A_112 = arith.constant 0 : i32
        %dma_start3A_113 = arith.constant 0 : i32
        %dma_start3A_114 = tpu.memref_slice %arg2[%dma_start3A_112, %dma_start3A_113] : memref<10240x128xf32, #tpu.memory_space<hbm>> -> memref<10240x128xf32, #tpu.memory_space<hbm>>
        tpu.enqueue_indirect_dma source(%dma_start3A_114 : memref<10240x128xf32, #tpu.memory_space<hbm>>) target(%dma_start3A_108 : memref<128x128xf32, #tpu.memory_space<vmem>>) offsets(%dma_start3A_111 : memref<128xi32, #tpu.memory_space<vmem>>) semaphore(%arg10 : memref<!tpu.dma_semaphore, #tpu.memory_space<semaphore_mem>>)
      } else {
      }
      %add3A_86 = arith.constant 1 : i32
      %add3A_87 = arith.addi %mul3A_60, %add3A_86 : i32
      %dma_wait3A_88 = arith.constant 1 : i32
      %dma_wait3A_89 = arith.constant 0 : i32
      %dma_wait3A_90 = arith.constant 0 : i32
      %dma_wait3A_91 = tpu.memref_slice %arg8[%dma_wait3A_88, %dma_wait3A_89, %dma_wait3A_90] : memref<2x128x128xf32, #tpu.memory_space<vmem>> -> memref<1x128x128xf32, #tpu.memory_space<vmem>>
      %dma_wait3A_92 = tpu.memref_squeeze %dma_wait3A_91 : memref<1x128x128xf32, #tpu.memory_space<vmem>> -> memref<128x128xf32, #tpu.memory_space<vmem>>
      %dma_wait3A_93 = arith.constant 0 : i32
      %dma_wait3A_94 = tpu.memref_slice %arg6[%add3A_87, %dma_wait3A_93] : memref<40x128xi32, #tpu.memory_space<vmem>> -> memref<1x128xi32, #tpu.memory_space<vmem>>
      %dma_wait3A_95 = tpu.memref_squeeze %dma_wait3A_94 : memref<1x128xi32, #tpu.memory_space<vmem>> -> memref<128xi32, #tpu.memory_space<vmem>>
      %dma_wait3A_96 = arith.constant 0 : i32
      %dma_wait3A_97 = arith.constant 0 : i32
      %dma_wait3A_98 = tpu.memref_slice %arg2[%dma_wait3A_96, %dma_wait3A_97] : memref<10240x128xf32, #tpu.memory_space<hbm>> -> memref<10240x128xf32, #tpu.memory_space<hbm>>
      tpu.wait_indirect_dma semaphore(%arg11 : memref<!tpu.dma_semaphore, #tpu.memory_space<semaphore_mem>>) src(%dma_wait3A_98 : memref<10240x128xf32, #tpu.memory_space<hbm>>) dst(%dma_wait3A_92 : memref<128x128xf32, #tpu.memory_space<vmem>>)
      %add3A_99 = arith.constant 1 : i32
      %add3A_100 = arith.addi %mul3A_60, %add3A_99 : i32
      %run_scoped3A_101 = arith.constant 1 : i32
      "tpu.region"() ({
        %run_scoped3A_102 = tpu.sem_alloc : memref<!tpu.dma_semaphore, #tpu.memory_space<semaphore_mem>>
        %dma_start3A_103 = arith.constant 0 : i32
        %dma_start3A_104 = arith.constant 0 : i32
        %dma_start3A_105 = tpu.memref_slice %arg8[%run_scoped3A_101, %dma_start3A_103, %dma_start3A_104] : memref<2x128x128xf32, #tpu.memory_space<vmem>> -> memref<1x128x128xf32, #tpu.memory_space<vmem>>
        %dma_start3A_106 = tpu.memref_squeeze %dma_start3A_105 : memref<1x128x128xf32, #tpu.memory_space<vmem>> -> memref<128x128xf32, #tpu.memory_space<vmem>>
        %dma_start3A_107 = arith.constant 0 : i32
        %dma_start3A_108 = tpu.memref_slice %arg7[%add3A_100, %dma_start3A_107] : memref<40x128xi32, #tpu.memory_space<vmem>> -> memref<1x128xi32, #tpu.memory_space<vmem>>
        %dma_start3A_109 = tpu.memref_squeeze %dma_start3A_108 : memref<1x128xi32, #tpu.memory_space<vmem>> -> memref<128xi32, #tpu.memory_space<vmem>>
        %dma_start3A_110 = arith.constant 0 : i32
        %dma_start3A_111 = arith.constant 0 : i32
        %dma_start3A_112 = tpu.memref_slice %arg9[%dma_start3A_110, %dma_start3A_111] : memref<10240x128xf32, #tpu.memory_space<vmem_shared>> -> memref<10240x128xf32, #tpu.memory_space<vmem_shared>>
        tpu.enqueue_indirect_dma source(%dma_start3A_106 : memref<128x128xf32, #tpu.memory_space<vmem>>) target(%dma_start3A_112 : memref<10240x128xf32, #tpu.memory_space<vmem_shared>>) offsets(%dma_start3A_109 : memref<128xi32, #tpu.memory_space<vmem>>) semaphore(%run_scoped3A_102 : memref<!tpu.dma_semaphore, #tpu.memory_space<semaphore_mem>>) {add = true}
        %dma_wait3A_113 = arith.constant 0 : i32
        %dma_wait3A_114 = arith.constant 0 : i32
        %dma_wait3A_115 = tpu.memref_slice %arg8[%run_scoped3A_101, %dma_wait3A_113, %dma_wait3A_114] : memref<2x128x128xf32, #tpu.memory_space<vmem>> -> memref<1x128x128xf32, #tpu.memory_space<vmem>>
        %dma_wait3A_116 = tpu.memref_squeeze %dma_wait3A_115 : memref<1x128x128xf32, #tpu.memory_space<vmem>> -> memref<128x128xf32, #tpu.memory_space<vmem>>
        %dma_wait3A_117 = arith.constant 0 : i32
        %dma_wait3A_118 = tpu.memref_slice %arg7[%add3A_100, %dma_wait3A_117] : memref<40x128xi32, #tpu.memory_space<vmem>> -> memref<1x128xi32, #tpu.memory_space<vmem>>
        %dma_wait3A_119 = tpu.memref_squeeze %dma_wait3A_118 : memref<1x128xi32, #tpu.memory_space<vmem>> -> memref<128xi32, #tpu.memory_space<vmem>>
        %dma_wait3A_120 = arith.constant 0 : i32
        %dma_wait3A_121 = arith.constant 0 : i32
        %dma_wait3A_122 = tpu.memref_slice %arg9[%dma_wait3A_120, %dma_wait3A_121] : memref<10240x128xf32, #tpu.memory_space<vmem_shared>> -> memref<10240x128xf32, #tpu.memory_space<vmem_shared>>
        tpu.wait_indirect_dma semaphore(%run_scoped3A_102 : memref<!tpu.dma_semaphore, #tpu.memory_space<semaphore_mem>>) src(%dma_wait3A_116 : memref<128x128xf32, #tpu.memory_space<vmem>>) dst(%dma_wait3A_122 : memref<10240x128xf32, #tpu.memory_space<vmem_shared>>)
        tpu.yield
      }) : () -> ()
    }
    %scan3A_30 = arith.constant 20 : i32
    %add3A_31 = arith.constant 40 : i32
    %add3A_32 = arith.addi %mul3A_2, %add3A_31 : i32
    "tpu.region"() ({
      %run_scoped3A = tpu.sem_alloc : memref<!tpu.dma_semaphore, #tpu.memory_space<semaphore_mem>>
      %dma_start3A_58 = arith.constant 0 : i32
      %dma_start3A_59 = tpu.memref_slice %arg3[%add3A_32, %dma_start3A_58] : memref<2560x128xi32, #tpu.memory_space<hbm>> -> memref<40x128xi32, #tpu.memory_space<hbm>>
      %dma_start3A_60 = arith.constant 0 : i32
      %dma_start3A_61 = tpu.memref_slice %arg3[%add3A_32, %dma_start3A_60] : memref<2560x128xi32, #tpu.memory_space<hbm>> -> memref<40x128xi32, #tpu.memory_space<hbm>>
      tpu.enqueue_dma source(%dma_start3A_61 : memref<40x128xi32, #tpu.memory_space<hbm>>) target(%arg6 : memref<40x128xi32, #tpu.memory_space<vmem>>) target_semaphore(%run_scoped3A : memref<!tpu.dma_semaphore, #tpu.memory_space<semaphore_mem>>)
      %dma_wait3A = arith.constant 0 : i32
      %dma_wait3A_62 = tpu.memref_slice %arg3[%add3A_32, %dma_wait3A] : memref<2560x128xi32, #tpu.memory_space<hbm>> -> memref<40x128xi32, #tpu.memory_space<hbm>>
      %dma_wait3A_63 = arith.constant 0 : i32
      %dma_wait3A_64 = tpu.memref_slice %arg3[%add3A_32, %dma_wait3A_63] : memref<2560x128xi32, #tpu.memory_space<hbm>> -> memref<40x128xi32, #tpu.memory_space<hbm>>
      tpu.wait_dma2 semaphore(%run_scoped3A : memref<!tpu.dma_semaphore, #tpu.memory_space<semaphore_mem>>) src(%dma_wait3A_64 : memref<40x128xi32, #tpu.memory_space<hbm>>) dst(%arg6 : memref<40x128xi32, #tpu.memory_space<vmem>>)
      tpu.yield
    }) : () -> ()
    %add3A_33 = arith.constant 40 : i32
    %add3A_34 = arith.addi %mul3A_2, %add3A_33 : i32
    "tpu.region"() ({
      %run_scoped3A = tpu.sem_alloc : memref<!tpu.dma_semaphore, #tpu.memory_space<semaphore_mem>>
      %dma_start3A_58 = arith.constant 0 : i32
      %dma_start3A_59 = tpu.memref_slice %arg4[%add3A_34, %dma_start3A_58] : memref<2560x128xi32, #tpu.memory_space<hbm>> -> memref<40x128xi32, #tpu.memory_space<hbm>>
      %dma_start3A_60 = arith.constant 0 : i32
      %dma_start3A_61 = tpu.memref_slice %arg4[%add3A_34, %dma_start3A_60] : memref<2560x128xi32, #tpu.memory_space<hbm>> -> memref<40x128xi32, #tpu.memory_space<hbm>>
      tpu.enqueue_dma source(%dma_start3A_61 : memref<40x128xi32, #tpu.memory_space<hbm>>) target(%arg7 : memref<40x128xi32, #tpu.memory_space<vmem>>) target_semaphore(%run_scoped3A : memref<!tpu.dma_semaphore, #tpu.memory_space<semaphore_mem>>)
      %dma_wait3A = arith.constant 0 : i32
      %dma_wait3A_62 = tpu.memref_slice %arg4[%add3A_34, %dma_wait3A] : memref<2560x128xi32, #tpu.memory_space<hbm>> -> memref<40x128xi32, #tpu.memory_space<hbm>>
      %dma_wait3A_63 = arith.constant 0 : i32
      %dma_wait3A_64 = tpu.memref_slice %arg4[%add3A_34, %dma_wait3A_63] : memref<2560x128xi32, #tpu.memory_space<hbm>> -> memref<40x128xi32, #tpu.memory_space<hbm>>
      tpu.wait_dma2 semaphore(%run_scoped3A : memref<!tpu.dma_semaphore, #tpu.memory_space<semaphore_mem>>) src(%dma_wait3A_64 : memref<40x128xi32, #tpu.memory_space<hbm>>) dst(%arg7 : memref<40x128xi32, #tpu.memory_space<vmem>>)
      tpu.yield
    }) : () -> ()
    %dma_start3A_35 = arith.constant 0 : i32
    %dma_start3A_36 = arith.constant 0 : i32
    %dma_start3A_37 = arith.constant 0 : i32
    %dma_start3A_38 = arith.constant 0 : i32
    %dma_start3A_39 = tpu.memref_slice %arg8[%dma_start3A_36, %dma_start3A_37, %dma_start3A_38] : memref<2x128x128xf32, #tpu.memory_space<vmem>> -> memref<1x128x128xf32, #tpu.memory_space<vmem>>
    %dma_start3A_40 = tpu.memref_squeeze %dma_start3A_39 : memref<1x128x128xf32, #tpu.memory_space<vmem>> -> memref<128x128xf32, #tpu.memory_space<vmem>>
    %dma_start3A_41 = arith.constant 0 : i32
    %dma_start3A_42 = tpu.memref_slice %arg6[%dma_start3A_35, %dma_start3A_41] : memref<40x128xi32, #tpu.memory_space<vmem>> -> memref<1x128xi32, #tpu.memory_space<vmem>>
    %dma_start3A_43 = tpu.memref_squeeze %dma_start3A_42 : memref<1x128xi32, #tpu.memory_space<vmem>> -> memref<128xi32, #tpu.memory_space<vmem>>
    %dma_start3A_44 = arith.constant 0 : i32
    %dma_start3A_45 = arith.constant 0 : i32
    %dma_start3A_46 = tpu.memref_slice %arg2[%dma_start3A_44, %dma_start3A_45] : memref<10240x128xf32, #tpu.memory_space<hbm>> -> memref<10240x128xf32, #tpu.memory_space<hbm>>
    tpu.enqueue_indirect_dma source(%dma_start3A_46 : memref<10240x128xf32, #tpu.memory_space<hbm>>) target(%dma_start3A_40 : memref<128x128xf32, #tpu.memory_space<vmem>>) offsets(%dma_start3A_43 : memref<128xi32, #tpu.memory_space<vmem>>) semaphore(%arg10 : memref<!tpu.dma_semaphore, #tpu.memory_space<semaphore_mem>>)
    %scan3A_47 = arith.constant 0 : i32
    %scan3A_48 = arith.constant 0 : i32
    %scan3A_49 = arith.constant 20 : i32
    %scan3A_50 = arith.addi %scan3A_48, %scan3A_49 : i32
    %scan3A_51 = arith.constant 1 : i32
    scf.for %scan3A_58 = %scan3A_48 to %scan3A_50 step %scan3A_51  : i32 {
      %mul3A_59 = arith.constant 2 : i32
      %mul3A_60 = arith.muli %scan3A_58, %mul3A_59 : i32
      %add3A_61 = arith.constant 1 : i32
      %add3A_62 = arith.addi %mul3A_60, %add3A_61 : i32
      %dma_start3A_63 = arith.constant 1 : i32
      %dma_start3A_64 = arith.constant 0 : i32
      %dma_start3A_65 = arith.constant 0 : i32
      %dma_start3A_66 = tpu.memref_slice %arg8[%dma_start3A_63, %dma_start3A_64, %dma_start3A_65] : memref<2x128x128xf32, #tpu.memory_space<vmem>> -> memref<1x128x128xf32, #tpu.memory_space<vmem>>
      %dma_start3A_67 = tpu.memref_squeeze %dma_start3A_66 : memref<1x128x128xf32, #tpu.memory_space<vmem>> -> memref<128x128xf32, #tpu.memory_space<vmem>>
      %dma_start3A_68 = arith.constant 0 : i32
      %dma_start3A_69 = tpu.memref_slice %arg6[%add3A_62, %dma_start3A_68] : memref<40x128xi32, #tpu.memory_space<vmem>> -> memref<1x128xi32, #tpu.memory_space<vmem>>
      %dma_start3A_70 = tpu.memref_squeeze %dma_start3A_69 : memref<1x128xi32, #tpu.memory_space<vmem>> -> memref<128xi32, #tpu.memory_space<vmem>>
      %dma_start3A_71 = arith.constant 0 : i32
      %dma_start3A_72 = arith.constant 0 : i32
      %dma_start3A_73 = tpu.memref_slice %arg2[%dma_start3A_71, %dma_start3A_72] : memref<10240x128xf32, #tpu.memory_space<hbm>> -> memref<10240x128xf32, #tpu.memory_space<hbm>>
      tpu.enqueue_indirect_dma source(%dma_start3A_73 : memref<10240x128xf32, #tpu.memory_space<hbm>>) target(%dma_start3A_67 : memref<128x128xf32, #tpu.memory_space<vmem>>) offsets(%dma_start3A_70 : memref<128xi32, #tpu.memory_space<vmem>>) semaphore(%arg11 : memref<!tpu.dma_semaphore, #tpu.memory_space<semaphore_mem>>)
      %dma_wait3A = arith.constant 0 : i32
      %dma_wait3A_74 = arith.constant 0 : i32
      %dma_wait3A_75 = arith.constant 0 : i32
      %dma_wait3A_76 = tpu.memref_slice %arg8[%dma_wait3A, %dma_wait3A_74, %dma_wait3A_75] : memref<2x128x128xf32, #tpu.memory_space<vmem>> -> memref<1x128x128xf32, #tpu.memory_space<vmem>>
      %dma_wait3A_77 = tpu.memref_squeeze %dma_wait3A_76 : memref<1x128x128xf32, #tpu.memory_space<vmem>> -> memref<128x128xf32, #tpu.memory_space<vmem>>
      %dma_wait3A_78 = arith.constant 0 : i32
      %dma_wait3A_79 = tpu.memref_slice %arg6[%mul3A_60, %dma_wait3A_78] : memref<40x128xi32, #tpu.memory_space<vmem>> -> memref<1x128xi32, #tpu.memory_space<vmem>>
      %dma_wait3A_80 = tpu.memref_squeeze %dma_wait3A_79 : memref<1x128xi32, #tpu.memory_space<vmem>> -> memref<128xi32, #tpu.memory_space<vmem>>
      %dma_wait3A_81 = arith.constant 0 : i32
      %dma_wait3A_82 = arith.constant 0 : i32
      %dma_wait3A_83 = tpu.memref_slice %arg2[%dma_wait3A_81, %dma_wait3A_82] : memref<10240x128xf32, #tpu.memory_space<hbm>> -> memref<10240x128xf32, #tpu.memory_space<hbm>>
      tpu.wait_indirect_dma semaphore(%arg10 : memref<!tpu.dma_semaphore, #tpu.memory_space<semaphore_mem>>) src(%dma_wait3A_83 : memref<10240x128xf32, #tpu.memory_space<hbm>>) dst(%dma_wait3A_77 : memref<128x128xf32, #tpu.memory_space<vmem>>)
      %run_scoped3A = arith.constant 0 : i32
      "tpu.region"() ({
        %run_scoped3A_102 = tpu.sem_alloc : memref<!tpu.dma_semaphore, #tpu.memory_space<semaphore_mem>>
        %dma_start3A_103 = arith.constant 0 : i32
        %dma_start3A_104 = arith.constant 0 : i32
        %dma_start3A_105 = tpu.memref_slice %arg8[%run_scoped3A, %dma_start3A_103, %dma_start3A_104] : memref<2x128x128xf32, #tpu.memory_space<vmem>> -> memref<1x128x128xf32, #tpu.memory_space<vmem>>
        %dma_start3A_106 = tpu.memref_squeeze %dma_start3A_105 : memref<1x128x128xf32, #tpu.memory_space<vmem>> -> memref<128x128xf32, #tpu.memory_space<vmem>>
        %dma_start3A_107 = arith.constant 0 : i32
        %dma_start3A_108 = tpu.memref_slice %arg7[%mul3A_60, %dma_start3A_107] : memref<40x128xi32, #tpu.memory_space<vmem>> -> memref<1x128xi32, #tpu.memory_space<vmem>>
        %dma_start3A_109 = tpu.memref_squeeze %dma_start3A_108 : memref<1x128xi32, #tpu.memory_space<vmem>> -> memref<128xi32, #tpu.memory_space<vmem>>
        %dma_start3A_110 = arith.constant 0 : i32
        %dma_start3A_111 = arith.constant 0 : i32
        %dma_start3A_112 = tpu.memref_slice %arg9[%dma_start3A_110, %dma_start3A_111] : memref<10240x128xf32, #tpu.memory_space<vmem_shared>> -> memref<10240x128xf32, #tpu.memory_space<vmem_shared>>
        tpu.enqueue_indirect_dma source(%dma_start3A_106 : memref<128x128xf32, #tpu.memory_space<vmem>>) target(%dma_start3A_112 : memref<10240x128xf32, #tpu.memory_space<vmem_shared>>) offsets(%dma_start3A_109 : memref<128xi32, #tpu.memory_space<vmem>>) semaphore(%run_scoped3A_102 : memref<!tpu.dma_semaphore, #tpu.memory_space<semaphore_mem>>) {add = true}
        %dma_wait3A_113 = arith.constant 0 : i32
        %dma_wait3A_114 = arith.constant 0 : i32
        %dma_wait3A_115 = tpu.memref_slice %arg8[%run_scoped3A, %dma_wait3A_113, %dma_wait3A_114] : memref<2x128x128xf32, #tpu.memory_space<vmem>> -> memref<1x128x128xf32, #tpu.memory_space<vmem>>
        %dma_wait3A_116 = tpu.memref_squeeze %dma_wait3A_115 : memref<1x128x128xf32, #tpu.memory_space<vmem>> -> memref<128x128xf32, #tpu.memory_space<vmem>>
        %dma_wait3A_117 = arith.constant 0 : i32
        %dma_wait3A_118 = tpu.memref_slice %arg7[%mul3A_60, %dma_wait3A_117] : memref<40x128xi32, #tpu.memory_space<vmem>> -> memref<1x128xi32, #tpu.memory_space<vmem>>
        %dma_wait3A_119 = tpu.memref_squeeze %dma_wait3A_118 : memref<1x128xi32, #tpu.memory_space<vmem>> -> memref<128xi32, #tpu.memory_space<vmem>>
        %dma_wait3A_120 = arith.constant 0 : i32
        %dma_wait3A_121 = arith.constant 0 : i32
        %dma_wait3A_122 = tpu.memref_slice %arg9[%dma_wait3A_120, %dma_wait3A_121] : memref<10240x128xf32, #tpu.memory_space<vmem_shared>> -> memref<10240x128xf32, #tpu.memory_space<vmem_shared>>
        tpu.wait_indirect_dma semaphore(%run_scoped3A_102 : memref<!tpu.dma_semaphore, #tpu.memory_space<semaphore_mem>>) src(%dma_wait3A_116 : memref<128x128xf32, #tpu.memory_space<vmem>>) dst(%dma_wait3A_122 : memref<10240x128xf32, #tpu.memory_space<vmem_shared>>)
        tpu.yield
      }) : () -> ()
      %lt3A = arith.constant 19 : i32
      %lt3A_84 = arith.cmpi slt, %scan3A_58, %lt3A : i32
      %convert_element_type3A = arith.extui %lt3A_84 : i1 to i32
      %cond3A = arith.constant 0 : i32
      %cond3A_85 = arith.cmpi ne, %convert_element_type3A, %cond3A : i32
      scf.if %cond3A_85 {
        %add3A_102 = arith.constant 2 : i32
        %add3A_103 = arith.addi %mul3A_60, %add3A_102 : i32
        %dma_start3A_104 = arith.constant 0 : i32
        %dma_start3A_105 = arith.constant 0 : i32
        %dma_start3A_106 = arith.constant 0 : i32
        %dma_start3A_107 = tpu.memref_slice %arg8[%dma_start3A_104, %dma_start3A_105, %dma_start3A_106] : memref<2x128x128xf32, #tpu.memory_space<vmem>> -> memref<1x128x128xf32, #tpu.memory_space<vmem>>
        %dma_start3A_108 = tpu.memref_squeeze %dma_start3A_107 : memref<1x128x128xf32, #tpu.memory_space<vmem>> -> memref<128x128xf32, #tpu.memory_space<vmem>>
        %dma_start3A_109 = arith.constant 0 : i32
        %dma_start3A_110 = tpu.memref_slice %arg6[%add3A_103, %dma_start3A_109] : memref<40x128xi32, #tpu.memory_space<vmem>> -> memref<1x128xi32, #tpu.memory_space<vmem>>
        %dma_start3A_111 = tpu.memref_squeeze %dma_start3A_110 : memref<1x128xi32, #tpu.memory_space<vmem>> -> memref<128xi32, #tpu.memory_space<vmem>>
        %dma_start3A_112 = arith.constant 0 : i32
        %dma_start3A_113 = arith.constant 0 : i32
        %dma_start3A_114 = tpu.memref_slice %arg2[%dma_start3A_112, %dma_start3A_113] : memref<10240x128xf32, #tpu.memory_space<hbm>> -> memref<10240x128xf32, #tpu.memory_space<hbm>>
        tpu.enqueue_indirect_dma source(%dma_start3A_114 : memref<10240x128xf32, #tpu.memory_space<hbm>>) target(%dma_start3A_108 : memref<128x128xf32, #tpu.memory_space<vmem>>) offsets(%dma_start3A_111 : memref<128xi32, #tpu.memory_space<vmem>>) semaphore(%arg10 : memref<!tpu.dma_semaphore, #tpu.memory_space<semaphore_mem>>)
      } else {
      }
      %add3A_86 = arith.constant 1 : i32
      %add3A_87 = arith.addi %mul3A_60, %add3A_86 : i32
      %dma_wait3A_88 = arith.constant 1 : i32
      %dma_wait3A_89 = arith.constant 0 : i32
      %dma_wait3A_90 = arith.constant 0 : i32
      %dma_wait3A_91 = tpu.memref_slice %arg8[%dma_wait3A_88, %dma_wait3A_89, %dma_wait3A_90] : memref<2x128x128xf32, #tpu.memory_space<vmem>> -> memref<1x128x128xf32, #tpu.memory_space<vmem>>
      %dma_wait3A_92 = tpu.memref_squeeze %dma_wait3A_91 : memref<1x128x128xf32, #tpu.memory_space<vmem>> -> memref<128x128xf32, #tpu.memory_space<vmem>>
      %dma_wait3A_93 = arith.constant 0 : i32
      %dma_wait3A_94 = tpu.memref_slice %arg6[%add3A_87, %dma_wait3A_93] : memref<40x128xi32, #tpu.memory_space<vmem>> -> memref<1x128xi32, #tpu.memory_space<vmem>>
      %dma_wait3A_95 = tpu.memref_squeeze %dma_wait3A_94 : memref<1x128xi32, #tpu.memory_space<vmem>> -> memref<128xi32, #tpu.memory_space<vmem>>
      %dma_wait3A_96 = arith.constant 0 : i32
      %dma_wait3A_97 = arith.constant 0 : i32
      %dma_wait3A_98 = tpu.memref_slice %arg2[%dma_wait3A_96, %dma_wait3A_97] : memref<10240x128xf32, #tpu.memory_space<hbm>> -> memref<10240x128xf32, #tpu.memory_space<hbm>>
      tpu.wait_indirect_dma semaphore(%arg11 : memref<!tpu.dma_semaphore, #tpu.memory_space<semaphore_mem>>) src(%dma_wait3A_98 : memref<10240x128xf32, #tpu.memory_space<hbm>>) dst(%dma_wait3A_92 : memref<128x128xf32, #tpu.memory_space<vmem>>)
      %add3A_99 = arith.constant 1 : i32
      %add3A_100 = arith.addi %mul3A_60, %add3A_99 : i32
      %run_scoped3A_101 = arith.constant 1 : i32
      "tpu.region"() ({
        %run_scoped3A_102 = tpu.sem_alloc : memref<!tpu.dma_semaphore, #tpu.memory_space<semaphore_mem>>
        %dma_start3A_103 = arith.constant 0 : i32
        %dma_start3A_104 = arith.constant 0 : i32
        %dma_start3A_105 = tpu.memref_slice %arg8[%run_scoped3A_101, %dma_start3A_103, %dma_start3A_104] : memref<2x128x128xf32, #tpu.memory_space<vmem>> -> memref<1x128x128xf32, #tpu.memory_space<vmem>>
        %dma_start3A_106 = tpu.memref_squeeze %dma_start3A_105 : memref<1x128x128xf32, #tpu.memory_space<vmem>> -> memref<128x128xf32, #tpu.memory_space<vmem>>
        %dma_start3A_107 = arith.constant 0 : i32
        %dma_start3A_108 = tpu.memref_slice %arg7[%add3A_100, %dma_start3A_107] : memref<40x128xi32, #tpu.memory_space<vmem>> -> memref<1x128xi32, #tpu.memory_space<vmem>>
        %dma_start3A_109 = tpu.memref_squeeze %dma_start3A_108 : memref<1x128xi32, #tpu.memory_space<vmem>> -> memref<128xi32, #tpu.memory_space<vmem>>
        %dma_start3A_110 = arith.constant 0 : i32
        %dma_start3A_111 = arith.constant 0 : i32
        %dma_start3A_112 = tpu.memref_slice %arg9[%dma_start3A_110, %dma_start3A_111] : memref<10240x128xf32, #tpu.memory_space<vmem_shared>> -> memref<10240x128xf32, #tpu.memory_space<vmem_shared>>
        tpu.enqueue_indirect_dma source(%dma_start3A_106 : memref<128x128xf32, #tpu.memory_space<vmem>>) target(%dma_start3A_112 : memref<10240x128xf32, #tpu.memory_space<vmem_shared>>) offsets(%dma_start3A_109 : memref<128xi32, #tpu.memory_space<vmem>>) semaphore(%run_scoped3A_102 : memref<!tpu.dma_semaphore, #tpu.memory_space<semaphore_mem>>) {add = true}
        %dma_wait3A_113 = arith.constant 0 : i32
        %dma_wait3A_114 = arith.constant 0 : i32
        %dma_wait3A_115 = tpu.memref_slice %arg8[%run_scoped3A_101, %dma_wait3A_113, %dma_wait3A_114] : memref<2x128x128xf32, #tpu.memory_space<vmem>> -> memref<1x128x128xf32, #tpu.memory_space<vmem>>
        %dma_wait3A_116 = tpu.memref_squeeze %dma_wait3A_115 : memref<1x128x128xf32, #tpu.memory_space<vmem>> -> memref<128x128xf32, #tpu.memory_space<vmem>>
        %dma_wait3A_117 = arith.constant 0 : i32
        %dma_wait3A_118 = tpu.memref_slice %arg7[%add3A_100, %dma_wait3A_117] : memref<40x128xi32, #tpu.memory_space<vmem>> -> memref<1x128xi32, #tpu.memory_space<vmem>>
        %dma_wait3A_119 = tpu.memref_squeeze %dma_wait3A_118 : memref<1x128xi32, #tpu.memory_space<vmem>> -> memref<128xi32, #tpu.memory_space<vmem>>
        %dma_wait3A_120 = arith.constant 0 : i32
        %dma_wait3A_121 = arith.constant 0 : i32
        %dma_wait3A_122 = tpu.memref_slice %arg9[%dma_wait3A_120, %dma_wait3A_121] : memref<10240x128xf32, #tpu.memory_space<vmem_shared>> -> memref<10240x128xf32, #tpu.memory_space<vmem_shared>>
        tpu.wait_indirect_dma semaphore(%run_scoped3A_102 : memref<!tpu.dma_semaphore, #tpu.memory_space<semaphore_mem>>) src(%dma_wait3A_116 : memref<128x128xf32, #tpu.memory_space<vmem>>) dst(%dma_wait3A_122 : memref<10240x128xf32, #tpu.memory_space<vmem_shared>>)
        tpu.yield
      }) : () -> ()
    }
    %scan3A_52 = arith.constant 20 : i32
    %barrier3A_53 = arith.constant 0 : index
    tpu.barrier barrier_id(%barrier3A_53)
    %mul3A_54 = arith.constant 640 : i32
    %mul3A_55 = arith.muli %arg1, %mul3A_54 : i32
    %mul3A_56 = arith.constant 640 : i32
    %mul3A_57 = arith.muli %arg1, %mul3A_56 : i32
    "tpu.region"() ({
      %run_scoped3A = tpu.sem_alloc : memref<!tpu.dma_semaphore, #tpu.memory_space<semaphore_mem>>
      %dma_start3A_58 = arith.constant 0 : i32
      %dma_start3A_59 = tpu.memref_slice %arg5[%arg0, %mul3A_57, %dma_start3A_58] : memref<2x10240x128xf32, #tpu.memory_space<hbm>> -> memref<1x640x128xf32, #tpu.memory_space<hbm>>
      %dma_start3A_60 = tpu.memref_squeeze %dma_start3A_59 : memref<1x640x128xf32, #tpu.memory_space<hbm>> -> memref<640x128xf32, #tpu.memory_space<hbm>>
      %dma_start3A_61 = arith.constant 0 : i32
      %dma_start3A_62 = tpu.memref_slice %arg9[%mul3A_55, %dma_start3A_61] : memref<10240x128xf32, #tpu.memory_space<vmem_shared>> -> memref<640x128xf32, #tpu.memory_space<vmem_shared>>
      tpu.enqueue_dma source(%dma_start3A_62 : memref<640x128xf32, #tpu.memory_space<vmem_shared>>) target(%dma_start3A_60 : memref<640x128xf32, #tpu.memory_space<hbm>>) target_semaphore(%run_scoped3A : memref<!tpu.dma_semaphore, #tpu.memory_space<semaphore_mem>>)
      %dma_wait3A = arith.constant 0 : i32
      %dma_wait3A_63 = tpu.memref_slice %arg5[%arg0, %mul3A_57, %dma_wait3A] : memref<2x10240x128xf32, #tpu.memory_space<hbm>> -> memref<1x640x128xf32, #tpu.memory_space<hbm>>
      %dma_wait3A_64 = tpu.memref_squeeze %dma_wait3A_63 : memref<1x640x128xf32, #tpu.memory_space<hbm>> -> memref<640x128xf32, #tpu.memory_space<hbm>>
      %dma_wait3A_65 = arith.constant 0 : i32
      %dma_wait3A_66 = tpu.memref_slice %arg9[%mul3A_55, %dma_wait3A_65] : memref<10240x128xf32, #tpu.memory_space<vmem_shared>> -> memref<640x128xf32, #tpu.memory_space<vmem_shared>>
      tpu.wait_dma2 semaphore(%run_scoped3A : memref<!tpu.dma_semaphore, #tpu.memory_space<semaphore_mem>>) src(%dma_wait3A_66 : memref<640x128xf32, #tpu.memory_space<vmem_shared>>) dst(%dma_wait3A_64 : memref<640x128xf32, #tpu.memory_space<hbm>>)
      tpu.yield
    }) : () -> ()
    return
  }
}

#map = affine_map<(d0, d1) -> (0, 0)>
module attributes {stable_mosaic.version = 14 : i64} {
  func.func @prep(%arg0: i32, %arg1: i32, %arg2: memref<2560x128xi32, #tpu.memory_space<hbm>>, %arg3: memref<2560x128xi32, #tpu.memory_space<hbm>>, %arg4: memref<2560x128xi32, #tpu.memory_space<hbm>>, %arg5: memref<2560x128xi32, #tpu.memory_space<hbm>>, %arg6: memref<2x10240xf32, #tpu.memory_space<hbm>>, %arg7: memref<80x128xi32, #tpu.memory_space<vmem>>, %arg8: memref<80x128xi32, #tpu.memory_space<vmem>>, %arg9: memref<80x128xi32, #tpu.memory_space<vmem>>, %arg10: memref<80x128xi32, #tpu.memory_space<vmem>>, %arg11: memref<128xf32, #tpu.memory_space<vmem>>, %arg12: memref<2048xf32, #tpu.memory_space<vmem>>, %arg13: memref<10240xf32, #tpu.memory_space<vmem_shared>>) attributes {dimension_semantics = [#tpu.dimension_semantics<core_parallel>, #tpu.dimension_semantics<subcore_parallel>], iteration_bounds = array<i64: 2, 16>, scalar_prefetch = 0 : i64, scratch_operands = 7 : i64, tpu.core_type = #tpu.core_type<sc_vector_subcore>, window_params = [{transform_indices = #map}, {transform_indices = #map}, {transform_indices = #map}, {transform_indices = #map}, {transform_indices = #map}]} {
    %mul3A = arith.constant 2 : i32
    %mul3A_0 = arith.muli %arg1, %mul3A : i32
    %add3A = arith.addi %mul3A_0, %arg0 : i32
    %mul3A_1 = arith.constant 80 : i32
    %mul3A_2 = arith.muli %add3A, %mul3A_1 : i32
    "tpu.region"() ({
      %run_scoped3A = tpu.sem_alloc : memref<!tpu.dma_semaphore, #tpu.memory_space<semaphore_mem>>
      %dma_start3A = arith.constant 0 : i32
      %dma_start3A_68 = tpu.memref_slice %arg2[%mul3A_2, %dma_start3A] : memref<2560x128xi32, #tpu.memory_space<hbm>> -> memref<80x128xi32, #tpu.memory_space<hbm>>
      %dma_start3A_69 = arith.constant 0 : i32
      %dma_start3A_70 = tpu.memref_slice %arg2[%mul3A_2, %dma_start3A_69] : memref<2560x128xi32, #tpu.memory_space<hbm>> -> memref<80x128xi32, #tpu.memory_space<hbm>>
      tpu.enqueue_dma source(%dma_start3A_70 : memref<80x128xi32, #tpu.memory_space<hbm>>) target(%arg7 : memref<80x128xi32, #tpu.memory_space<vmem>>) target_semaphore(%run_scoped3A : memref<!tpu.dma_semaphore, #tpu.memory_space<semaphore_mem>>)
      %dma_wait3A = arith.constant 0 : i32
      %dma_wait3A_71 = tpu.memref_slice %arg2[%mul3A_2, %dma_wait3A] : memref<2560x128xi32, #tpu.memory_space<hbm>> -> memref<80x128xi32, #tpu.memory_space<hbm>>
      %dma_wait3A_72 = arith.constant 0 : i32
      %dma_wait3A_73 = tpu.memref_slice %arg2[%mul3A_2, %dma_wait3A_72] : memref<2560x128xi32, #tpu.memory_space<hbm>> -> memref<80x128xi32, #tpu.memory_space<hbm>>
      tpu.wait_dma2 semaphore(%run_scoped3A : memref<!tpu.dma_semaphore, #tpu.memory_space<semaphore_mem>>) src(%dma_wait3A_73 : memref<80x128xi32, #tpu.memory_space<hbm>>) dst(%arg7 : memref<80x128xi32, #tpu.memory_space<vmem>>)
      tpu.yield
    }) : () -> ()
    "tpu.region"() ({
      %run_scoped3A = tpu.sem_alloc : memref<!tpu.dma_semaphore, #tpu.memory_space<semaphore_mem>>
      %dma_start3A = arith.constant 0 : i32
      %dma_start3A_68 = tpu.memref_slice %arg3[%mul3A_2, %dma_start3A] : memref<2560x128xi32, #tpu.memory_space<hbm>> -> memref<80x128xi32, #tpu.memory_space<hbm>>
      %dma_start3A_69 = arith.constant 0 : i32
      %dma_start3A_70 = tpu.memref_slice %arg3[%mul3A_2, %dma_start3A_69] : memref<2560x128xi32, #tpu.memory_space<hbm>> -> memref<80x128xi32, #tpu.memory_space<hbm>>
      tpu.enqueue_dma source(%dma_start3A_70 : memref<80x128xi32, #tpu.memory_space<hbm>>) target(%arg8 : memref<80x128xi32, #tpu.memory_space<vmem>>) target_semaphore(%run_scoped3A : memref<!tpu.dma_semaphore, #tpu.memory_space<semaphore_mem>>)
      %dma_wait3A = arith.constant 0 : i32
      %dma_wait3A_71 = tpu.memref_slice %arg3[%mul3A_2, %dma_wait3A] : memref<2560x128xi32, #tpu.memory_space<hbm>> -> memref<80x128xi32, #tpu.memory_space<hbm>>
      %dma_wait3A_72 = arith.constant 0 : i32
      %dma_wait3A_73 = tpu.memref_slice %arg3[%mul3A_2, %dma_wait3A_72] : memref<2560x128xi32, #tpu.memory_space<hbm>> -> memref<80x128xi32, #tpu.memory_space<hbm>>
      tpu.wait_dma2 semaphore(%run_scoped3A : memref<!tpu.dma_semaphore, #tpu.memory_space<semaphore_mem>>) src(%dma_wait3A_73 : memref<80x128xi32, #tpu.memory_space<hbm>>) dst(%arg8 : memref<80x128xi32, #tpu.memory_space<vmem>>)
      tpu.yield
    }) : () -> ()
    %broadcast_in_dim3A = arith.constant 1.000000e+00 : f32
    %broadcast_in_dim3A_3 = vector.broadcast %broadcast_in_dim3A : f32 to vector<16xf32>
    %swap3A = arith.constant 0 : index
    %swap3A_4 = tpu.vector_load %arg11[%swap3A] {strides = array<i32>} : memref<128xf32, #tpu.memory_space<vmem>>, vector<16xf32>,
    %swap3A_5 = vector.shape_cast %swap3A_4 : vector<16xf32> to vector<16xf32>
    %swap3A_6 = vector.shape_cast %broadcast_in_dim3A_3 : vector<16xf32> to vector<16xf32>
    tpu.vector_store %arg11[%swap3A], %swap3A_6 {strides = array<i32>} : memref<128xf32, #tpu.memory_space<vmem>>, vector<16xf32>,
    %broadcast_in_dim3A_7 = arith.constant 1.000000e+00 : f32
    %broadcast_in_dim3A_8 = vector.broadcast %broadcast_in_dim3A_7 : f32 to vector<16xf32>
    %swap3A_9 = arith.constant 16 : index
    %swap3A_10 = tpu.vector_load %arg11[%swap3A_9] {strides = array<i32>} : memref<128xf32, #tpu.memory_space<vmem>>, vector<16xf32>,
    %swap3A_11 = vector.shape_cast %swap3A_10 : vector<16xf32> to vector<16xf32>
    %swap3A_12 = vector.shape_cast %broadcast_in_dim3A_8 : vector<16xf32> to vector<16xf32>
    tpu.vector_store %arg11[%swap3A_9], %swap3A_12 {strides = array<i32>} : memref<128xf32, #tpu.memory_space<vmem>>, vector<16xf32>,
    %broadcast_in_dim3A_13 = arith.constant 1.000000e+00 : f32
    %broadcast_in_dim3A_14 = vector.broadcast %broadcast_in_dim3A_13 : f32 to vector<16xf32>
    %swap3A_15 = arith.constant 32 : index
    %swap3A_16 = tpu.vector_load %arg11[%swap3A_15] {strides = array<i32>} : memref<128xf32, #tpu.memory_space<vmem>>, vector<16xf32>,
    %swap3A_17 = vector.shape_cast %swap3A_16 : vector<16xf32> to vector<16xf32>
    %swap3A_18 = vector.shape_cast %broadcast_in_dim3A_14 : vector<16xf32> to vector<16xf32>
    tpu.vector_store %arg11[%swap3A_15], %swap3A_18 {strides = array<i32>} : memref<128xf32, #tpu.memory_space<vmem>>, vector<16xf32>,
    %broadcast_in_dim3A_19 = arith.constant 1.000000e+00 : f32
    %broadcast_in_dim3A_20 = vector.broadcast %broadcast_in_dim3A_19 : f32 to vector<16xf32>
    %swap3A_21 = arith.constant 48 : index
    %swap3A_22 = tpu.vector_load %arg11[%swap3A_21] {strides = array<i32>} : memref<128xf32, #tpu.memory_space<vmem>>, vector<16xf32>,
    %swap3A_23 = vector.shape_cast %swap3A_22 : vector<16xf32> to vector<16xf32>
    %swap3A_24 = vector.shape_cast %broadcast_in_dim3A_20 : vector<16xf32> to vector<16xf32>
    tpu.vector_store %arg11[%swap3A_21], %swap3A_24 {strides = array<i32>} : memref<128xf32, #tpu.memory_space<vmem>>, vector<16xf32>,
    %broadcast_in_dim3A_25 = arith.constant 1.000000e+00 : f32
    %broadcast_in_dim3A_26 = vector.broadcast %broadcast_in_dim3A_25 : f32 to vector<16xf32>
    %swap3A_27 = arith.constant 64 : index
    %swap3A_28 = tpu.vector_load %arg11[%swap3A_27] {strides = array<i32>} : memref<128xf32, #tpu.memory_space<vmem>>, vector<16xf32>,
    %swap3A_29 = vector.shape_cast %swap3A_28 : vector<16xf32> to vector<16xf32>
    %swap3A_30 = vector.shape_cast %broadcast_in_dim3A_26 : vector<16xf32> to vector<16xf32>
    tpu.vector_store %arg11[%swap3A_27], %swap3A_30 {strides = array<i32>} : memref<128xf32, #tpu.memory_space<vmem>>, vector<16xf32>,
    %broadcast_in_dim3A_31 = arith.constant 1.000000e+00 : f32
    %broadcast_in_dim3A_32 = vector.broadcast %broadcast_in_dim3A_31 : f32 to vector<16xf32>
    %swap3A_33 = arith.constant 80 : index
    %swap3A_34 = tpu.vector_load %arg11[%swap3A_33] {strides = array<i32>} : memref<128xf32, #tpu.memory_space<vmem>>, vector<16xf32>,
    %swap3A_35 = vector.shape_cast %swap3A_34 : vector<16xf32> to vector<16xf32>
    %swap3A_36 = vector.shape_cast %broadcast_in_dim3A_32 : vector<16xf32> to vector<16xf32>
    tpu.vector_store %arg11[%swap3A_33], %swap3A_36 {strides = array<i32>} : memref<128xf32, #tpu.memory_space<vmem>>, vector<16xf32>,
    %broadcast_in_dim3A_37 = arith.constant 1.000000e+00 : f32
    %broadcast_in_dim3A_38 = vector.broadcast %broadcast_in_dim3A_37 : f32 to vector<16xf32>
    %swap3A_39 = arith.constant 96 : index
    %swap3A_40 = tpu.vector_load %arg11[%swap3A_39] {strides = array<i32>} : memref<128xf32, #tpu.memory_space<vmem>>, vector<16xf32>,
    %swap3A_41 = vector.shape_cast %swap3A_40 : vector<16xf32> to vector<16xf32>
    %swap3A_42 = vector.shape_cast %broadcast_in_dim3A_38 : vector<16xf32> to vector<16xf32>
    tpu.vector_store %arg11[%swap3A_39], %swap3A_42 {strides = array<i32>} : memref<128xf32, #tpu.memory_space<vmem>>, vector<16xf32>,
    %broadcast_in_dim3A_43 = arith.constant 1.000000e+00 : f32
    %broadcast_in_dim3A_44 = vector.broadcast %broadcast_in_dim3A_43 : f32 to vector<16xf32>
    %swap3A_45 = arith.constant 112 : index
    %swap3A_46 = tpu.vector_load %arg11[%swap3A_45] {strides = array<i32>} : memref<128xf32, #tpu.memory_space<vmem>>, vector<16xf32>,
    %swap3A_47 = vector.shape_cast %swap3A_46 : vector<16xf32> to vector<16xf32>
    %swap3A_48 = vector.shape_cast %broadcast_in_dim3A_44 : vector<16xf32> to vector<16xf32>
    tpu.vector_store %arg11[%swap3A_45], %swap3A_48 {strides = array<i32>} : memref<128xf32, #tpu.memory_space<vmem>>, vector<16xf32>,
    %eq3A = arith.constant 0 : i32
    %eq3A_49 = arith.cmpi eq, %arg1, %eq3A : i32
    %convert_element_type3A = arith.extui %eq3A_49 : i1 to i32
    %cond3A = arith.constant 0 : i32
    %cond3A_50 = arith.cmpi ne, %convert_element_type3A, %cond3A : i32
    scf.if %cond3A_50 {
      %scan3A_68 = arith.constant 0 : i32
      %scan3A_69 = arith.constant 0 : i32
      %scan3A_70 = arith.constant 128 : i32
      %scan3A_71 = arith.addi %scan3A_69, %scan3A_70 : i32
      %scan3A_72 = arith.constant 1 : i32
      scf.for %scan3A_80 = %scan3A_69 to %scan3A_71 step %scan3A_72  : i32 {
        %broadcast_in_dim3A_81 = arith.constant 0.000000e+00 : f32
        %broadcast_in_dim3A_82 = vector.broadcast %broadcast_in_dim3A_81 : f32 to vector<16xf32>
        %mul3A_83 = arith.constant 16 : i32
        %mul3A_84 = arith.muli %scan3A_80, %mul3A_83 : i32
        %swap3A_85 = arith.index_cast %mul3A_84 : i32 to index
        %swap3A_86 = tpu.vector_load %arg12[%swap3A_85] {strides = array<i32>} : memref<2048xf32, #tpu.memory_space<vmem>>, vector<16xf32>,
        %swap3A_87 = vector.shape_cast %swap3A_86 : vector<16xf32> to vector<16xf32>
        %swap3A_88 = vector.shape_cast %broadcast_in_dim3A_82 : vector<16xf32> to vector<16xf32>
        tpu.vector_store %arg12[%swap3A_85], %swap3A_88 {strides = array<i32>} : memref<2048xf32, #tpu.memory_space<vmem>>, vector<16xf32>,
      }
      %scan3A_73 = arith.constant 128 : i32
      %scan3A_74 = arith.constant 0 : i32
      %scan3A_75 = arith.constant 0 : i32
      %scan3A_76 = arith.constant 5 : i32
      %scan3A_77 = arith.addi %scan3A_75, %scan3A_76 : i32
      %scan3A_78 = arith.constant 1 : i32
      scf.for %scan3A_80 = %scan3A_75 to %scan3A_77 step %scan3A_78  : i32 {
        %mul3A_81 = arith.constant 2048 : i32
        %mul3A_82 = arith.muli %scan3A_80, %mul3A_81 : i32
        "tpu.region"() ({
          %run_scoped3A = tpu.sem_alloc : memref<!tpu.dma_semaphore, #tpu.memory_space<semaphore_mem>>
          %dma_start3A = tpu.memref_slice %arg13[%mul3A_82] : memref<10240xf32, #tpu.memory_space<vmem_shared>> -> memref<2048xf32, #tpu.memory_space<vmem_shared>>
          %dma_start3A_83 = tpu.memref_slice %arg13[%mul3A_82] : memref<10240xf32, #tpu.memory_space<vmem_shared>> -> memref<2048xf32, #tpu.memory_space<vmem_shared>>
          tpu.enqueue_dma source(%arg12 : memref<2048xf32, #tpu.memory_space<vmem>>) target(%dma_start3A_83 : memref<2048xf32, #tpu.memory_space<vmem_shared>>) target_semaphore(%run_scoped3A : memref<!tpu.dma_semaphore, #tpu.memory_space<semaphore_mem>>)
          %dma_wait3A = tpu.memref_slice %arg13[%mul3A_82] : memref<10240xf32, #tpu.memory_space<vmem_shared>> -> memref<2048xf32, #tpu.memory_space<vmem_shared>>
          %dma_wait3A_84 = tpu.memref_slice %arg13[%mul3A_82] : memref<10240xf32, #tpu.memory_space<vmem_shared>> -> memref<2048xf32, #tpu.memory_space<vmem_shared>>
          tpu.wait_dma2 semaphore(%run_scoped3A : memref<!tpu.dma_semaphore, #tpu.memory_space<semaphore_mem>>) src(%arg12 : memref<2048xf32, #tpu.memory_space<vmem>>) dst(%dma_wait3A_84 : memref<2048xf32, #tpu.memory_space<vmem_shared>>)
          tpu.yield
        }) : () -> ()
      }
      %scan3A_79 = arith.constant 5 : i32
    } else {
    }
    %scan3A = arith.constant 0 : i32
    %scan3A_51 = arith.constant 0 : i32
    %scan3A_52 = arith.constant 80 : i32
    %scan3A_53 = arith.addi %scan3A_51, %scan3A_52 : i32
    %scan3A_54 = arith.constant 1 : i32
    scf.for %scan3A_68 = %scan3A_51 to %scan3A_53 step %scan3A_54  : i32 {
      %iota3A = tpu.iota {dimensions = array<i32: 0>} : vector<16xi32>
      %add3A_69 = arith.constant 10000 : i32
      %add3A_70 = vector.broadcast %add3A_69 : i32 to vector<16xi32>
      %add3A_71 = arith.addi %add3A_70, %iota3A : vector<16xi32>
      %get3A = arith.index_cast %scan3A_68 : i32 to index
      %get3A_72 = arith.constant 0 : index
      %get3A_73 = tpu.vector_load %arg7[%get3A, %get3A_72] {strides = array<i32>} : memref<80x128xi32, #tpu.memory_space<vmem>>, vector<1x16xi32>,
      %get3A_74 = vector.shape_cast %get3A_73 : vector<1x16xi32> to vector<16xi32>
      %get3A_75 = arith.index_cast %scan3A_68 : i32 to index
      %get3A_76 = arith.constant 0 : index
      %get3A_77 = tpu.vector_load %arg8[%get3A_75, %get3A_76] {strides = array<i32>} : memref<80x128xi32, #tpu.memory_space<vmem>>, vector<1x16xi32>,
      %get3A_78 = vector.shape_cast %get3A_77 : vector<1x16xi32> to vector<16xi32>
      %eq3A_79 = arith.cmpi eq, %get3A_74, %get3A_78 : vector<16xi32>
      %select_n3A = arith.select %eq3A_79, %add3A_71, %get3A_74 : vector<16xi1>, vector<16xi32>
      %swap3A_80 = arith.index_cast %scan3A_68 : i32 to index
      %swap3A_81 = arith.constant 0 : index
      %swap3A_82 = tpu.vector_load %arg9[%swap3A_80, %swap3A_81] {strides = array<i32>} : memref<80x128xi32, #tpu.memory_space<vmem>>, vector<1x16xi32>,
      %swap3A_83 = vector.shape_cast %swap3A_82 : vector<1x16xi32> to vector<16xi32>
      %swap3A_84 = vector.shape_cast %select_n3A : vector<16xi32> to vector<1x16xi32>
      tpu.vector_store %arg9[%swap3A_80, %swap3A_81], %swap3A_84 {strides = array<i32>} : memref<80x128xi32, #tpu.memory_space<vmem>>, vector<1x16xi32>,
      %select_n3A_85 = arith.select %eq3A_79, %add3A_71, %get3A_78 : vector<16xi1>, vector<16xi32>
      %swap3A_86 = arith.index_cast %scan3A_68 : i32 to index
      %swap3A_87 = arith.constant 0 : index
      %swap3A_88 = tpu.vector_load %arg10[%swap3A_86, %swap3A_87] {strides = array<i32>} : memref<80x128xi32, #tpu.memory_space<vmem>>, vector<1x16xi32>,
      %swap3A_89 = vector.shape_cast %swap3A_88 : vector<1x16xi32> to vector<16xi32>
      %swap3A_90 = vector.shape_cast %select_n3A_85 : vector<16xi32> to vector<1x16xi32>
      tpu.vector_store %arg10[%swap3A_86, %swap3A_87], %swap3A_90 {strides = array<i32>} : memref<80x128xi32, #tpu.memory_space<vmem>>, vector<1x16xi32>,
      %iota3A_91 = tpu.iota {dimensions = array<i32: 0>} : vector<16xi32>
      %add3A_92 = arith.constant 10016 : i32
      %add3A_93 = vector.broadcast %add3A_92 : i32 to vector<16xi32>
      %add3A_94 = arith.addi %add3A_93, %iota3A_91 : vector<16xi32>
      %get3A_95 = arith.index_cast %scan3A_68 : i32 to index
      %get3A_96 = arith.constant 16 : index
      %get3A_97 = tpu.vector_load %arg7[%get3A_95, %get3A_96] {strides = array<i32>} : memref<80x128xi32, #tpu.memory_space<vmem>>, vector<1x16xi32>,
      %get3A_98 = vector.shape_cast %get3A_97 : vector<1x16xi32> to vector<16xi32>
      %get3A_99 = arith.index_cast %scan3A_68 : i32 to index
      %get3A_100 = arith.constant 16 : index
      %get3A_101 = tpu.vector_load %arg8[%get3A_99, %get3A_100] {strides = array<i32>} : memref<80x128xi32, #tpu.memory_space<vmem>>, vector<1x16xi32>,
      %get3A_102 = vector.shape_cast %get3A_101 : vector<1x16xi32> to vector<16xi32>
      %eq3A_103 = arith.cmpi eq, %get3A_98, %get3A_102 : vector<16xi32>
      %select_n3A_104 = arith.select %eq3A_103, %add3A_94, %get3A_98 : vector<16xi1>, vector<16xi32>
      %swap3A_105 = arith.index_cast %scan3A_68 : i32 to index
      %swap3A_106 = arith.constant 16 : index
      %swap3A_107 = tpu.vector_load %arg9[%swap3A_105, %swap3A_106] {strides = array<i32>} : memref<80x128xi32, #tpu.memory_space<vmem>>, vector<1x16xi32>,
      %swap3A_108 = vector.shape_cast %swap3A_107 : vector<1x16xi32> to vector<16xi32>
      %swap3A_109 = vector.shape_cast %select_n3A_104 : vector<16xi32> to vector<1x16xi32>
      tpu.vector_store %arg9[%swap3A_105, %swap3A_106], %swap3A_109 {strides = array<i32>} : memref<80x128xi32, #tpu.memory_space<vmem>>, vector<1x16xi32>,
      %select_n3A_110 = arith.select %eq3A_103, %add3A_94, %get3A_102 : vector<16xi1>, vector<16xi32>
      %swap3A_111 = arith.index_cast %scan3A_68 : i32 to index
      %swap3A_112 = arith.constant 16 : index
      %swap3A_113 = tpu.vector_load %arg10[%swap3A_111, %swap3A_112] {strides = array<i32>} : memref<80x128xi32, #tpu.memory_space<vmem>>, vector<1x16xi32>,
      %swap3A_114 = vector.shape_cast %swap3A_113 : vector<1x16xi32> to vector<16xi32>
      %swap3A_115 = vector.shape_cast %select_n3A_110 : vector<16xi32> to vector<1x16xi32>
      tpu.vector_store %arg10[%swap3A_111, %swap3A_112], %swap3A_115 {strides = array<i32>} : memref<80x128xi32, #tpu.memory_space<vmem>>, vector<1x16xi32>,
      %iota3A_116 = tpu.iota {dimensions = array<i32: 0>} : vector<16xi32>
      %add3A_117 = arith.constant 10032 : i32
      %add3A_118 = vector.broadcast %add3A_117 : i32 to vector<16xi32>
      %add3A_119 = arith.addi %add3A_118, %iota3A_116 : vector<16xi32>
      %get3A_120 = arith.index_cast %scan3A_68 : i32 to index
      %get3A_121 = arith.constant 32 : index
      %get3A_122 = tpu.vector_load %arg7[%get3A_120, %get3A_121] {strides = array<i32>} : memref<80x128xi32, #tpu.memory_space<vmem>>, vector<1x16xi32>,
      %get3A_123 = vector.shape_cast %get3A_122 : vector<1x16xi32> to vector<16xi32>
      %get3A_124 = arith.index_cast %scan3A_68 : i32 to index
      %get3A_125 = arith.constant 32 : index
      %get3A_126 = tpu.vector_load %arg8[%get3A_124, %get3A_125] {strides = array<i32>} : memref<80x128xi32, #tpu.memory_space<vmem>>, vector<1x16xi32>,
      %get3A_127 = vector.shape_cast %get3A_126 : vector<1x16xi32> to vector<16xi32>
      %eq3A_128 = arith.cmpi eq, %get3A_123, %get3A_127 : vector<16xi32>
      %select_n3A_129 = arith.select %eq3A_128, %add3A_119, %get3A_123 : vector<16xi1>, vector<16xi32>
      %swap3A_130 = arith.index_cast %scan3A_68 : i32 to index
      %swap3A_131 = arith.constant 32 : index
      %swap3A_132 = tpu.vector_load %arg9[%swap3A_130, %swap3A_131] {strides = array<i32>} : memref<80x128xi32, #tpu.memory_space<vmem>>, vector<1x16xi32>,
      %swap3A_133 = vector.shape_cast %swap3A_132 : vector<1x16xi32> to vector<16xi32>
      %swap3A_134 = vector.shape_cast %select_n3A_129 : vector<16xi32> to vector<1x16xi32>
      tpu.vector_store %arg9[%swap3A_130, %swap3A_131], %swap3A_134 {strides = array<i32>} : memref<80x128xi32, #tpu.memory_space<vmem>>, vector<1x16xi32>,
      %select_n3A_135 = arith.select %eq3A_128, %add3A_119, %get3A_127 : vector<16xi1>, vector<16xi32>
      %swap3A_136 = arith.index_cast %scan3A_68 : i32 to index
      %swap3A_137 = arith.constant 32 : index
      %swap3A_138 = tpu.vector_load %arg10[%swap3A_136, %swap3A_137] {strides = array<i32>} : memref<80x128xi32, #tpu.memory_space<vmem>>, vector<1x16xi32>,
      %swap3A_139 = vector.shape_cast %swap3A_138 : vector<1x16xi32> to vector<16xi32>
      %swap3A_140 = vector.shape_cast %select_n3A_135 : vector<16xi32> to vector<1x16xi32>
      tpu.vector_store %arg10[%swap3A_136, %swap3A_137], %swap3A_140 {strides = array<i32>} : memref<80x128xi32, #tpu.memory_space<vmem>>, vector<1x16xi32>,
      %iota3A_141 = tpu.iota {dimensions = array<i32: 0>} : vector<16xi32>
      %add3A_142 = arith.constant 10048 : i32
      %add3A_143 = vector.broadcast %add3A_142 : i32 to vector<16xi32>
      %add3A_144 = arith.addi %add3A_143, %iota3A_141 : vector<16xi32>
      %get3A_145 = arith.index_cast %scan3A_68 : i32 to index
      %get3A_146 = arith.constant 48 : index
      %get3A_147 = tpu.vector_load %arg7[%get3A_145, %get3A_146] {strides = array<i32>} : memref<80x128xi32, #tpu.memory_space<vmem>>, vector<1x16xi32>,
      %get3A_148 = vector.shape_cast %get3A_147 : vector<1x16xi32> to vector<16xi32>
      %get3A_149 = arith.index_cast %scan3A_68 : i32 to index
      %get3A_150 = arith.constant 48 : index
      %get3A_151 = tpu.vector_load %arg8[%get3A_149, %get3A_150] {strides = array<i32>} : memref<80x128xi32, #tpu.memory_space<vmem>>, vector<1x16xi32>,
      %get3A_152 = vector.shape_cast %get3A_151 : vector<1x16xi32> to vector<16xi32>
      %eq3A_153 = arith.cmpi eq, %get3A_148, %get3A_152 : vector<16xi32>
      %select_n3A_154 = arith.select %eq3A_153, %add3A_144, %get3A_148 : vector<16xi1>, vector<16xi32>
      %swap3A_155 = arith.index_cast %scan3A_68 : i32 to index
      %swap3A_156 = arith.constant 48 : index
      %swap3A_157 = tpu.vector_load %arg9[%swap3A_155, %swap3A_156] {strides = array<i32>} : memref<80x128xi32, #tpu.memory_space<vmem>>, vector<1x16xi32>,
      %swap3A_158 = vector.shape_cast %swap3A_157 : vector<1x16xi32> to vector<16xi32>
      %swap3A_159 = vector.shape_cast %select_n3A_154 : vector<16xi32> to vector<1x16xi32>
      tpu.vector_store %arg9[%swap3A_155, %swap3A_156], %swap3A_159 {strides = array<i32>} : memref<80x128xi32, #tpu.memory_space<vmem>>, vector<1x16xi32>,
      %select_n3A_160 = arith.select %eq3A_153, %add3A_144, %get3A_152 : vector<16xi1>, vector<16xi32>
      %swap3A_161 = arith.index_cast %scan3A_68 : i32 to index
      %swap3A_162 = arith.constant 48 : index
      %swap3A_163 = tpu.vector_load %arg10[%swap3A_161, %swap3A_162] {strides = array<i32>} : memref<80x128xi32, #tpu.memory_space<vmem>>, vector<1x16xi32>,
      %swap3A_164 = vector.shape_cast %swap3A_163 : vector<1x16xi32> to vector<16xi32>
      %swap3A_165 = vector.shape_cast %select_n3A_160 : vector<16xi32> to vector<1x16xi32>
      tpu.vector_store %arg10[%swap3A_161, %swap3A_162], %swap3A_165 {strides = array<i32>} : memref<80x128xi32, #tpu.memory_space<vmem>>, vector<1x16xi32>,
      %iota3A_166 = tpu.iota {dimensions = array<i32: 0>} : vector<16xi32>
      %add3A_167 = arith.constant 10064 : i32
      %add3A_168 = vector.broadcast %add3A_167 : i32 to vector<16xi32>
      %add3A_169 = arith.addi %add3A_168, %iota3A_166 : vector<16xi32>
      %get3A_170 = arith.index_cast %scan3A_68 : i32 to index
      %get3A_171 = arith.constant 64 : index
      %get3A_172 = tpu.vector_load %arg7[%get3A_170, %get3A_171] {strides = array<i32>} : memref<80x128xi32, #tpu.memory_space<vmem>>, vector<1x16xi32>,
      %get3A_173 = vector.shape_cast %get3A_172 : vector<1x16xi32> to vector<16xi32>
      %get3A_174 = arith.index_cast %scan3A_68 : i32 to index
      %get3A_175 = arith.constant 64 : index
      %get3A_176 = tpu.vector_load %arg8[%get3A_174, %get3A_175] {strides = array<i32>} : memref<80x128xi32, #tpu.memory_space<vmem>>, vector<1x16xi32>,
      %get3A_177 = vector.shape_cast %get3A_176 : vector<1x16xi32> to vector<16xi32>
      %eq3A_178 = arith.cmpi eq, %get3A_173, %get3A_177 : vector<16xi32>
      %select_n3A_179 = arith.select %eq3A_178, %add3A_169, %get3A_173 : vector<16xi1>, vector<16xi32>
      %swap3A_180 = arith.index_cast %scan3A_68 : i32 to index
      %swap3A_181 = arith.constant 64 : index
      %swap3A_182 = tpu.vector_load %arg9[%swap3A_180, %swap3A_181] {strides = array<i32>} : memref<80x128xi32, #tpu.memory_space<vmem>>, vector<1x16xi32>,
      %swap3A_183 = vector.shape_cast %swap3A_182 : vector<1x16xi32> to vector<16xi32>
      %swap3A_184 = vector.shape_cast %select_n3A_179 : vector<16xi32> to vector<1x16xi32>
      tpu.vector_store %arg9[%swap3A_180, %swap3A_181], %swap3A_184 {strides = array<i32>} : memref<80x128xi32, #tpu.memory_space<vmem>>, vector<1x16xi32>,
      %select_n3A_185 = arith.select %eq3A_178, %add3A_169, %get3A_177 : vector<16xi1>, vector<16xi32>
      %swap3A_186 = arith.index_cast %scan3A_68 : i32 to index
      %swap3A_187 = arith.constant 64 : index
      %swap3A_188 = tpu.vector_load %arg10[%swap3A_186, %swap3A_187] {strides = array<i32>} : memref<80x128xi32, #tpu.memory_space<vmem>>, vector<1x16xi32>,
      %swap3A_189 = vector.shape_cast %swap3A_188 : vector<1x16xi32> to vector<16xi32>
      %swap3A_190 = vector.shape_cast %select_n3A_185 : vector<16xi32> to vector<1x16xi32>
      tpu.vector_store %arg10[%swap3A_186, %swap3A_187], %swap3A_190 {strides = array<i32>} : memref<80x128xi32, #tpu.memory_space<vmem>>, vector<1x16xi32>,
      %iota3A_191 = tpu.iota {dimensions = array<i32: 0>} : vector<16xi32>
      %add3A_192 = arith.constant 10080 : i32
      %add3A_193 = vector.broadcast %add3A_192 : i32 to vector<16xi32>
      %add3A_194 = arith.addi %add3A_193, %iota3A_191 : vector<16xi32>
      %get3A_195 = arith.index_cast %scan3A_68 : i32 to index
      %get3A_196 = arith.constant 80 : index
      %get3A_197 = tpu.vector_load %arg7[%get3A_195, %get3A_196] {strides = array<i32>} : memref<80x128xi32, #tpu.memory_space<vmem>>, vector<1x16xi32>,
      %get3A_198 = vector.shape_cast %get3A_197 : vector<1x16xi32> to vector<16xi32>
      %get3A_199 = arith.index_cast %scan3A_68 : i32 to index
      %get3A_200 = arith.constant 80 : index
      %get3A_201 = tpu.vector_load %arg8[%get3A_199, %get3A_200] {strides = array<i32>} : memref<80x128xi32, #tpu.memory_space<vmem>>, vector<1x16xi32>,
      %get3A_202 = vector.shape_cast %get3A_201 : vector<1x16xi32> to vector<16xi32>
      %eq3A_203 = arith.cmpi eq, %get3A_198, %get3A_202 : vector<16xi32>
      %select_n3A_204 = arith.select %eq3A_203, %add3A_194, %get3A_198 : vector<16xi1>, vector<16xi32>
      %swap3A_205 = arith.index_cast %scan3A_68 : i32 to index
      %swap3A_206 = arith.constant 80 : index
      %swap3A_207 = tpu.vector_load %arg9[%swap3A_205, %swap3A_206] {strides = array<i32>} : memref<80x128xi32, #tpu.memory_space<vmem>>, vector<1x16xi32>,
      %swap3A_208 = vector.shape_cast %swap3A_207 : vector<1x16xi32> to vector<16xi32>
      %swap3A_209 = vector.shape_cast %select_n3A_204 : vector<16xi32> to vector<1x16xi32>
      tpu.vector_store %arg9[%swap3A_205, %swap3A_206], %swap3A_209 {strides = array<i32>} : memref<80x128xi32, #tpu.memory_space<vmem>>, vector<1x16xi32>,
      %select_n3A_210 = arith.select %eq3A_203, %add3A_194, %get3A_202 : vector<16xi1>, vector<16xi32>
      %swap3A_211 = arith.index_cast %scan3A_68 : i32 to index
      %swap3A_212 = arith.constant 80 : index
      %swap3A_213 = tpu.vector_load %arg10[%swap3A_211, %swap3A_212] {strides = array<i32>} : memref<80x128xi32, #tpu.memory_space<vmem>>, vector<1x16xi32>,
      %swap3A_214 = vector.shape_cast %swap3A_213 : vector<1x16xi32> to vector<16xi32>
      %swap3A_215 = vector.shape_cast %select_n3A_210 : vector<16xi32> to vector<1x16xi32>
      tpu.vector_store %arg10[%swap3A_211, %swap3A_212], %swap3A_215 {strides = array<i32>} : memref<80x128xi32, #tpu.memory_space<vmem>>, vector<1x16xi32>,
      %iota3A_216 = tpu.iota {dimensions = array<i32: 0>} : vector<16xi32>
      %add3A_217 = arith.constant 10096 : i32
      %add3A_218 = vector.broadcast %add3A_217 : i32 to vector<16xi32>
      %add3A_219 = arith.addi %add3A_218, %iota3A_216 : vector<16xi32>
      %get3A_220 = arith.index_cast %scan3A_68 : i32 to index
      %get3A_221 = arith.constant 96 : index
      %get3A_222 = tpu.vector_load %arg7[%get3A_220, %get3A_221] {strides = array<i32>} : memref<80x128xi32, #tpu.memory_space<vmem>>, vector<1x16xi32>,
      %get3A_223 = vector.shape_cast %get3A_222 : vector<1x16xi32> to vector<16xi32>
      %get3A_224 = arith.index_cast %scan3A_68 : i32 to index
      %get3A_225 = arith.constant 96 : index
      %get3A_226 = tpu.vector_load %arg8[%get3A_224, %get3A_225] {strides = array<i32>} : memref<80x128xi32, #tpu.memory_space<vmem>>, vector<1x16xi32>,
      %get3A_227 = vector.shape_cast %get3A_226 : vector<1x16xi32> to vector<16xi32>
      %eq3A_228 = arith.cmpi eq, %get3A_223, %get3A_227 : vector<16xi32>
      %select_n3A_229 = arith.select %eq3A_228, %add3A_219, %get3A_223 : vector<16xi1>, vector<16xi32>
      %swap3A_230 = arith.index_cast %scan3A_68 : i32 to index
      %swap3A_231 = arith.constant 96 : index
      %swap3A_232 = tpu.vector_load %arg9[%swap3A_230, %swap3A_231] {strides = array<i32>} : memref<80x128xi32, #tpu.memory_space<vmem>>, vector<1x16xi32>,
      %swap3A_233 = vector.shape_cast %swap3A_232 : vector<1x16xi32> to vector<16xi32>
      %swap3A_234 = vector.shape_cast %select_n3A_229 : vector<16xi32> to vector<1x16xi32>
      tpu.vector_store %arg9[%swap3A_230, %swap3A_231], %swap3A_234 {strides = array<i32>} : memref<80x128xi32, #tpu.memory_space<vmem>>, vector<1x16xi32>,
      %select_n3A_235 = arith.select %eq3A_228, %add3A_219, %get3A_227 : vector<16xi1>, vector<16xi32>
      %swap3A_236 = arith.index_cast %scan3A_68 : i32 to index
      %swap3A_237 = arith.constant 96 : index
      %swap3A_238 = tpu.vector_load %arg10[%swap3A_236, %swap3A_237] {strides = array<i32>} : memref<80x128xi32, #tpu.memory_space<vmem>>, vector<1x16xi32>,
      %swap3A_239 = vector.shape_cast %swap3A_238 : vector<1x16xi32> to vector<16xi32>
      %swap3A_240 = vector.shape_cast %select_n3A_235 : vector<16xi32> to vector<1x16xi32>
      tpu.vector_store %arg10[%swap3A_236, %swap3A_237], %swap3A_240 {strides = array<i32>} : memref<80x128xi32, #tpu.memory_space<vmem>>, vector<1x16xi32>,
      %iota3A_241 = tpu.iota {dimensions = array<i32: 0>} : vector<16xi32>
      %add3A_242 = arith.constant 10112 : i32
      %add3A_243 = vector.broadcast %add3A_242 : i32 to vector<16xi32>
      %add3A_244 = arith.addi %add3A_243, %iota3A_241 : vector<16xi32>
      %get3A_245 = arith.index_cast %scan3A_68 : i32 to index
      %get3A_246 = arith.constant 112 : index
      %get3A_247 = tpu.vector_load %arg7[%get3A_245, %get3A_246] {strides = array<i32>} : memref<80x128xi32, #tpu.memory_space<vmem>>, vector<1x16xi32>,
      %get3A_248 = vector.shape_cast %get3A_247 : vector<1x16xi32> to vector<16xi32>
      %get3A_249 = arith.index_cast %scan3A_68 : i32 to index
      %get3A_250 = arith.constant 112 : index
      %get3A_251 = tpu.vector_load %arg8[%get3A_249, %get3A_250] {strides = array<i32>} : memref<80x128xi32, #tpu.memory_space<vmem>>, vector<1x16xi32>,
      %get3A_252 = vector.shape_cast %get3A_251 : vector<1x16xi32> to vector<16xi32>
      %eq3A_253 = arith.cmpi eq, %get3A_248, %get3A_252 : vector<16xi32>
      %select_n3A_254 = arith.select %eq3A_253, %add3A_244, %get3A_248 : vector<16xi1>, vector<16xi32>
      %swap3A_255 = arith.index_cast %scan3A_68 : i32 to index
      %swap3A_256 = arith.constant 112 : index
      %swap3A_257 = tpu.vector_load %arg9[%swap3A_255, %swap3A_256] {strides = array<i32>} : memref<80x128xi32, #tpu.memory_space<vmem>>, vector<1x16xi32>,
      %swap3A_258 = vector.shape_cast %swap3A_257 : vector<1x16xi32> to vector<16xi32>
      %swap3A_259 = vector.shape_cast %select_n3A_254 : vector<16xi32> to vector<1x16xi32>
      tpu.vector_store %arg9[%swap3A_255, %swap3A_256], %swap3A_259 {strides = array<i32>} : memref<80x128xi32, #tpu.memory_space<vmem>>, vector<1x16xi32>,
      %select_n3A_260 = arith.select %eq3A_253, %add3A_244, %get3A_252 : vector<16xi1>, vector<16xi32>
      %swap3A_261 = arith.index_cast %scan3A_68 : i32 to index
      %swap3A_262 = arith.constant 112 : index
      %swap3A_263 = tpu.vector_load %arg10[%swap3A_261, %swap3A_262] {strides = array<i32>} : memref<80x128xi32, #tpu.memory_space<vmem>>, vector<1x16xi32>,
      %swap3A_264 = vector.shape_cast %swap3A_263 : vector<1x16xi32> to vector<16xi32>
      %swap3A_265 = vector.shape_cast %select_n3A_260 : vector<16xi32> to vector<1x16xi32>
      tpu.vector_store %arg10[%swap3A_261, %swap3A_262], %swap3A_265 {strides = array<i32>} : memref<80x128xi32, #tpu.memory_space<vmem>>, vector<1x16xi32>,
    }
    %scan3A_55 = arith.constant 80 : i32
    "tpu.region"() ({
      %run_scoped3A = tpu.sem_alloc : memref<!tpu.dma_semaphore, #tpu.memory_space<semaphore_mem>>
      %dma_start3A = arith.constant 0 : i32
      %dma_start3A_68 = tpu.memref_slice %arg4[%mul3A_2, %dma_start3A] : memref<2560x128xi32, #tpu.memory_space<hbm>> -> memref<80x128xi32, #tpu.memory_space<hbm>>
      %dma_start3A_69 = arith.constant 0 : i32
      %dma_start3A_70 = tpu.memref_slice %arg4[%mul3A_2, %dma_start3A_69] : memref<2560x128xi32, #tpu.memory_space<hbm>> -> memref<80x128xi32, #tpu.memory_space<hbm>>
      tpu.enqueue_dma source(%arg9 : memref<80x128xi32, #tpu.memory_space<vmem>>) target(%dma_start3A_70 : memref<80x128xi32, #tpu.memory_space<hbm>>) target_semaphore(%run_scoped3A : memref<!tpu.dma_semaphore, #tpu.memory_space<semaphore_mem>>)
      %dma_wait3A = arith.constant 0 : i32
      %dma_wait3A_71 = tpu.memref_slice %arg4[%mul3A_2, %dma_wait3A] : memref<2560x128xi32, #tpu.memory_space<hbm>> -> memref<80x128xi32, #tpu.memory_space<hbm>>
      %dma_wait3A_72 = arith.constant 0 : i32
      %dma_wait3A_73 = tpu.memref_slice %arg4[%mul3A_2, %dma_wait3A_72] : memref<2560x128xi32, #tpu.memory_space<hbm>> -> memref<80x128xi32, #tpu.memory_space<hbm>>
      tpu.wait_dma2 semaphore(%run_scoped3A : memref<!tpu.dma_semaphore, #tpu.memory_space<semaphore_mem>>) src(%arg9 : memref<80x128xi32, #tpu.memory_space<vmem>>) dst(%dma_wait3A_73 : memref<80x128xi32, #tpu.memory_space<hbm>>)
      tpu.yield
    }) : () -> ()
    "tpu.region"() ({
      %run_scoped3A = tpu.sem_alloc : memref<!tpu.dma_semaphore, #tpu.memory_space<semaphore_mem>>
      %dma_start3A = arith.constant 0 : i32
      %dma_start3A_68 = tpu.memref_slice %arg5[%mul3A_2, %dma_start3A] : memref<2560x128xi32, #tpu.memory_space<hbm>> -> memref<80x128xi32, #tpu.memory_space<hbm>>
      %dma_start3A_69 = arith.constant 0 : i32
      %dma_start3A_70 = tpu.memref_slice %arg5[%mul3A_2, %dma_start3A_69] : memref<2560x128xi32, #tpu.memory_space<hbm>> -> memref<80x128xi32, #tpu.memory_space<hbm>>
      tpu.enqueue_dma source(%arg10 : memref<80x128xi32, #tpu.memory_space<vmem>>) target(%dma_start3A_70 : memref<80x128xi32, #tpu.memory_space<hbm>>) target_semaphore(%run_scoped3A : memref<!tpu.dma_semaphore, #tpu.memory_space<semaphore_mem>>)
      %dma_wait3A = arith.constant 0 : i32
      %dma_wait3A_71 = tpu.memref_slice %arg5[%mul3A_2, %dma_wait3A] : memref<2560x128xi32, #tpu.memory_space<hbm>> -> memref<80x128xi32, #tpu.memory_space<hbm>>
      %dma_wait3A_72 = arith.constant 0 : i32
      %dma_wait3A_73 = tpu.memref_slice %arg5[%mul3A_2, %dma_wait3A_72] : memref<2560x128xi32, #tpu.memory_space<hbm>> -> memref<80x128xi32, #tpu.memory_space<hbm>>
      tpu.wait_dma2 semaphore(%run_scoped3A : memref<!tpu.dma_semaphore, #tpu.memory_space<semaphore_mem>>) src(%arg10 : memref<80x128xi32, #tpu.memory_space<vmem>>) dst(%dma_wait3A_73 : memref<80x128xi32, #tpu.memory_space<hbm>>)
      tpu.yield
    }) : () -> ()
    %barrier3A = arith.constant 0 : index
    tpu.barrier barrier_id(%barrier3A)
    %scan3A_56 = arith.constant 0 : i32
    %scan3A_57 = arith.constant 0 : i32
    %scan3A_58 = arith.constant 80 : i32
    %scan3A_59 = arith.addi %scan3A_57, %scan3A_58 : i32
    %scan3A_60 = arith.constant 1 : i32
    scf.for %scan3A_68 = %scan3A_57 to %scan3A_59 step %scan3A_60  : i32 {
      "tpu.region"() ({
        %run_scoped3A = tpu.sem_alloc : memref<!tpu.dma_semaphore, #tpu.memory_space<semaphore_mem>>
        %dma_start3A = arith.constant 0 : i32
        %dma_start3A_69 = tpu.memref_slice %arg9[%scan3A_68, %dma_start3A] : memref<80x128xi32, #tpu.memory_space<vmem>> -> memref<1x128xi32, #tpu.memory_space<vmem>>
        %dma_start3A_70 = tpu.memref_squeeze %dma_start3A_69 : memref<1x128xi32, #tpu.memory_space<vmem>> -> memref<128xi32, #tpu.memory_space<vmem>>
        %dma_start3A_71 = arith.constant 0 : i32
        %dma_start3A_72 = tpu.memref_slice %arg13[%dma_start3A_71] : memref<10240xf32, #tpu.memory_space<vmem_shared>> -> memref<10240xf32, #tpu.memory_space<vmem_shared>>
        tpu.enqueue_indirect_dma source(%arg11 : memref<128xf32, #tpu.memory_space<vmem>>) target(%dma_start3A_72 : memref<10240xf32, #tpu.memory_space<vmem_shared>>) offsets(%dma_start3A_70 : memref<128xi32, #tpu.memory_space<vmem>>) semaphore(%run_scoped3A : memref<!tpu.dma_semaphore, #tpu.memory_space<semaphore_mem>>) {add = true}
        %dma_wait3A = arith.constant 0 : i32
        %dma_wait3A_73 = tpu.memref_slice %arg9[%scan3A_68, %dma_wait3A] : memref<80x128xi32, #tpu.memory_space<vmem>> -> memref<1x128xi32, #tpu.memory_space<vmem>>
        %dma_wait3A_74 = tpu.memref_squeeze %dma_wait3A_73 : memref<1x128xi32, #tpu.memory_space<vmem>> -> memref<128xi32, #tpu.memory_space<vmem>>
        %dma_wait3A_75 = arith.constant 0 : i32
        %dma_wait3A_76 = tpu.memref_slice %arg13[%dma_wait3A_75] : memref<10240xf32, #tpu.memory_space<vmem_shared>> -> memref<10240xf32, #tpu.memory_space<vmem_shared>>
        tpu.wait_indirect_dma semaphore(%run_scoped3A : memref<!tpu.dma_semaphore, #tpu.memory_space<semaphore_mem>>) src(%arg11 : memref<128xf32, #tpu.memory_space<vmem>>) dst(%dma_wait3A_76 : memref<10240xf32, #tpu.memory_space<vmem_shared>>)
        tpu.yield
      }) : () -> ()
    }
    %scan3A_61 = arith.constant 80 : i32
    %barrier3A_62 = arith.constant 0 : index
    tpu.barrier barrier_id(%barrier3A_62)
    %eq3A_63 = arith.constant 0 : i32
    %eq3A_64 = arith.cmpi eq, %arg1, %eq3A_63 : i32
    %convert_element_type3A_65 = arith.extui %eq3A_64 : i1 to i32
    %cond3A_66 = arith.constant 0 : i32
    %cond3A_67 = arith.cmpi ne, %convert_element_type3A_65, %cond3A_66 : i32
    scf.if %cond3A_67 {
      "tpu.region"() ({
        %run_scoped3A = tpu.sem_alloc : memref<!tpu.dma_semaphore, #tpu.memory_space<semaphore_mem>>
        %dma_start3A = arith.constant 0 : i32
        %dma_start3A_68 = tpu.memref_slice %arg6[%arg0, %dma_start3A] : memref<2x10240xf32, #tpu.memory_space<hbm>> -> memref<1x10240xf32, #tpu.memory_space<hbm>>
        %dma_start3A_69 = tpu.memref_squeeze %dma_start3A_68 : memref<1x10240xf32, #tpu.memory_space<hbm>> -> memref<10240xf32, #tpu.memory_space<hbm>>
        tpu.enqueue_dma source(%arg13 : memref<10240xf32, #tpu.memory_space<vmem_shared>>) target(%dma_start3A_69 : memref<10240xf32, #tpu.memory_space<hbm>>) target_semaphore(%run_scoped3A : memref<!tpu.dma_semaphore, #tpu.memory_space<semaphore_mem>>)
        %dma_wait3A = arith.constant 0 : i32
        %dma_wait3A_70 = tpu.memref_slice %arg6[%arg0, %dma_wait3A] : memref<2x10240xf32, #tpu.memory_space<hbm>> -> memref<1x10240xf32, #tpu.memory_space<hbm>>
        %dma_wait3A_71 = tpu.memref_squeeze %dma_wait3A_70 : memref<1x10240xf32, #tpu.memory_space<hbm>> -> memref<10240xf32, #tpu.memory_space<hbm>>
        tpu.wait_dma2 semaphore(%run_scoped3A : memref<!tpu.dma_semaphore, #tpu.memory_space<semaphore_mem>>) src(%arg13 : memref<10240xf32, #tpu.memory_space<vmem_shared>>) dst(%dma_wait3A_71 : memref<10240xf32, #tpu.memory_space<hbm>>)
        tpu.yield
      }) : () -> ()
    } else {
    }
    return
  }
}

#map = affine_map<(d0, d1) -> (0, 0)>
#map1 = affine_map<(d0, d1) -> (0, 0, 0)>
module attributes {stable_mosaic.version = 14 : i64} {
  func.func @prop(%arg0: i32, %arg1: i32, %arg2: memref<10240x128xf32, #tpu.memory_space<hbm>>, %arg3: memref<2560x128xi32, #tpu.memory_space<hbm>>, %arg4: memref<2560x128xi32, #tpu.memory_space<hbm>>, %arg5: memref<2x10240x128xf32, #tpu.memory_space<hbm>>, %arg6: memref<40x128xi32, #tpu.memory_space<vmem>>, %arg7: memref<40x128xi32, #tpu.memory_space<vmem>>, %arg8: memref<2x128x128xf32, #tpu.memory_space<vmem>>, %arg9: memref<10240x128xf32, #tpu.memory_space<vmem_shared>>, %arg10: memref<!tpu.dma_semaphore, #tpu.memory_space<semaphore_mem>>, %arg11: memref<!tpu.dma_semaphore, #tpu.memory_space<semaphore_mem>>) attributes {dimension_semantics = [#tpu.dimension_semantics<core_parallel>, #tpu.dimension_semantics<subcore_parallel>], iteration_bounds = array<i64: 2, 16>, scalar_prefetch = 0 : i64, scratch_operands = 6 : i64, tpu.core_type = #tpu.core_type<sc_vector_subcore>, window_params = [{transform_indices = #map}, {transform_indices = #map}, {transform_indices = #map}, {transform_indices = #map1}]} {
    %mul3A = arith.constant 2 : i32
    %mul3A_0 = arith.muli %arg1, %mul3A : i32
    %add3A = arith.addi %mul3A_0, %arg0 : i32
    %mul3A_1 = arith.constant 80 : i32
    %mul3A_2 = arith.muli %add3A, %mul3A_1 : i32
    "tpu.region"() ({
      %run_scoped3A = tpu.sem_alloc : memref<!tpu.dma_semaphore, #tpu.memory_space<semaphore_mem>>
      %dma_start3A_58 = arith.constant 0 : i32
      %dma_start3A_59 = tpu.memref_slice %arg3[%mul3A_2, %dma_start3A_58] : memref<2560x128xi32, #tpu.memory_space<hbm>> -> memref<40x128xi32, #tpu.memory_space<hbm>>
      %dma_start3A_60 = arith.constant 0 : i32
      %dma_start3A_61 = tpu.memref_slice %arg3[%mul3A_2, %dma_start3A_60] : memref<2560x128xi32, #tpu.memory_space<hbm>> -> memref<40x128xi32, #tpu.memory_space<hbm>>
      tpu.enqueue_dma source(%dma_start3A_61 : memref<40x128xi32, #tpu.memory_space<hbm>>) target(%arg6 : memref<40x128xi32, #tpu.memory_space<vmem>>) target_semaphore(%run_scoped3A : memref<!tpu.dma_semaphore, #tpu.memory_space<semaphore_mem>>)
      %dma_wait3A = arith.constant 0 : i32
      %dma_wait3A_62 = tpu.memref_slice %arg3[%mul3A_2, %dma_wait3A] : memref<2560x128xi32, #tpu.memory_space<hbm>> -> memref<40x128xi32, #tpu.memory_space<hbm>>
      %dma_wait3A_63 = arith.constant 0 : i32
      %dma_wait3A_64 = tpu.memref_slice %arg3[%mul3A_2, %dma_wait3A_63] : memref<2560x128xi32, #tpu.memory_space<hbm>> -> memref<40x128xi32, #tpu.memory_space<hbm>>
      tpu.wait_dma2 semaphore(%run_scoped3A : memref<!tpu.dma_semaphore, #tpu.memory_space<semaphore_mem>>) src(%dma_wait3A_64 : memref<40x128xi32, #tpu.memory_space<hbm>>) dst(%arg6 : memref<40x128xi32, #tpu.memory_space<vmem>>)
      tpu.yield
    }) : () -> ()
    "tpu.region"() ({
      %run_scoped3A = tpu.sem_alloc : memref<!tpu.dma_semaphore, #tpu.memory_space<semaphore_mem>>
      %dma_start3A_58 = arith.constant 0 : i32
      %dma_start3A_59 = tpu.memref_slice %arg4[%mul3A_2, %dma_start3A_58] : memref<2560x128xi32, #tpu.memory_space<hbm>> -> memref<40x128xi32, #tpu.memory_space<hbm>>
      %dma_start3A_60 = arith.constant 0 : i32
      %dma_start3A_61 = tpu.memref_slice %arg4[%mul3A_2, %dma_start3A_60] : memref<2560x128xi32, #tpu.memory_space<hbm>> -> memref<40x128xi32, #tpu.memory_space<hbm>>
      tpu.enqueue_dma source(%dma_start3A_61 : memref<40x128xi32, #tpu.memory_space<hbm>>) target(%arg7 : memref<40x128xi32, #tpu.memory_space<vmem>>) target_semaphore(%run_scoped3A : memref<!tpu.dma_semaphore, #tpu.memory_space<semaphore_mem>>)
      %dma_wait3A = arith.constant 0 : i32
      %dma_wait3A_62 = tpu.memref_slice %arg4[%mul3A_2, %dma_wait3A] : memref<2560x128xi32, #tpu.memory_space<hbm>> -> memref<40x128xi32, #tpu.memory_space<hbm>>
      %dma_wait3A_63 = arith.constant 0 : i32
      %dma_wait3A_64 = tpu.memref_slice %arg4[%mul3A_2, %dma_wait3A_63] : memref<2560x128xi32, #tpu.memory_space<hbm>> -> memref<40x128xi32, #tpu.memory_space<hbm>>
      tpu.wait_dma2 semaphore(%run_scoped3A : memref<!tpu.dma_semaphore, #tpu.memory_space<semaphore_mem>>) src(%dma_wait3A_64 : memref<40x128xi32, #tpu.memory_space<hbm>>) dst(%arg7 : memref<40x128xi32, #tpu.memory_space<vmem>>)
      tpu.yield
    }) : () -> ()
    %dma_start3A = arith.constant 0 : i32
    %dma_start3A_3 = arith.constant 0 : i32
    %dma_start3A_4 = arith.constant 0 : i32
    %dma_start3A_5 = arith.constant 0 : i32
    %dma_start3A_6 = tpu.memref_slice %arg8[%dma_start3A_3, %dma_start3A_4, %dma_start3A_5] : memref<2x128x128xf32, #tpu.memory_space<vmem>> -> memref<1x128x128xf32, #tpu.memory_space<vmem>>
    %dma_start3A_7 = tpu.memref_squeeze %dma_start3A_6 : memref<1x128x128xf32, #tpu.memory_space<vmem>> -> memref<128x128xf32, #tpu.memory_space<vmem>>
    %dma_start3A_8 = arith.constant 0 : i32
    %dma_start3A_9 = tpu.memref_slice %arg6[%dma_start3A, %dma_start3A_8] : memref<40x128xi32, #tpu.memory_space<vmem>> -> memref<1x128xi32, #tpu.memory_space<vmem>>
    %dma_start3A_10 = tpu.memref_squeeze %dma_start3A_9 : memref<1x128xi32, #tpu.memory_space<vmem>> -> memref<128xi32, #tpu.memory_space<vmem>>
    %dma_start3A_11 = arith.constant 0 : i32
    %dma_start3A_12 = arith.constant 0 : i32
    %dma_start3A_13 = tpu.memref_slice %arg2[%dma_start3A_11, %dma_start3A_12] : memref<10240x128xf32, #tpu.memory_space<hbm>> -> memref<10240x128xf32, #tpu.memory_space<hbm>>
    tpu.enqueue_indirect_dma source(%dma_start3A_13 : memref<10240x128xf32, #tpu.memory_space<hbm>>) target(%dma_start3A_7 : memref<128x128xf32, #tpu.memory_space<vmem>>) offsets(%dma_start3A_10 : memref<128xi32, #tpu.memory_space<vmem>>) semaphore(%arg10 : memref<!tpu.dma_semaphore, #tpu.memory_space<semaphore_mem>>)
    %scan3A = arith.constant 0 : i32
    %scan3A_14 = arith.constant 0 : i32
    %scan3A_15 = arith.constant 128 : i32
    %scan3A_16 = arith.addi %scan3A_14, %scan3A_15 : i32
    %scan3A_17 = arith.constant 1 : i32
    scf.for %scan3A_58 = %scan3A_14 to %scan3A_16 step %scan3A_17  : i32 {
      %broadcast_in_dim3A = arith.constant 0.000000e+00 : f32
      %broadcast_in_dim3A_59 = vector.broadcast %broadcast_in_dim3A : f32 to vector<16xf32>
      %swap3A = arith.constant 1 : i32
      %swap3A_60 = arith.index_cast %swap3A : i32 to index
      %swap3A_61 = arith.index_cast %scan3A_58 : i32 to index
      %swap3A_62 = arith.constant 0 : index
      %swap3A_63 = tpu.vector_load %arg8[%swap3A_60, %swap3A_61, %swap3A_62] {strides = array<i32>} : memref<2x128x128xf32, #tpu.memory_space<vmem>>, vector<1x1x16xf32>,
      %swap3A_64 = vector.shape_cast %swap3A_63 : vector<1x1x16xf32> to vector<16xf32>
      %swap3A_65 = vector.shape_cast %broadcast_in_dim3A_59 : vector<16xf32> to vector<1x1x16xf32>
      tpu.vector_store %arg8[%swap3A_60, %swap3A_61, %swap3A_62], %swap3A_65 {strides = array<i32>} : memref<2x128x128xf32, #tpu.memory_space<vmem>>, vector<1x1x16xf32>,
      %broadcast_in_dim3A_66 = arith.constant 0.000000e+00 : f32
      %broadcast_in_dim3A_67 = vector.broadcast %broadcast_in_dim3A_66 : f32 to vector<16xf32>
      %swap3A_68 = arith.constant 1 : i32
      %swap3A_69 = arith.index_cast %swap3A_68 : i32 to index
      %swap3A_70 = arith.index_cast %scan3A_58 : i32 to index
      %swap3A_71 = arith.constant 16 : index
      %swap3A_72 = tpu.vector_load %arg8[%swap3A_69, %swap3A_70, %swap3A_71] {strides = array<i32>} : memref<2x128x128xf32, #tpu.memory_space<vmem>>, vector<1x1x16xf32>,
      %swap3A_73 = vector.shape_cast %swap3A_72 : vector<1x1x16xf32> to vector<16xf32>
      %swap3A_74 = vector.shape_cast %broadcast_in_dim3A_67 : vector<16xf32> to vector<1x1x16xf32>
      tpu.vector_store %arg8[%swap3A_69, %swap3A_70, %swap3A_71], %swap3A_74 {strides = array<i32>} : memref<2x128x128xf32, #tpu.memory_space<vmem>>, vector<1x1x16xf32>,
      %broadcast_in_dim3A_75 = arith.constant 0.000000e+00 : f32
      %broadcast_in_dim3A_76 = vector.broadcast %broadcast_in_dim3A_75 : f32 to vector<16xf32>
      %swap3A_77 = arith.constant 1 : i32
      %swap3A_78 = arith.index_cast %swap3A_77 : i32 to index
      %swap3A_79 = arith.index_cast %scan3A_58 : i32 to index
      %swap3A_80 = arith.constant 32 : index
      %swap3A_81 = tpu.vector_load %arg8[%swap3A_78, %swap3A_79, %swap3A_80] {strides = array<i32>} : memref<2x128x128xf32, #tpu.memory_space<vmem>>, vector<1x1x16xf32>,
      %swap3A_82 = vector.shape_cast %swap3A_81 : vector<1x1x16xf32> to vector<16xf32>
      %swap3A_83 = vector.shape_cast %broadcast_in_dim3A_76 : vector<16xf32> to vector<1x1x16xf32>
      tpu.vector_store %arg8[%swap3A_78, %swap3A_79, %swap3A_80], %swap3A_83 {strides = array<i32>} : memref<2x128x128xf32, #tpu.memory_space<vmem>>, vector<1x1x16xf32>,
      %broadcast_in_dim3A_84 = arith.constant 0.000000e+00 : f32
      %broadcast_in_dim3A_85 = vector.broadcast %broadcast_in_dim3A_84 : f32 to vector<16xf32>
      %swap3A_86 = arith.constant 1 : i32
      %swap3A_87 = arith.index_cast %swap3A_86 : i32 to index
      %swap3A_88 = arith.index_cast %scan3A_58 : i32 to index
      %swap3A_89 = arith.constant 48 : index
      %swap3A_90 = tpu.vector_load %arg8[%swap3A_87, %swap3A_88, %swap3A_89] {strides = array<i32>} : memref<2x128x128xf32, #tpu.memory_space<vmem>>, vector<1x1x16xf32>,
      %swap3A_91 = vector.shape_cast %swap3A_90 : vector<1x1x16xf32> to vector<16xf32>
      %swap3A_92 = vector.shape_cast %broadcast_in_dim3A_85 : vector<16xf32> to vector<1x1x16xf32>
      tpu.vector_store %arg8[%swap3A_87, %swap3A_88, %swap3A_89], %swap3A_92 {strides = array<i32>} : memref<2x128x128xf32, #tpu.memory_space<vmem>>, vector<1x1x16xf32>,
      %broadcast_in_dim3A_93 = arith.constant 0.000000e+00 : f32
      %broadcast_in_dim3A_94 = vector.broadcast %broadcast_in_dim3A_93 : f32 to vector<16xf32>
      %swap3A_95 = arith.constant 1 : i32
      %swap3A_96 = arith.index_cast %swap3A_95 : i32 to index
      %swap3A_97 = arith.index_cast %scan3A_58 : i32 to index
      %swap3A_98 = arith.constant 64 : index
      %swap3A_99 = tpu.vector_load %arg8[%swap3A_96, %swap3A_97, %swap3A_98] {strides = array<i32>} : memref<2x128x128xf32, #tpu.memory_space<vmem>>, vector<1x1x16xf32>,
      %swap3A_100 = vector.shape_cast %swap3A_99 : vector<1x1x16xf32> to vector<16xf32>
      %swap3A_101 = vector.shape_cast %broadcast_in_dim3A_94 : vector<16xf32> to vector<1x1x16xf32>
      tpu.vector_store %arg8[%swap3A_96, %swap3A_97, %swap3A_98], %swap3A_101 {strides = array<i32>} : memref<2x128x128xf32, #tpu.memory_space<vmem>>, vector<1x1x16xf32>,
      %broadcast_in_dim3A_102 = arith.constant 0.000000e+00 : f32
      %broadcast_in_dim3A_103 = vector.broadcast %broadcast_in_dim3A_102 : f32 to vector<16xf32>
      %swap3A_104 = arith.constant 1 : i32
      %swap3A_105 = arith.index_cast %swap3A_104 : i32 to index
      %swap3A_106 = arith.index_cast %scan3A_58 : i32 to index
      %swap3A_107 = arith.constant 80 : index
      %swap3A_108 = tpu.vector_load %arg8[%swap3A_105, %swap3A_106, %swap3A_107] {strides = array<i32>} : memref<2x128x128xf32, #tpu.memory_space<vmem>>, vector<1x1x16xf32>,
      %swap3A_109 = vector.shape_cast %swap3A_108 : vector<1x1x16xf32> to vector<16xf32>
      %swap3A_110 = vector.shape_cast %broadcast_in_dim3A_103 : vector<16xf32> to vector<1x1x16xf32>
      tpu.vector_store %arg8[%swap3A_105, %swap3A_106, %swap3A_107], %swap3A_110 {strides = array<i32>} : memref<2x128x128xf32, #tpu.memory_space<vmem>>, vector<1x1x16xf32>,
      %broadcast_in_dim3A_111 = arith.constant 0.000000e+00 : f32
      %broadcast_in_dim3A_112 = vector.broadcast %broadcast_in_dim3A_111 : f32 to vector<16xf32>
      %swap3A_113 = arith.constant 1 : i32
      %swap3A_114 = arith.index_cast %swap3A_113 : i32 to index
      %swap3A_115 = arith.index_cast %scan3A_58 : i32 to index
      %swap3A_116 = arith.constant 96 : index
      %swap3A_117 = tpu.vector_load %arg8[%swap3A_114, %swap3A_115, %swap3A_116] {strides = array<i32>} : memref<2x128x128xf32, #tpu.memory_space<vmem>>, vector<1x1x16xf32>,
      %swap3A_118 = vector.shape_cast %swap3A_117 : vector<1x1x16xf32> to vector<16xf32>
      %swap3A_119 = vector.shape_cast %broadcast_in_dim3A_112 : vector<16xf32> to vector<1x1x16xf32>
      tpu.vector_store %arg8[%swap3A_114, %swap3A_115, %swap3A_116], %swap3A_119 {strides = array<i32>} : memref<2x128x128xf32, #tpu.memory_space<vmem>>, vector<1x1x16xf32>,
      %broadcast_in_dim3A_120 = arith.constant 0.000000e+00 : f32
      %broadcast_in_dim3A_121 = vector.broadcast %broadcast_in_dim3A_120 : f32 to vector<16xf32>
      %swap3A_122 = arith.constant 1 : i32
      %swap3A_123 = arith.index_cast %swap3A_122 : i32 to index
      %swap3A_124 = arith.index_cast %scan3A_58 : i32 to index
      %swap3A_125 = arith.constant 112 : index
      %swap3A_126 = tpu.vector_load %arg8[%swap3A_123, %swap3A_124, %swap3A_125] {strides = array<i32>} : memref<2x128x128xf32, #tpu.memory_space<vmem>>, vector<1x1x16xf32>,
      %swap3A_127 = vector.shape_cast %swap3A_126 : vector<1x1x16xf32> to vector<16xf32>
      %swap3A_128 = vector.shape_cast %broadcast_in_dim3A_121 : vector<16xf32> to vector<1x1x16xf32>
      tpu.vector_store %arg8[%swap3A_123, %swap3A_124, %swap3A_125], %swap3A_128 {strides = array<i32>} : memref<2x128x128xf32, #tpu.memory_space<vmem>>, vector<1x1x16xf32>,
    }
    %scan3A_18 = arith.constant 128 : i32
    %scan3A_19 = arith.constant 0 : i32
    %scan3A_20 = arith.constant 0 : i32
    %scan3A_21 = arith.constant 5 : i32
    %scan3A_22 = arith.addi %scan3A_20, %scan3A_21 : i32
    %scan3A_23 = arith.constant 1 : i32
    scf.for %scan3A_58 = %scan3A_20 to %scan3A_22 step %scan3A_23  : i32 {
      %mul3A_59 = arith.constant 640 : i32
      %mul3A_60 = arith.muli %arg1, %mul3A_59 : i32
      %mul3A_61 = arith.constant 128 : i32
      %mul3A_62 = arith.muli %scan3A_58, %mul3A_61 : i32
      %add3A_63 = arith.addi %mul3A_60, %mul3A_62 : i32
      %run_scoped3A = arith.constant 1 : i32
      "tpu.region"() ({
        %run_scoped3A_64 = tpu.sem_alloc : memref<!tpu.dma_semaphore, #tpu.memory_space<semaphore_mem>>
        %dma_start3A_65 = arith.constant 0 : i32
        %dma_start3A_66 = arith.constant 0 : i32
        %dma_start3A_67 = tpu.memref_slice %arg8[%run_scoped3A, %dma_start3A_65, %dma_start3A_66] : memref<2x128x128xf32, #tpu.memory_space<vmem>> -> memref<1x128x128xf32, #tpu.memory_space<vmem>>
        %dma_start3A_68 = tpu.memref_squeeze %dma_start3A_67 : memref<1x128x128xf32, #tpu.memory_space<vmem>> -> memref<128x128xf32, #tpu.memory_space<vmem>>
        %dma_start3A_69 = arith.constant 0 : i32
        %dma_start3A_70 = tpu.memref_slice %arg9[%add3A_63, %dma_start3A_69] : memref<10240x128xf32, #tpu.memory_space<vmem_shared>> -> memref<128x128xf32, #tpu.memory_space<vmem_shared>>
        %dma_start3A_71 = arith.constant 0 : i32
        %dma_start3A_72 = tpu.memref_slice %arg9[%add3A_63, %dma_start3A_71] : memref<10240x128xf32, #tpu.memory_space<vmem_shared>> -> memref<128x128xf32, #tpu.memory_space<vmem_shared>>
        %dma_start3A_73 = arith.constant 0 : i32
        %dma_start3A_74 = arith.constant 0 : i32
        %dma_start3A_75 = tpu.memref_slice %arg8[%run_scoped3A, %dma_start3A_73, %dma_start3A_74] : memref<2x128x128xf32, #tpu.memory_space<vmem>> -> memref<1x128x128xf32, #tpu.memory_space<vmem>>
        %dma_start3A_76 = tpu.memref_squeeze %dma_start3A_75 : memref<1x128x128xf32, #tpu.memory_space<vmem>> -> memref<128x128xf32, #tpu.memory_space<vmem>>
        tpu.enqueue_dma source(%dma_start3A_76 : memref<128x128xf32, #tpu.memory_space<vmem>>) target(%dma_start3A_72 : memref<128x128xf32, #tpu.memory_space<vmem_shared>>) target_semaphore(%run_scoped3A_64 : memref<!tpu.dma_semaphore, #tpu.memory_space<semaphore_mem>>)
        %dma_wait3A = arith.constant 0 : i32
        %dma_wait3A_77 = arith.constant 0 : i32
        %dma_wait3A_78 = tpu.memref_slice %arg8[%run_scoped3A, %dma_wait3A, %dma_wait3A_77] : memref<2x128x128xf32, #tpu.memory_space<vmem>> -> memref<1x128x128xf32, #tpu.memory_space<vmem>>
        %dma_wait3A_79 = tpu.memref_squeeze %dma_wait3A_78 : memref<1x128x128xf32, #tpu.memory_space<vmem>> -> memref<128x128xf32, #tpu.memory_space<vmem>>
        %dma_wait3A_80 = arith.constant 0 : i32
        %dma_wait3A_81 = tpu.memref_slice %arg9[%add3A_63, %dma_wait3A_80] : memref<10240x128xf32, #tpu.memory_space<vmem_shared>> -> memref<128x128xf32, #tpu.memory_space<vmem_shared>>
        %dma_wait3A_82 = arith.constant 0 : i32
        %dma_wait3A_83 = tpu.memref_slice %arg9[%add3A_63, %dma_wait3A_82] : memref<10240x128xf32, #tpu.memory_space<vmem_shared>> -> memref<128x128xf32, #tpu.memory_space<vmem_shared>>
        %dma_wait3A_84 = arith.constant 0 : i32
        %dma_wait3A_85 = arith.constant 0 : i32
        %dma_wait3A_86 = tpu.memref_slice %arg8[%run_scoped3A, %dma_wait3A_84, %dma_wait3A_85] : memref<2x128x128xf32, #tpu.memory_space<vmem>> -> memref<1x128x128xf32, #tpu.memory_space<vmem>>
        %dma_wait3A_87 = tpu.memref_squeeze %dma_wait3A_86 : memref<1x128x128xf32, #tpu.memory_space<vmem>> -> memref<128x128xf32, #tpu.memory_space<vmem>>
        tpu.wait_dma2 semaphore(%run_scoped3A_64 : memref<!tpu.dma_semaphore, #tpu.memory_space<semaphore_mem>>) src(%dma_wait3A_87 : memref<128x128xf32, #tpu.memory_space<vmem>>) dst(%dma_wait3A_83 : memref<128x128xf32, #tpu.memory_space<vmem_shared>>)
        tpu.yield
      }) : () -> ()
    }
    %scan3A_24 = arith.constant 5 : i32
    %barrier3A = arith.constant 0 : index
    tpu.barrier barrier_id(%barrier3A)
    %scan3A_25 = arith.constant 0 : i32
    %scan3A_26 = arith.constant 0 : i32
    %scan3A_27 = arith.constant 20 : i32
    %scan3A_28 = arith.addi %scan3A_26, %scan3A_27 : i32
    %scan3A_29 = arith.constant 1 : i32
    scf.for %scan3A_58 = %scan3A_26 to %scan3A_28 step %scan3A_29  : i32 {
      %mul3A_59 = arith.constant 2 : i32
      %mul3A_60 = arith.muli %scan3A_58, %mul3A_59 : i32
      %add3A_61 = arith.constant 1 : i32
      %add3A_62 = arith.addi %mul3A_60, %add3A_61 : i32
      %dma_start3A_63 = arith.constant 1 : i32
      %dma_start3A_64 = arith.constant 0 : i32
      %dma_start3A_65 = arith.constant 0 : i32
      %dma_start3A_66 = tpu.memref_slice %arg8[%dma_start3A_63, %dma_start3A_64, %dma_start3A_65] : memref<2x128x128xf32, #tpu.memory_space<vmem>> -> memref<1x128x128xf32, #tpu.memory_space<vmem>>
      %dma_start3A_67 = tpu.memref_squeeze %dma_start3A_66 : memref<1x128x128xf32, #tpu.memory_space<vmem>> -> memref<128x128xf32, #tpu.memory_space<vmem>>
      %dma_start3A_68 = arith.constant 0 : i32
      %dma_start3A_69 = tpu.memref_slice %arg6[%add3A_62, %dma_start3A_68] : memref<40x128xi32, #tpu.memory_space<vmem>> -> memref<1x128xi32, #tpu.memory_space<vmem>>
      %dma_start3A_70 = tpu.memref_squeeze %dma_start3A_69 : memref<1x128xi32, #tpu.memory_space<vmem>> -> memref<128xi32, #tpu.memory_space<vmem>>
      %dma_start3A_71 = arith.constant 0 : i32
      %dma_start3A_72 = arith.constant 0 : i32
      %dma_start3A_73 = tpu.memref_slice %arg2[%dma_start3A_71, %dma_start3A_72] : memref<10240x128xf32, #tpu.memory_space<hbm>> -> memref<10240x128xf32, #tpu.memory_space<hbm>>
      tpu.enqueue_indirect_dma source(%dma_start3A_73 : memref<10240x128xf32, #tpu.memory_space<hbm>>) target(%dma_start3A_67 : memref<128x128xf32, #tpu.memory_space<vmem>>) offsets(%dma_start3A_70 : memref<128xi32, #tpu.memory_space<vmem>>) semaphore(%arg11 : memref<!tpu.dma_semaphore, #tpu.memory_space<semaphore_mem>>)
      %dma_wait3A = arith.constant 0 : i32
      %dma_wait3A_74 = arith.constant 0 : i32
      %dma_wait3A_75 = arith.constant 0 : i32
      %dma_wait3A_76 = tpu.memref_slice %arg8[%dma_wait3A, %dma_wait3A_74, %dma_wait3A_75] : memref<2x128x128xf32, #tpu.memory_space<vmem>> -> memref<1x128x128xf32, #tpu.memory_space<vmem>>
      %dma_wait3A_77 = tpu.memref_squeeze %dma_wait3A_76 : memref<1x128x128xf32, #tpu.memory_space<vmem>> -> memref<128x128xf32, #tpu.memory_space<vmem>>
      %dma_wait3A_78 = arith.constant 0 : i32
      %dma_wait3A_79 = tpu.memref_slice %arg6[%mul3A_60, %dma_wait3A_78] : memref<40x128xi32, #tpu.memory_space<vmem>> -> memref<1x128xi32, #tpu.memory_space<vmem>>
      %dma_wait3A_80 = tpu.memref_squeeze %dma_wait3A_79 : memref<1x128xi32, #tpu.memory_space<vmem>> -> memref<128xi32, #tpu.memory_space<vmem>>
      %dma_wait3A_81 = arith.constant 0 : i32
      %dma_wait3A_82 = arith.constant 0 : i32
      %dma_wait3A_83 = tpu.memref_slice %arg2[%dma_wait3A_81, %dma_wait3A_82] : memref<10240x128xf32, #tpu.memory_space<hbm>> -> memref<10240x128xf32, #tpu.memory_space<hbm>>
      tpu.wait_indirect_dma semaphore(%arg10 : memref<!tpu.dma_semaphore, #tpu.memory_space<semaphore_mem>>) src(%dma_wait3A_83 : memref<10240x128xf32, #tpu.memory_space<hbm>>) dst(%dma_wait3A_77 : memref<128x128xf32, #tpu.memory_space<vmem>>)
      %run_scoped3A = arith.constant 0 : i32
      "tpu.region"() ({
        %run_scoped3A_102 = tpu.sem_alloc : memref<!tpu.dma_semaphore, #tpu.memory_space<semaphore_mem>>
        %dma_start3A_103 = arith.constant 0 : i32
        %dma_start3A_104 = arith.constant 0 : i32
        %dma_start3A_105 = tpu.memref_slice %arg8[%run_scoped3A, %dma_start3A_103, %dma_start3A_104] : memref<2x128x128xf32, #tpu.memory_space<vmem>> -> memref<1x128x128xf32, #tpu.memory_space<vmem>>
        %dma_start3A_106 = tpu.memref_squeeze %dma_start3A_105 : memref<1x128x128xf32, #tpu.memory_space<vmem>> -> memref<128x128xf32, #tpu.memory_space<vmem>>
        %dma_start3A_107 = arith.constant 0 : i32
        %dma_start3A_108 = tpu.memref_slice %arg7[%mul3A_60, %dma_start3A_107] : memref<40x128xi32, #tpu.memory_space<vmem>> -> memref<1x128xi32, #tpu.memory_space<vmem>>
        %dma_start3A_109 = tpu.memref_squeeze %dma_start3A_108 : memref<1x128xi32, #tpu.memory_space<vmem>> -> memref<128xi32, #tpu.memory_space<vmem>>
        %dma_start3A_110 = arith.constant 0 : i32
        %dma_start3A_111 = arith.constant 0 : i32
        %dma_start3A_112 = tpu.memref_slice %arg9[%dma_start3A_110, %dma_start3A_111] : memref<10240x128xf32, #tpu.memory_space<vmem_shared>> -> memref<10240x128xf32, #tpu.memory_space<vmem_shared>>
        tpu.enqueue_indirect_dma source(%dma_start3A_106 : memref<128x128xf32, #tpu.memory_space<vmem>>) target(%dma_start3A_112 : memref<10240x128xf32, #tpu.memory_space<vmem_shared>>) offsets(%dma_start3A_109 : memref<128xi32, #tpu.memory_space<vmem>>) semaphore(%run_scoped3A_102 : memref<!tpu.dma_semaphore, #tpu.memory_space<semaphore_mem>>) {add = true}
        %dma_wait3A_113 = arith.constant 0 : i32
        %dma_wait3A_114 = arith.constant 0 : i32
        %dma_wait3A_115 = tpu.memref_slice %arg8[%run_scoped3A, %dma_wait3A_113, %dma_wait3A_114] : memref<2x128x128xf32, #tpu.memory_space<vmem>> -> memref<1x128x128xf32, #tpu.memory_space<vmem>>
        %dma_wait3A_116 = tpu.memref_squeeze %dma_wait3A_115 : memref<1x128x128xf32, #tpu.memory_space<vmem>> -> memref<128x128xf32, #tpu.memory_space<vmem>>
        %dma_wait3A_117 = arith.constant 0 : i32
        %dma_wait3A_118 = tpu.memref_slice %arg7[%mul3A_60, %dma_wait3A_117] : memref<40x128xi32, #tpu.memory_space<vmem>> -> memref<1x128xi32, #tpu.memory_space<vmem>>
        %dma_wait3A_119 = tpu.memref_squeeze %dma_wait3A_118 : memref<1x128xi32, #tpu.memory_space<vmem>> -> memref<128xi32, #tpu.memory_space<vmem>>
        %dma_wait3A_120 = arith.constant 0 : i32
        %dma_wait3A_121 = arith.constant 0 : i32
        %dma_wait3A_122 = tpu.memref_slice %arg9[%dma_wait3A_120, %dma_wait3A_121] : memref<10240x128xf32, #tpu.memory_space<vmem_shared>> -> memref<10240x128xf32, #tpu.memory_space<vmem_shared>>
        tpu.wait_indirect_dma semaphore(%run_scoped3A_102 : memref<!tpu.dma_semaphore, #tpu.memory_space<semaphore_mem>>) src(%dma_wait3A_116 : memref<128x128xf32, #tpu.memory_space<vmem>>) dst(%dma_wait3A_122 : memref<10240x128xf32, #tpu.memory_space<vmem_shared>>)
        tpu.yield
      }) : () -> ()
      %lt3A = arith.constant 19 : i32
      %lt3A_84 = arith.cmpi slt, %scan3A_58, %lt3A : i32
      %convert_element_type3A = arith.extui %lt3A_84 : i1 to i32
      %cond3A = arith.constant 0 : i32
      %cond3A_85 = arith.cmpi ne, %convert_element_type3A, %cond3A : i32
      scf.if %cond3A_85 {
        %add3A_102 = arith.constant 2 : i32
        %add3A_103 = arith.addi %mul3A_60, %add3A_102 : i32
        %dma_start3A_104 = arith.constant 0 : i32
        %dma_start3A_105 = arith.constant 0 : i32
        %dma_start3A_106 = arith.constant 0 : i32
        %dma_start3A_107 = tpu.memref_slice %arg8[%dma_start3A_104, %dma_start3A_105, %dma_start3A_106] : memref<2x128x128xf32, #tpu.memory_space<vmem>> -> memref<1x128x128xf32, #tpu.memory_space<vmem>>
        %dma_start3A_108 = tpu.memref_squeeze %dma_start3A_107 : memref<1x128x128xf32, #tpu.memory_space<vmem>> -> memref<128x128xf32, #tpu.memory_space<vmem>>
        %dma_start3A_109 = arith.constant 0 : i32
        %dma_start3A_110 = tpu.memref_slice %arg6[%add3A_103, %dma_start3A_109] : memref<40x128xi32, #tpu.memory_space<vmem>> -> memref<1x128xi32, #tpu.memory_space<vmem>>
        %dma_start3A_111 = tpu.memref_squeeze %dma_start3A_110 : memref<1x128xi32, #tpu.memory_space<vmem>> -> memref<128xi32, #tpu.memory_space<vmem>>
        %dma_start3A_112 = arith.constant 0 : i32
        %dma_start3A_113 = arith.constant 0 : i32
        %dma_start3A_114 = tpu.memref_slice %arg2[%dma_start3A_112, %dma_start3A_113] : memref<10240x128xf32, #tpu.memory_space<hbm>> -> memref<10240x128xf32, #tpu.memory_space<hbm>>
        tpu.enqueue_indirect_dma source(%dma_start3A_114 : memref<10240x128xf32, #tpu.memory_space<hbm>>) target(%dma_start3A_108 : memref<128x128xf32, #tpu.memory_space<vmem>>) offsets(%dma_start3A_111 : memref<128xi32, #tpu.memory_space<vmem>>) semaphore(%arg10 : memref<!tpu.dma_semaphore, #tpu.memory_space<semaphore_mem>>)
      } else {
      }
      %add3A_86 = arith.constant 1 : i32
      %add3A_87 = arith.addi %mul3A_60, %add3A_86 : i32
      %dma_wait3A_88 = arith.constant 1 : i32
      %dma_wait3A_89 = arith.constant 0 : i32
      %dma_wait3A_90 = arith.constant 0 : i32
      %dma_wait3A_91 = tpu.memref_slice %arg8[%dma_wait3A_88, %dma_wait3A_89, %dma_wait3A_90] : memref<2x128x128xf32, #tpu.memory_space<vmem>> -> memref<1x128x128xf32, #tpu.memory_space<vmem>>
      %dma_wait3A_92 = tpu.memref_squeeze %dma_wait3A_91 : memref<1x128x128xf32, #tpu.memory_space<vmem>> -> memref<128x128xf32, #tpu.memory_space<vmem>>
      %dma_wait3A_93 = arith.constant 0 : i32
      %dma_wait3A_94 = tpu.memref_slice %arg6[%add3A_87, %dma_wait3A_93] : memref<40x128xi32, #tpu.memory_space<vmem>> -> memref<1x128xi32, #tpu.memory_space<vmem>>
      %dma_wait3A_95 = tpu.memref_squeeze %dma_wait3A_94 : memref<1x128xi32, #tpu.memory_space<vmem>> -> memref<128xi32, #tpu.memory_space<vmem>>
      %dma_wait3A_96 = arith.constant 0 : i32
      %dma_wait3A_97 = arith.constant 0 : i32
      %dma_wait3A_98 = tpu.memref_slice %arg2[%dma_wait3A_96, %dma_wait3A_97] : memref<10240x128xf32, #tpu.memory_space<hbm>> -> memref<10240x128xf32, #tpu.memory_space<hbm>>
      tpu.wait_indirect_dma semaphore(%arg11 : memref<!tpu.dma_semaphore, #tpu.memory_space<semaphore_mem>>) src(%dma_wait3A_98 : memref<10240x128xf32, #tpu.memory_space<hbm>>) dst(%dma_wait3A_92 : memref<128x128xf32, #tpu.memory_space<vmem>>)
      %add3A_99 = arith.constant 1 : i32
      %add3A_100 = arith.addi %mul3A_60, %add3A_99 : i32
      %run_scoped3A_101 = arith.constant 1 : i32
      "tpu.region"() ({
        %run_scoped3A_102 = tpu.sem_alloc : memref<!tpu.dma_semaphore, #tpu.memory_space<semaphore_mem>>
        %dma_start3A_103 = arith.constant 0 : i32
        %dma_start3A_104 = arith.constant 0 : i32
        %dma_start3A_105 = tpu.memref_slice %arg8[%run_scoped3A_101, %dma_start3A_103, %dma_start3A_104] : memref<2x128x128xf32, #tpu.memory_space<vmem>> -> memref<1x128x128xf32, #tpu.memory_space<vmem>>
        %dma_start3A_106 = tpu.memref_squeeze %dma_start3A_105 : memref<1x128x128xf32, #tpu.memory_space<vmem>> -> memref<128x128xf32, #tpu.memory_space<vmem>>
        %dma_start3A_107 = arith.constant 0 : i32
        %dma_start3A_108 = tpu.memref_slice %arg7[%add3A_100, %dma_start3A_107] : memref<40x128xi32, #tpu.memory_space<vmem>> -> memref<1x128xi32, #tpu.memory_space<vmem>>
        %dma_start3A_109 = tpu.memref_squeeze %dma_start3A_108 : memref<1x128xi32, #tpu.memory_space<vmem>> -> memref<128xi32, #tpu.memory_space<vmem>>
        %dma_start3A_110 = arith.constant 0 : i32
        %dma_start3A_111 = arith.constant 0 : i32
        %dma_start3A_112 = tpu.memref_slice %arg9[%dma_start3A_110, %dma_start3A_111] : memref<10240x128xf32, #tpu.memory_space<vmem_shared>> -> memref<10240x128xf32, #tpu.memory_space<vmem_shared>>
        tpu.enqueue_indirect_dma source(%dma_start3A_106 : memref<128x128xf32, #tpu.memory_space<vmem>>) target(%dma_start3A_112 : memref<10240x128xf32, #tpu.memory_space<vmem_shared>>) offsets(%dma_start3A_109 : memref<128xi32, #tpu.memory_space<vmem>>) semaphore(%run_scoped3A_102 : memref<!tpu.dma_semaphore, #tpu.memory_space<semaphore_mem>>) {add = true}
        %dma_wait3A_113 = arith.constant 0 : i32
        %dma_wait3A_114 = arith.constant 0 : i32
        %dma_wait3A_115 = tpu.memref_slice %arg8[%run_scoped3A_101, %dma_wait3A_113, %dma_wait3A_114] : memref<2x128x128xf32, #tpu.memory_space<vmem>> -> memref<1x128x128xf32, #tpu.memory_space<vmem>>
        %dma_wait3A_116 = tpu.memref_squeeze %dma_wait3A_115 : memref<1x128x128xf32, #tpu.memory_space<vmem>> -> memref<128x128xf32, #tpu.memory_space<vmem>>
        %dma_wait3A_117 = arith.constant 0 : i32
        %dma_wait3A_118 = tpu.memref_slice %arg7[%add3A_100, %dma_wait3A_117] : memref<40x128xi32, #tpu.memory_space<vmem>> -> memref<1x128xi32, #tpu.memory_space<vmem>>
        %dma_wait3A_119 = tpu.memref_squeeze %dma_wait3A_118 : memref<1x128xi32, #tpu.memory_space<vmem>> -> memref<128xi32, #tpu.memory_space<vmem>>
        %dma_wait3A_120 = arith.constant 0 : i32
        %dma_wait3A_121 = arith.constant 0 : i32
        %dma_wait3A_122 = tpu.memref_slice %arg9[%dma_wait3A_120, %dma_wait3A_121] : memref<10240x128xf32, #tpu.memory_space<vmem_shared>> -> memref<10240x128xf32, #tpu.memory_space<vmem_shared>>
        tpu.wait_indirect_dma semaphore(%run_scoped3A_102 : memref<!tpu.dma_semaphore, #tpu.memory_space<semaphore_mem>>) src(%dma_wait3A_116 : memref<128x128xf32, #tpu.memory_space<vmem>>) dst(%dma_wait3A_122 : memref<10240x128xf32, #tpu.memory_space<vmem_shared>>)
        tpu.yield
      }) : () -> ()
    }
    %scan3A_30 = arith.constant 20 : i32
    %add3A_31 = arith.constant 40 : i32
    %add3A_32 = arith.addi %mul3A_2, %add3A_31 : i32
    "tpu.region"() ({
      %run_scoped3A = tpu.sem_alloc : memref<!tpu.dma_semaphore, #tpu.memory_space<semaphore_mem>>
      %dma_start3A_58 = arith.constant 0 : i32
      %dma_start3A_59 = tpu.memref_slice %arg3[%add3A_32, %dma_start3A_58] : memref<2560x128xi32, #tpu.memory_space<hbm>> -> memref<40x128xi32, #tpu.memory_space<hbm>>
      %dma_start3A_60 = arith.constant 0 : i32
      %dma_start3A_61 = tpu.memref_slice %arg3[%add3A_32, %dma_start3A_60] : memref<2560x128xi32, #tpu.memory_space<hbm>> -> memref<40x128xi32, #tpu.memory_space<hbm>>
      tpu.enqueue_dma source(%dma_start3A_61 : memref<40x128xi32, #tpu.memory_space<hbm>>) target(%arg6 : memref<40x128xi32, #tpu.memory_space<vmem>>) target_semaphore(%run_scoped3A : memref<!tpu.dma_semaphore, #tpu.memory_space<semaphore_mem>>)
      %dma_wait3A = arith.constant 0 : i32
      %dma_wait3A_62 = tpu.memref_slice %arg3[%add3A_32, %dma_wait3A] : memref<2560x128xi32, #tpu.memory_space<hbm>> -> memref<40x128xi32, #tpu.memory_space<hbm>>
      %dma_wait3A_63 = arith.constant 0 : i32
      %dma_wait3A_64 = tpu.memref_slice %arg3[%add3A_32, %dma_wait3A_63] : memref<2560x128xi32, #tpu.memory_space<hbm>> -> memref<40x128xi32, #tpu.memory_space<hbm>>
      tpu.wait_dma2 semaphore(%run_scoped3A : memref<!tpu.dma_semaphore, #tpu.memory_space<semaphore_mem>>) src(%dma_wait3A_64 : memref<40x128xi32, #tpu.memory_space<hbm>>) dst(%arg6 : memref<40x128xi32, #tpu.memory_space<vmem>>)
      tpu.yield
    }) : () -> ()
    %add3A_33 = arith.constant 40 : i32
    %add3A_34 = arith.addi %mul3A_2, %add3A_33 : i32
    "tpu.region"() ({
      %run_scoped3A = tpu.sem_alloc : memref<!tpu.dma_semaphore, #tpu.memory_space<semaphore_mem>>
      %dma_start3A_58 = arith.constant 0 : i32
      %dma_start3A_59 = tpu.memref_slice %arg4[%add3A_34, %dma_start3A_58] : memref<2560x128xi32, #tpu.memory_space<hbm>> -> memref<40x128xi32, #tpu.memory_space<hbm>>
      %dma_start3A_60 = arith.constant 0 : i32
      %dma_start3A_61 = tpu.memref_slice %arg4[%add3A_34, %dma_start3A_60] : memref<2560x128xi32, #tpu.memory_space<hbm>> -> memref<40x128xi32, #tpu.memory_space<hbm>>
      tpu.enqueue_dma source(%dma_start3A_61 : memref<40x128xi32, #tpu.memory_space<hbm>>) target(%arg7 : memref<40x128xi32, #tpu.memory_space<vmem>>) target_semaphore(%run_scoped3A : memref<!tpu.dma_semaphore, #tpu.memory_space<semaphore_mem>>)
      %dma_wait3A = arith.constant 0 : i32
      %dma_wait3A_62 = tpu.memref_slice %arg4[%add3A_34, %dma_wait3A] : memref<2560x128xi32, #tpu.memory_space<hbm>> -> memref<40x128xi32, #tpu.memory_space<hbm>>
      %dma_wait3A_63 = arith.constant 0 : i32
      %dma_wait3A_64 = tpu.memref_slice %arg4[%add3A_34, %dma_wait3A_63] : memref<2560x128xi32, #tpu.memory_space<hbm>> -> memref<40x128xi32, #tpu.memory_space<hbm>>
      tpu.wait_dma2 semaphore(%run_scoped3A : memref<!tpu.dma_semaphore, #tpu.memory_space<semaphore_mem>>) src(%dma_wait3A_64 : memref<40x128xi32, #tpu.memory_space<hbm>>) dst(%arg7 : memref<40x128xi32, #tpu.memory_space<vmem>>)
      tpu.yield
    }) : () -> ()
    %dma_start3A_35 = arith.constant 0 : i32
    %dma_start3A_36 = arith.constant 0 : i32
    %dma_start3A_37 = arith.constant 0 : i32
    %dma_start3A_38 = arith.constant 0 : i32
    %dma_start3A_39 = tpu.memref_slice %arg8[%dma_start3A_36, %dma_start3A_37, %dma_start3A_38] : memref<2x128x128xf32, #tpu.memory_space<vmem>> -> memref<1x128x128xf32, #tpu.memory_space<vmem>>
    %dma_start3A_40 = tpu.memref_squeeze %dma_start3A_39 : memref<1x128x128xf32, #tpu.memory_space<vmem>> -> memref<128x128xf32, #tpu.memory_space<vmem>>
    %dma_start3A_41 = arith.constant 0 : i32
    %dma_start3A_42 = tpu.memref_slice %arg6[%dma_start3A_35, %dma_start3A_41] : memref<40x128xi32, #tpu.memory_space<vmem>> -> memref<1x128xi32, #tpu.memory_space<vmem>>
    %dma_start3A_43 = tpu.memref_squeeze %dma_start3A_42 : memref<1x128xi32, #tpu.memory_space<vmem>> -> memref<128xi32, #tpu.memory_space<vmem>>
    %dma_start3A_44 = arith.constant 0 : i32
    %dma_start3A_45 = arith.constant 0 : i32
    %dma_start3A_46 = tpu.memref_slice %arg2[%dma_start3A_44, %dma_start3A_45] : memref<10240x128xf32, #tpu.memory_space<hbm>> -> memref<10240x128xf32, #tpu.memory_space<hbm>>
    tpu.enqueue_indirect_dma source(%dma_start3A_46 : memref<10240x128xf32, #tpu.memory_space<hbm>>) target(%dma_start3A_40 : memref<128x128xf32, #tpu.memory_space<vmem>>) offsets(%dma_start3A_43 : memref<128xi32, #tpu.memory_space<vmem>>) semaphore(%arg10 : memref<!tpu.dma_semaphore, #tpu.memory_space<semaphore_mem>>)
    %scan3A_47 = arith.constant 0 : i32
    %scan3A_48 = arith.constant 0 : i32
    %scan3A_49 = arith.constant 20 : i32
    %scan3A_50 = arith.addi %scan3A_48, %scan3A_49 : i32
    %scan3A_51 = arith.constant 1 : i32
    scf.for %scan3A_58 = %scan3A_48 to %scan3A_50 step %scan3A_51  : i32 {
      %mul3A_59 = arith.constant 2 : i32
      %mul3A_60 = arith.muli %scan3A_58, %mul3A_59 : i32
      %add3A_61 = arith.constant 1 : i32
      %add3A_62 = arith.addi %mul3A_60, %add3A_61 : i32
      %dma_start3A_63 = arith.constant 1 : i32
      %dma_start3A_64 = arith.constant 0 : i32
      %dma_start3A_65 = arith.constant 0 : i32
      %dma_start3A_66 = tpu.memref_slice %arg8[%dma_start3A_63, %dma_start3A_64, %dma_start3A_65] : memref<2x128x128xf32, #tpu.memory_space<vmem>> -> memref<1x128x128xf32, #tpu.memory_space<vmem>>
      %dma_start3A_67 = tpu.memref_squeeze %dma_start3A_66 : memref<1x128x128xf32, #tpu.memory_space<vmem>> -> memref<128x128xf32, #tpu.memory_space<vmem>>
      %dma_start3A_68 = arith.constant 0 : i32
      %dma_start3A_69 = tpu.memref_slice %arg6[%add3A_62, %dma_start3A_68] : memref<40x128xi32, #tpu.memory_space<vmem>> -> memref<1x128xi32, #tpu.memory_space<vmem>>
      %dma_start3A_70 = tpu.memref_squeeze %dma_start3A_69 : memref<1x128xi32, #tpu.memory_space<vmem>> -> memref<128xi32, #tpu.memory_space<vmem>>
      %dma_start3A_71 = arith.constant 0 : i32
      %dma_start3A_72 = arith.constant 0 : i32
      %dma_start3A_73 = tpu.memref_slice %arg2[%dma_start3A_71, %dma_start3A_72] : memref<10240x128xf32, #tpu.memory_space<hbm>> -> memref<10240x128xf32, #tpu.memory_space<hbm>>
      tpu.enqueue_indirect_dma source(%dma_start3A_73 : memref<10240x128xf32, #tpu.memory_space<hbm>>) target(%dma_start3A_67 : memref<128x128xf32, #tpu.memory_space<vmem>>) offsets(%dma_start3A_70 : memref<128xi32, #tpu.memory_space<vmem>>) semaphore(%arg11 : memref<!tpu.dma_semaphore, #tpu.memory_space<semaphore_mem>>)
      %dma_wait3A = arith.constant 0 : i32
      %dma_wait3A_74 = arith.constant 0 : i32
      %dma_wait3A_75 = arith.constant 0 : i32
      %dma_wait3A_76 = tpu.memref_slice %arg8[%dma_wait3A, %dma_wait3A_74, %dma_wait3A_75] : memref<2x128x128xf32, #tpu.memory_space<vmem>> -> memref<1x128x128xf32, #tpu.memory_space<vmem>>
      %dma_wait3A_77 = tpu.memref_squeeze %dma_wait3A_76 : memref<1x128x128xf32, #tpu.memory_space<vmem>> -> memref<128x128xf32, #tpu.memory_space<vmem>>
      %dma_wait3A_78 = arith.constant 0 : i32
      %dma_wait3A_79 = tpu.memref_slice %arg6[%mul3A_60, %dma_wait3A_78] : memref<40x128xi32, #tpu.memory_space<vmem>> -> memref<1x128xi32, #tpu.memory_space<vmem>>
      %dma_wait3A_80 = tpu.memref_squeeze %dma_wait3A_79 : memref<1x128xi32, #tpu.memory_space<vmem>> -> memref<128xi32, #tpu.memory_space<vmem>>
      %dma_wait3A_81 = arith.constant 0 : i32
      %dma_wait3A_82 = arith.constant 0 : i32
      %dma_wait3A_83 = tpu.memref_slice %arg2[%dma_wait3A_81, %dma_wait3A_82] : memref<10240x128xf32, #tpu.memory_space<hbm>> -> memref<10240x128xf32, #tpu.memory_space<hbm>>
      tpu.wait_indirect_dma semaphore(%arg10 : memref<!tpu.dma_semaphore, #tpu.memory_space<semaphore_mem>>) src(%dma_wait3A_83 : memref<10240x128xf32, #tpu.memory_space<hbm>>) dst(%dma_wait3A_77 : memref<128x128xf32, #tpu.memory_space<vmem>>)
      %run_scoped3A = arith.constant 0 : i32
      "tpu.region"() ({
        %run_scoped3A_102 = tpu.sem_alloc : memref<!tpu.dma_semaphore, #tpu.memory_space<semaphore_mem>>
        %dma_start3A_103 = arith.constant 0 : i32
        %dma_start3A_104 = arith.constant 0 : i32
        %dma_start3A_105 = tpu.memref_slice %arg8[%run_scoped3A, %dma_start3A_103, %dma_start3A_104] : memref<2x128x128xf32, #tpu.memory_space<vmem>> -> memref<1x128x128xf32, #tpu.memory_space<vmem>>
        %dma_start3A_106 = tpu.memref_squeeze %dma_start3A_105 : memref<1x128x128xf32, #tpu.memory_space<vmem>> -> memref<128x128xf32, #tpu.memory_space<vmem>>
        %dma_start3A_107 = arith.constant 0 : i32
        %dma_start3A_108 = tpu.memref_slice %arg7[%mul3A_60, %dma_start3A_107] : memref<40x128xi32, #tpu.memory_space<vmem>> -> memref<1x128xi32, #tpu.memory_space<vmem>>
        %dma_start3A_109 = tpu.memref_squeeze %dma_start3A_108 : memref<1x128xi32, #tpu.memory_space<vmem>> -> memref<128xi32, #tpu.memory_space<vmem>>
        %dma_start3A_110 = arith.constant 0 : i32
        %dma_start3A_111 = arith.constant 0 : i32
        %dma_start3A_112 = tpu.memref_slice %arg9[%dma_start3A_110, %dma_start3A_111] : memref<10240x128xf32, #tpu.memory_space<vmem_shared>> -> memref<10240x128xf32, #tpu.memory_space<vmem_shared>>
        tpu.enqueue_indirect_dma source(%dma_start3A_106 : memref<128x128xf32, #tpu.memory_space<vmem>>) target(%dma_start3A_112 : memref<10240x128xf32, #tpu.memory_space<vmem_shared>>) offsets(%dma_start3A_109 : memref<128xi32, #tpu.memory_space<vmem>>) semaphore(%run_scoped3A_102 : memref<!tpu.dma_semaphore, #tpu.memory_space<semaphore_mem>>) {add = true}
        %dma_wait3A_113 = arith.constant 0 : i32
        %dma_wait3A_114 = arith.constant 0 : i32
        %dma_wait3A_115 = tpu.memref_slice %arg8[%run_scoped3A, %dma_wait3A_113, %dma_wait3A_114] : memref<2x128x128xf32, #tpu.memory_space<vmem>> -> memref<1x128x128xf32, #tpu.memory_space<vmem>>
        %dma_wait3A_116 = tpu.memref_squeeze %dma_wait3A_115 : memref<1x128x128xf32, #tpu.memory_space<vmem>> -> memref<128x128xf32, #tpu.memory_space<vmem>>
        %dma_wait3A_117 = arith.constant 0 : i32
        %dma_wait3A_118 = tpu.memref_slice %arg7[%mul3A_60, %dma_wait3A_117] : memref<40x128xi32, #tpu.memory_space<vmem>> -> memref<1x128xi32, #tpu.memory_space<vmem>>
        %dma_wait3A_119 = tpu.memref_squeeze %dma_wait3A_118 : memref<1x128xi32, #tpu.memory_space<vmem>> -> memref<128xi32, #tpu.memory_space<vmem>>
        %dma_wait3A_120 = arith.constant 0 : i32
        %dma_wait3A_121 = arith.constant 0 : i32
        %dma_wait3A_122 = tpu.memref_slice %arg9[%dma_wait3A_120, %dma_wait3A_121] : memref<10240x128xf32, #tpu.memory_space<vmem_shared>> -> memref<10240x128xf32, #tpu.memory_space<vmem_shared>>
        tpu.wait_indirect_dma semaphore(%run_scoped3A_102 : memref<!tpu.dma_semaphore, #tpu.memory_space<semaphore_mem>>) src(%dma_wait3A_116 : memref<128x128xf32, #tpu.memory_space<vmem>>) dst(%dma_wait3A_122 : memref<10240x128xf32, #tpu.memory_space<vmem_shared>>)
        tpu.yield
      }) : () -> ()
      %lt3A = arith.constant 19 : i32
      %lt3A_84 = arith.cmpi slt, %scan3A_58, %lt3A : i32
      %convert_element_type3A = arith.extui %lt3A_84 : i1 to i32
      %cond3A = arith.constant 0 : i32
      %cond3A_85 = arith.cmpi ne, %convert_element_type3A, %cond3A : i32
      scf.if %cond3A_85 {
        %add3A_102 = arith.constant 2 : i32
        %add3A_103 = arith.addi %mul3A_60, %add3A_102 : i32
        %dma_start3A_104 = arith.constant 0 : i32
        %dma_start3A_105 = arith.constant 0 : i32
        %dma_start3A_106 = arith.constant 0 : i32
        %dma_start3A_107 = tpu.memref_slice %arg8[%dma_start3A_104, %dma_start3A_105, %dma_start3A_106] : memref<2x128x128xf32, #tpu.memory_space<vmem>> -> memref<1x128x128xf32, #tpu.memory_space<vmem>>
        %dma_start3A_108 = tpu.memref_squeeze %dma_start3A_107 : memref<1x128x128xf32, #tpu.memory_space<vmem>> -> memref<128x128xf32, #tpu.memory_space<vmem>>
        %dma_start3A_109 = arith.constant 0 : i32
        %dma_start3A_110 = tpu.memref_slice %arg6[%add3A_103, %dma_start3A_109] : memref<40x128xi32, #tpu.memory_space<vmem>> -> memref<1x128xi32, #tpu.memory_space<vmem>>
        %dma_start3A_111 = tpu.memref_squeeze %dma_start3A_110 : memref<1x128xi32, #tpu.memory_space<vmem>> -> memref<128xi32, #tpu.memory_space<vmem>>
        %dma_start3A_112 = arith.constant 0 : i32
        %dma_start3A_113 = arith.constant 0 : i32
        %dma_start3A_114 = tpu.memref_slice %arg2[%dma_start3A_112, %dma_start3A_113] : memref<10240x128xf32, #tpu.memory_space<hbm>> -> memref<10240x128xf32, #tpu.memory_space<hbm>>
        tpu.enqueue_indirect_dma source(%dma_start3A_114 : memref<10240x128xf32, #tpu.memory_space<hbm>>) target(%dma_start3A_108 : memref<128x128xf32, #tpu.memory_space<vmem>>) offsets(%dma_start3A_111 : memref<128xi32, #tpu.memory_space<vmem>>) semaphore(%arg10 : memref<!tpu.dma_semaphore, #tpu.memory_space<semaphore_mem>>)
      } else {
      }
      %add3A_86 = arith.constant 1 : i32
      %add3A_87 = arith.addi %mul3A_60, %add3A_86 : i32
      %dma_wait3A_88 = arith.constant 1 : i32
      %dma_wait3A_89 = arith.constant 0 : i32
      %dma_wait3A_90 = arith.constant 0 : i32
      %dma_wait3A_91 = tpu.memref_slice %arg8[%dma_wait3A_88, %dma_wait3A_89, %dma_wait3A_90] : memref<2x128x128xf32, #tpu.memory_space<vmem>> -> memref<1x128x128xf32, #tpu.memory_space<vmem>>
      %dma_wait3A_92 = tpu.memref_squeeze %dma_wait3A_91 : memref<1x128x128xf32, #tpu.memory_space<vmem>> -> memref<128x128xf32, #tpu.memory_space<vmem>>
      %dma_wait3A_93 = arith.constant 0 : i32
      %dma_wait3A_94 = tpu.memref_slice %arg6[%add3A_87, %dma_wait3A_93] : memref<40x128xi32, #tpu.memory_space<vmem>> -> memref<1x128xi32, #tpu.memory_space<vmem>>
      %dma_wait3A_95 = tpu.memref_squeeze %dma_wait3A_94 : memref<1x128xi32, #tpu.memory_space<vmem>> -> memref<128xi32, #tpu.memory_space<vmem>>
      %dma_wait3A_96 = arith.constant 0 : i32
      %dma_wait3A_97 = arith.constant 0 : i32
      %dma_wait3A_98 = tpu.memref_slice %arg2[%dma_wait3A_96, %dma_wait3A_97] : memref<10240x128xf32, #tpu.memory_space<hbm>> -> memref<10240x128xf32, #tpu.memory_space<hbm>>
      tpu.wait_indirect_dma semaphore(%arg11 : memref<!tpu.dma_semaphore, #tpu.memory_space<semaphore_mem>>) src(%dma_wait3A_98 : memref<10240x128xf32, #tpu.memory_space<hbm>>) dst(%dma_wait3A_92 : memref<128x128xf32, #tpu.memory_space<vmem>>)
      %add3A_99 = arith.constant 1 : i32
      %add3A_100 = arith.addi %mul3A_60, %add3A_99 : i32
      %run_scoped3A_101 = arith.constant 1 : i32
      "tpu.region"() ({
        %run_scoped3A_102 = tpu.sem_alloc : memref<!tpu.dma_semaphore, #tpu.memory_space<semaphore_mem>>
        %dma_start3A_103 = arith.constant 0 : i32
        %dma_start3A_104 = arith.constant 0 : i32
        %dma_start3A_105 = tpu.memref_slice %arg8[%run_scoped3A_101, %dma_start3A_103, %dma_start3A_104] : memref<2x128x128xf32, #tpu.memory_space<vmem>> -> memref<1x128x128xf32, #tpu.memory_space<vmem>>
        %dma_start3A_106 = tpu.memref_squeeze %dma_start3A_105 : memref<1x128x128xf32, #tpu.memory_space<vmem>> -> memref<128x128xf32, #tpu.memory_space<vmem>>
        %dma_start3A_107 = arith.constant 0 : i32
        %dma_start3A_108 = tpu.memref_slice %arg7[%add3A_100, %dma_start3A_107] : memref<40x128xi32, #tpu.memory_space<vmem>> -> memref<1x128xi32, #tpu.memory_space<vmem>>
        %dma_start3A_109 = tpu.memref_squeeze %dma_start3A_108 : memref<1x128xi32, #tpu.memory_space<vmem>> -> memref<128xi32, #tpu.memory_space<vmem>>
        %dma_start3A_110 = arith.constant 0 : i32
        %dma_start3A_111 = arith.constant 0 : i32
        %dma_start3A_112 = tpu.memref_slice %arg9[%dma_start3A_110, %dma_start3A_111] : memref<10240x128xf32, #tpu.memory_space<vmem_shared>> -> memref<10240x128xf32, #tpu.memory_space<vmem_shared>>
        tpu.enqueue_indirect_dma source(%dma_start3A_106 : memref<128x128xf32, #tpu.memory_space<vmem>>) target(%dma_start3A_112 : memref<10240x128xf32, #tpu.memory_space<vmem_shared>>) offsets(%dma_start3A_109 : memref<128xi32, #tpu.memory_space<vmem>>) semaphore(%run_scoped3A_102 : memref<!tpu.dma_semaphore, #tpu.memory_space<semaphore_mem>>) {add = true}
        %dma_wait3A_113 = arith.constant 0 : i32
        %dma_wait3A_114 = arith.constant 0 : i32
        %dma_wait3A_115 = tpu.memref_slice %arg8[%run_scoped3A_101, %dma_wait3A_113, %dma_wait3A_114] : memref<2x128x128xf32, #tpu.memory_space<vmem>> -> memref<1x128x128xf32, #tpu.memory_space<vmem>>
        %dma_wait3A_116 = tpu.memref_squeeze %dma_wait3A_115 : memref<1x128x128xf32, #tpu.memory_space<vmem>> -> memref<128x128xf32, #tpu.memory_space<vmem>>
        %dma_wait3A_117 = arith.constant 0 : i32
        %dma_wait3A_118 = tpu.memref_slice %arg7[%add3A_100, %dma_wait3A_117] : memref<40x128xi32, #tpu.memory_space<vmem>> -> memref<1x128xi32, #tpu.memory_space<vmem>>
        %dma_wait3A_119 = tpu.memref_squeeze %dma_wait3A_118 : memref<1x128xi32, #tpu.memory_space<vmem>> -> memref<128xi32, #tpu.memory_space<vmem>>
        %dma_wait3A_120 = arith.constant 0 : i32
        %dma_wait3A_121 = arith.constant 0 : i32
        %dma_wait3A_122 = tpu.memref_slice %arg9[%dma_wait3A_120, %dma_wait3A_121] : memref<10240x128xf32, #tpu.memory_space<vmem_shared>> -> memref<10240x128xf32, #tpu.memory_space<vmem_shared>>
        tpu.wait_indirect_dma semaphore(%run_scoped3A_102 : memref<!tpu.dma_semaphore, #tpu.memory_space<semaphore_mem>>) src(%dma_wait3A_116 : memref<128x128xf32, #tpu.memory_space<vmem>>) dst(%dma_wait3A_122 : memref<10240x128xf32, #tpu.memory_space<vmem_shared>>)
        tpu.yield
      }) : () -> ()
    }
    %scan3A_52 = arith.constant 20 : i32
    %barrier3A_53 = arith.constant 0 : index
    tpu.barrier barrier_id(%barrier3A_53)
    %mul3A_54 = arith.constant 640 : i32
    %mul3A_55 = arith.muli %arg1, %mul3A_54 : i32
    %mul3A_56 = arith.constant 640 : i32
    %mul3A_57 = arith.muli %arg1, %mul3A_56 : i32
    "tpu.region"() ({
      %run_scoped3A = tpu.sem_alloc : memref<!tpu.dma_semaphore, #tpu.memory_space<semaphore_mem>>
      %dma_start3A_58 = arith.constant 0 : i32
      %dma_start3A_59 = tpu.memref_slice %arg5[%arg0, %mul3A_57, %dma_start3A_58] : memref<2x10240x128xf32, #tpu.memory_space<hbm>> -> memref<1x640x128xf32, #tpu.memory_space<hbm>>
      %dma_start3A_60 = tpu.memref_squeeze %dma_start3A_59 : memref<1x640x128xf32, #tpu.memory_space<hbm>> -> memref<640x128xf32, #tpu.memory_space<hbm>>
      %dma_start3A_61 = arith.constant 0 : i32
      %dma_start3A_62 = tpu.memref_slice %arg9[%mul3A_55, %dma_start3A_61] : memref<10240x128xf32, #tpu.memory_space<vmem_shared>> -> memref<640x128xf32, #tpu.memory_space<vmem_shared>>
      tpu.enqueue_dma source(%dma_start3A_62 : memref<640x128xf32, #tpu.memory_space<vmem_shared>>) target(%dma_start3A_60 : memref<640x128xf32, #tpu.memory_space<hbm>>) target_semaphore(%run_scoped3A : memref<!tpu.dma_semaphore, #tpu.memory_space<semaphore_mem>>)
      %dma_wait3A = arith.constant 0 : i32
      %dma_wait3A_63 = tpu.memref_slice %arg5[%arg0, %mul3A_57, %dma_wait3A] : memref<2x10240x128xf32, #tpu.memory_space<hbm>> -> memref<1x640x128xf32, #tpu.memory_space<hbm>>
      %dma_wait3A_64 = tpu.memref_squeeze %dma_wait3A_63 : memref<1x640x128xf32, #tpu.memory_space<hbm>> -> memref<640x128xf32, #tpu.memory_space<hbm>>
      %dma_wait3A_65 = arith.constant 0 : i32
      %dma_wait3A_66 = tpu.memref_slice %arg9[%mul3A_55, %dma_wait3A_65] : memref<10240x128xf32, #tpu.memory_space<vmem_shared>> -> memref<640x128xf32, #tpu.memory_space<vmem_shared>>
      tpu.wait_dma2 semaphore(%run_scoped3A : memref<!tpu.dma_semaphore, #tpu.memory_space<semaphore_mem>>) src(%dma_wait3A_66 : memref<640x128xf32, #tpu.memory_space<vmem_shared>>) dst(%dma_wait3A_64 : memref<640x128xf32, #tpu.memory_space<hbm>>)
      tpu.yield
    }) : () -> ()
    return
  }
}

module attributes {stable_mosaic.version = 14 : i64} {
  func.func @body(%arg0: i32, %arg1: memref<2x5120x1xf32, #tpu.memory_space<vmem>>, %arg2: memref<5120x128xf32, #tpu.memory_space<vmem>>, %arg3: memref<128x128xf32, #tpu.memory_space<vmem>>, %arg4: memref<5120x128xf32, #tpu.memory_space<vmem>>, %arg5: memref<5120x1xf32, #tpu.memory_space<vmem>>) attributes {dimension_semantics = [#tpu.dimension_semantics<arbitrary>], iteration_bounds = array<i64: 2>, scalar_prefetch = 0 : i64, scratch_operands = 0 : i64, tpu.core_type = #tpu.core_type<tc>, window_params = [{transform_indices = @transform_0, window_bounds = array<i64: 2, 5120, 1>}, {transform_indices = @transform_1, window_bounds = array<i64: 5120, 128>}, {pipeline_mode = #tpu.pipeline_mode<synchronous>, transform_indices = @transform_2, window_bounds = array<i64: 128, 128>}, {transform_indices = @transform_3, window_bounds = array<i64: 5120, 128>}, {transform_indices = @transform_4, window_bounds = array<i64: 5120, 1>}]} {
    %get3A = arith.constant 0 : index
    %get3A_0 = arith.constant 0 : index
    %get3A_1 = arith.constant 0 : index
    %get3A_2 = vector.load %arg1[%get3A, %get3A_0, %get3A_1] : memref<2x5120x1xf32, #tpu.memory_space<vmem>>, vector<1x5120x1xf32>
    %get3A_3 = vector.shape_cast %get3A_2 : vector<1x5120x1xf32> to vector<5120x1xf32>
    %get3A_4 = arith.constant 1 : index
    %get3A_5 = arith.constant 0 : index
    %get3A_6 = arith.constant 0 : index
    %get3A_7 = vector.load %arg1[%get3A_4, %get3A_5, %get3A_6] : memref<2x5120x1xf32, #tpu.memory_space<vmem>>, vector<1x5120x1xf32>
    %get3A_8 = vector.shape_cast %get3A_7 : vector<1x5120x1xf32> to vector<5120x1xf32>
    %add3A = arith.addf %get3A_3, %get3A_8 : vector<5120x1xf32>
    %add3A_9 = arith.constant 1.000000e+00 : f32
    %add3A_10 = vector.broadcast %add3A_9 : f32 to vector<5120x1xf32>
    %add3A_11 = arith.addf %add3A, %add3A_10 : vector<5120x1xf32>
    %iota3A = tpu.iota {dimensions = array<i32: 0>} : vector<5120x1xi32>
    %mul3A = arith.constant 5120 : i32
    %mul3A_12 = arith.muli %arg0, %mul3A : i32
    %add3A_13 = vector.broadcast %mul3A_12 : i32 to vector<5120x1xi32>
    %add3A_14 = arith.addi %iota3A, %add3A_13 : vector<5120x1xi32>
    %lt3A = arith.constant 10000 : i32
    %lt3A_15 = vector.broadcast %lt3A : i32 to vector<5120x1xi32>
    %lt3A_16 = arith.cmpi slt, %add3A_14, %lt3A_15 : vector<5120x1xi32>
    %rsqrt3A = math.rsqrt %add3A_11 : vector<5120x1xf32>
    %jit3A = arith.constant 0.000000e+00 : f32
    %broadcast_in_dim3A = vector.broadcast %jit3A : f32 to vector<5120x1xf32>
    %select_n3A = arith.select %lt3A_16, %rsqrt3A, %broadcast_in_dim3A : vector<5120x1xi1>, vector<5120x1xf32>
    %swap3A = arith.constant 0 : index
    %swap3A_17 = arith.constant 0 : index
    %swap3A_18 = vector.load %arg5[%swap3A, %swap3A_17] : memref<5120x1xf32, #tpu.memory_space<vmem>>, vector<5120x1xf32>
    tpu.vector_store %arg5[%swap3A, %swap3A_17], %select_n3A {strides = array<i32>} : memref<5120x1xf32, #tpu.memory_space<vmem>>, vector<5120x1xf32>,
    %get3A_19 = arith.constant 0 : index
    %get3A_20 = arith.constant 0 : index
    %get3A_21 = vector.load %arg2[%get3A_19, %get3A_20] : memref<5120x128xf32, #tpu.memory_space<vmem>>, vector<5120x128xf32>
    %get3A_22 = arith.constant 0 : index
    %get3A_23 = arith.constant 0 : index
    %get3A_24 = vector.load %arg3[%get3A_22, %get3A_23] : memref<128x128xf32, #tpu.memory_space<vmem>>, vector<128x128xf32>
    %dot_general3A = arith.constant dense<0.000000e+00> : vector<5120x128xf32>
    %dot_general3A_25 = tpu.matmul %get3A_21, %get3A_24, %dot_general3A {dimension_numbers = #tpu.dot_dimension_numbers<[1], [0], [0], [1], [0, 0, 1, 1], [], []>, transpose_lhs_hint = false} : vector<5120x128xf32>, vector<128x128xf32>, vector<5120x128xf32> -> vector<5120x128xf32>
    %mul3A_26 = vector.broadcast %select_n3A : vector<5120x1xf32> to vector<5120x128xf32>
    %mul3A_27 = arith.mulf %dot_general3A_25, %mul3A_26 : vector<5120x128xf32>
    %swap3A_28 = arith.constant 0 : index
    %swap3A_29 = arith.constant 0 : index
    %swap3A_30 = vector.load %arg4[%swap3A_28, %swap3A_29] : memref<5120x128xf32, #tpu.memory_space<vmem>>, vector<5120x128xf32>
    tpu.vector_store %arg4[%swap3A_28, %swap3A_29], %mul3A_27 {strides = array<i32>} : memref<5120x128xf32, #tpu.memory_space<vmem>>, vector<5120x128xf32>,
    return
  }
  func.func @transform_0(%arg0: i32) -> (i32, i32, i32) {
    %c0_i32 = arith.constant 0 : i32
    %c0_i32_0 = arith.constant 0 : i32
    %c0_i32_1 = arith.constant 0 : i32
    return %c0_i32, %arg0, %c0_i32_0 : i32, i32, i32
  }
  func.func @transform_1(%arg0: i32) -> (i32, i32) {
    %c0_i32 = arith.constant 0 : i32
    %c0_i32_0 = arith.constant 0 : i32
    return %arg0, %c0_i32 : i32, i32
  }
  func.func @transform_2(%arg0: i32) -> (i32, i32) {
    %c0_i32 = arith.constant 0 : i32
    %c0_i32_0 = arith.constant 0 : i32
    %c0_i32_1 = arith.constant 0 : i32
    return %c0_i32, %c0_i32_0 : i32, i32
  }
  func.func @transform_3(%arg0: i32) -> (i32, i32) {
    %c0_i32 = arith.constant 0 : i32
    %c0_i32_0 = arith.constant 0 : i32
    return %arg0, %c0_i32 : i32, i32
  }
  func.func @transform_4(%arg0: i32) -> (i32, i32) {
    %c0_i32 = arith.constant 0 : i32
    %c0_i32_0 = arith.constant 0 : i32
    return %arg0, %c0_i32 : i32, i32
  }
}

module attributes {stable_mosaic.version = 14 : i64} {
  func.func @body(%arg0: i32, %arg1: memref<2x5120x128xf32, #tpu.memory_space<vmem>>, %arg2: memref<5120x128xf32, #tpu.memory_space<vmem>>, %arg3: memref<5120x1xf32, #tpu.memory_space<vmem>>, %arg4: memref<1x128xf32, #tpu.memory_space<vmem>>, %arg5: memref<128x128xf32, #tpu.memory_space<vmem>>, %arg6: memref<5120x128xf32, #tpu.memory_space<vmem>>) attributes {dimension_semantics = [#tpu.dimension_semantics<arbitrary>], iteration_bounds = array<i64: 2>, scalar_prefetch = 0 : i64, scratch_operands = 0 : i64, tpu.core_type = #tpu.core_type<tc>, window_params = [{transform_indices = @transform_0, window_bounds = array<i64: 2, 5120, 128>}, {transform_indices = @transform_1, window_bounds = array<i64: 5120, 128>}, {transform_indices = @transform_2, window_bounds = array<i64: 5120, 1>}, {pipeline_mode = #tpu.pipeline_mode<synchronous>, transform_indices = @transform_3, window_bounds = array<i64: 1, 128>}, {pipeline_mode = #tpu.pipeline_mode<synchronous>, transform_indices = @transform_4, window_bounds = array<i64: 128, 128>}, {transform_indices = @transform_5, window_bounds = array<i64: 5120, 128>}]} {
    %get3A = arith.constant 0 : index
    %get3A_0 = arith.constant 0 : index
    %get3A_1 = arith.constant 0 : index
    %get3A_2 = vector.load %arg1[%get3A, %get3A_0, %get3A_1] : memref<2x5120x128xf32, #tpu.memory_space<vmem>>, vector<1x5120x128xf32>
    %get3A_3 = vector.shape_cast %get3A_2 : vector<1x5120x128xf32> to vector<5120x128xf32>
    %get3A_4 = arith.constant 1 : index
    %get3A_5 = arith.constant 0 : index
    %get3A_6 = arith.constant 0 : index
    %get3A_7 = vector.load %arg1[%get3A_4, %get3A_5, %get3A_6] : memref<2x5120x128xf32, #tpu.memory_space<vmem>>, vector<1x5120x128xf32>
    %get3A_8 = vector.shape_cast %get3A_7 : vector<1x5120x128xf32> to vector<5120x128xf32>
    %add3A = arith.addf %get3A_3, %get3A_8 : vector<5120x128xf32>
    %get3A_9 = arith.constant 0 : index
    %get3A_10 = arith.constant 0 : index
    %get3A_11 = vector.load %arg2[%get3A_9, %get3A_10] : memref<5120x128xf32, #tpu.memory_space<vmem>>, vector<5120x128xf32>
    %add3A_12 = arith.addf %add3A, %get3A_11 : vector<5120x128xf32>
    %get3A_13 = arith.constant 0 : index
    %get3A_14 = arith.constant 0 : index
    %get3A_15 = vector.load %arg3[%get3A_13, %get3A_14] : memref<5120x1xf32, #tpu.memory_space<vmem>>, vector<5120x1xf32>
    %mul3A = vector.broadcast %get3A_15 : vector<5120x1xf32> to vector<5120x128xf32>
    %mul3A_16 = arith.mulf %add3A_12, %mul3A : vector<5120x128xf32>
    %get3A_17 = arith.constant 0 : index
    %get3A_18 = arith.constant 0 : index
    %get3A_19 = vector.load %arg4[%get3A_17, %get3A_18] : memref<1x128xf32, #tpu.memory_space<vmem>>, vector<1x128xf32>
    %add3A_20 = vector.broadcast %get3A_19 : vector<1x128xf32> to vector<5120x128xf32>
    %add3A_21 = arith.addf %mul3A_16, %add3A_20 : vector<5120x128xf32>
    %max3A = arith.constant 0.000000e+00 : f32
    %max3A_22 = vector.broadcast %max3A : f32 to vector<5120x128xf32>
    %max3A_23 = arith.maximumf %add3A_21, %max3A_22 : vector<5120x128xf32>
    %get3A_24 = arith.constant 0 : index
    %get3A_25 = arith.constant 0 : index
    %get3A_26 = vector.load %arg5[%get3A_24, %get3A_25] : memref<128x128xf32, #tpu.memory_space<vmem>>, vector<128x128xf32>
    %dot_general3A = arith.constant dense<0.000000e+00> : vector<5120x128xf32>
    %dot_general3A_27 = tpu.matmul %max3A_23, %get3A_26, %dot_general3A {dimension_numbers = #tpu.dot_dimension_numbers<[1], [0], [0], [1], [0, 0, 1, 1], [], []>, transpose_lhs_hint = false} : vector<5120x128xf32>, vector<128x128xf32>, vector<5120x128xf32> -> vector<5120x128xf32>
    %get3A_28 = arith.constant 0 : index
    %get3A_29 = arith.constant 0 : index
    %get3A_30 = vector.load %arg3[%get3A_28, %get3A_29] : memref<5120x1xf32, #tpu.memory_space<vmem>>, vector<5120x1xf32>
    %mul3A_31 = vector.broadcast %get3A_30 : vector<5120x1xf32> to vector<5120x128xf32>
    %mul3A_32 = arith.mulf %dot_general3A_27, %mul3A_31 : vector<5120x128xf32>
    %swap3A = arith.constant 0 : index
    %swap3A_33 = arith.constant 0 : index
    %swap3A_34 = vector.load %arg6[%swap3A, %swap3A_33] : memref<5120x128xf32, #tpu.memory_space<vmem>>, vector<5120x128xf32>
    tpu.vector_store %arg6[%swap3A, %swap3A_33], %mul3A_32 {strides = array<i32>} : memref<5120x128xf32, #tpu.memory_space<vmem>>, vector<5120x128xf32>,
    return
  }
  func.func @transform_0(%arg0: i32) -> (i32, i32, i32) {
    %c0_i32 = arith.constant 0 : i32
    %c0_i32_0 = arith.constant 0 : i32
    %c0_i32_1 = arith.constant 0 : i32
    return %c0_i32, %arg0, %c0_i32_0 : i32, i32, i32
  }
  func.func @transform_1(%arg0: i32) -> (i32, i32) {
    %c0_i32 = arith.constant 0 : i32
    %c0_i32_0 = arith.constant 0 : i32
    return %arg0, %c0_i32 : i32, i32
  }
  func.func @transform_2(%arg0: i32) -> (i32, i32) {
    %c0_i32 = arith.constant 0 : i32
    %c0_i32_0 = arith.constant 0 : i32
    return %arg0, %c0_i32 : i32, i32
  }
  func.func @transform_3(%arg0: i32) -> (i32, i32) {
    %c0_i32 = arith.constant 0 : i32
    %c0_i32_0 = arith.constant 0 : i32
    %c0_i32_1 = arith.constant 0 : i32
    return %c0_i32, %c0_i32_0 : i32, i32
  }
  func.func @transform_4(%arg0: i32) -> (i32, i32) {
    %c0_i32 = arith.constant 0 : i32
    %c0_i32_0 = arith.constant 0 : i32
    %c0_i32_1 = arith.constant 0 : i32
    return %c0_i32, %c0_i32_0 : i32, i32
  }
  func.func @transform_5(%arg0: i32) -> (i32, i32) {
    %c0_i32 = arith.constant 0 : i32
    %c0_i32_0 = arith.constant 0 : i32
    return %arg0, %c0_i32 : i32, i32
  }
}

module attributes {stable_mosaic.version = 14 : i64} {
  func.func @body(%arg0: i32, %arg1: memref<2x5120x128xf32, #tpu.memory_space<vmem>>, %arg2: memref<5120x128xf32, #tpu.memory_space<vmem>>, %arg3: memref<5120x1xf32, #tpu.memory_space<vmem>>, %arg4: memref<1x128xf32, #tpu.memory_space<vmem>>, %arg5: memref<5120x128xf32, #tpu.memory_space<vmem>>) attributes {dimension_semantics = [#tpu.dimension_semantics<arbitrary>], iteration_bounds = array<i64: 2>, scalar_prefetch = 0 : i64, scratch_operands = 0 : i64, tpu.core_type = #tpu.core_type<tc>, window_params = [{transform_indices = @transform_0, window_bounds = array<i64: 2, 5120, 128>}, {transform_indices = @transform_1, window_bounds = array<i64: 5120, 128>}, {transform_indices = @transform_2, window_bounds = array<i64: 5120, 1>}, {pipeline_mode = #tpu.pipeline_mode<synchronous>, transform_indices = @transform_3, window_bounds = array<i64: 1, 128>}, {transform_indices = @transform_4, window_bounds = array<i64: 5120, 128>}]} {
    %get3A = arith.constant 0 : index
    %get3A_0 = arith.constant 0 : index
    %get3A_1 = arith.constant 0 : index
    %get3A_2 = vector.load %arg1[%get3A, %get3A_0, %get3A_1] : memref<2x5120x128xf32, #tpu.memory_space<vmem>>, vector<1x5120x128xf32>
    %get3A_3 = vector.shape_cast %get3A_2 : vector<1x5120x128xf32> to vector<5120x128xf32>
    %get3A_4 = arith.constant 1 : index
    %get3A_5 = arith.constant 0 : index
    %get3A_6 = arith.constant 0 : index
    %get3A_7 = vector.load %arg1[%get3A_4, %get3A_5, %get3A_6] : memref<2x5120x128xf32, #tpu.memory_space<vmem>>, vector<1x5120x128xf32>
    %get3A_8 = vector.shape_cast %get3A_7 : vector<1x5120x128xf32> to vector<5120x128xf32>
    %add3A = arith.addf %get3A_3, %get3A_8 : vector<5120x128xf32>
    %get3A_9 = arith.constant 0 : index
    %get3A_10 = arith.constant 0 : index
    %get3A_11 = vector.load %arg2[%get3A_9, %get3A_10] : memref<5120x128xf32, #tpu.memory_space<vmem>>, vector<5120x128xf32>
    %add3A_12 = arith.addf %add3A, %get3A_11 : vector<5120x128xf32>
    %get3A_13 = arith.constant 0 : index
    %get3A_14 = arith.constant 0 : index
    %get3A_15 = vector.load %arg3[%get3A_13, %get3A_14] : memref<5120x1xf32, #tpu.memory_space<vmem>>, vector<5120x1xf32>
    %mul3A = vector.broadcast %get3A_15 : vector<5120x1xf32> to vector<5120x128xf32>
    %mul3A_16 = arith.mulf %add3A_12, %mul3A : vector<5120x128xf32>
    %get3A_17 = arith.constant 0 : index
    %get3A_18 = arith.constant 0 : index
    %get3A_19 = vector.load %arg4[%get3A_17, %get3A_18] : memref<1x128xf32, #tpu.memory_space<vmem>>, vector<1x128xf32>
    %add3A_20 = vector.broadcast %get3A_19 : vector<1x128xf32> to vector<5120x128xf32>
    %add3A_21 = arith.addf %mul3A_16, %add3A_20 : vector<5120x128xf32>
    %swap3A = arith.constant 0 : index
    %swap3A_22 = arith.constant 0 : index
    %swap3A_23 = vector.load %arg5[%swap3A, %swap3A_22] : memref<5120x128xf32, #tpu.memory_space<vmem>>, vector<5120x128xf32>
    tpu.vector_store %arg5[%swap3A, %swap3A_22], %add3A_21 {strides = array<i32>} : memref<5120x128xf32, #tpu.memory_space<vmem>>, vector<5120x128xf32>,
    return
  }
  func.func @transform_0(%arg0: i32) -> (i32, i32, i32) {
    %c0_i32 = arith.constant 0 : i32
    %c0_i32_0 = arith.constant 0 : i32
    %c0_i32_1 = arith.constant 0 : i32
    return %c0_i32, %arg0, %c0_i32_0 : i32, i32, i32
  }
  func.func @transform_1(%arg0: i32) -> (i32, i32) {
    %c0_i32 = arith.constant 0 : i32
    %c0_i32_0 = arith.constant 0 : i32
    return %arg0, %c0_i32 : i32, i32
  }
  func.func @transform_2(%arg0: i32) -> (i32, i32) {
    %c0_i32 = arith.constant 0 : i32
    %c0_i32_0 = arith.constant 0 : i32
    return %arg0, %c0_i32 : i32, i32
  }
  func.func @transform_3(%arg0: i32) -> (i32, i32) {
    %c0_i32 = arith.constant 0 : i32
    %c0_i32_0 = arith.constant 0 : i32
    %c0_i32_1 = arith.constant 0 : i32
    return %c0_i32, %c0_i32_0 : i32, i32
  }
  func.func @transform_4(%arg0: i32) -> (i32, i32) {
    %c0_i32 = arith.constant 0 : i32
    %c0_i32_0 = arith.constant 0 : i32
    return %arg0, %c0_i32 : i32, i32
  }
}

</mosaic_0001>

<sc_bundles>
// kernel: kernel.11.cloned.1.call-start
scs
__scs_entry_jumppad:
0x0: {  	(pc) =	sbr.rel $0x88, $3  }
0x1: {  	(tag) =	ssettag $0x0;
	lr =	simm.s32 $0x1  }
0x2: {  	[smem:$0x3F9B] =	sst lr;
	_ =	strace $0xD0000000  }
0x3: {  	_ = 	snop  }
0x4: {  	_ = 	snop  }
0x5: {  	_ = 	snop  }
0x6: {  	_ = 	snop  }
0x7: {  	_ = 	snop  }
__scs_overlays_trampoline_lowered:
0x8: {  	[smem:$0x3FAA] =	sst s0  }
0x9: {  	[smem:$0x3FAB] =	sst s1  }
0xa: {  	[smem:$0x3FAC] =	sst s2  }
0xb: {  	[smem:$0x3FAD] =	sst s3  }
0xc: {  	[smem:$0x3FAE] =	sst s4  }
0xd: {  	[smem:$0x3FAF] =	sst s5  }
0xe: {  	[smem:$0x3FB0] =	sst s6  }
0xf: {  	[smem:$0x3FB1] =	sst s7  }
0x10: {  	[smem:$0x3FB2] =	sst s8  }
0x11: {  	[smem:$0x3FB3] =	sst s9;
	s0 =	simm.s32 @!p0 $0x0  }
0x12: {  	s1 =	sld [smem:$0x3F99];
	s0 =	simm.s32 @p0 $0x1  }
0x13: {  	[smem:$0x3FB4] =	sst s0;
	s0 =	simm.s32 @!p1 $0x0  }
0x14: {  	s2 =	sld [smem:$0x3F98];
	s0 =	simm.s32 @p1 $0x1  }
0x15: {  	[smem:$0x3FB5] =	sst s0;
	s0 =	simm.s32 @!p2 $0x0  }
0x16: {  	s3 =	sld [smem:$0x3FDB];
	s0 =	simm.s32 @p2 $0x1  }
0x17: {  	s4 =	simm.s32 $0x1BF5;
	[smem:$0x3FB7] =	sst s0  }
0x18: {  	s0 =	sld [smem:$0x3F9A];
	_ =	swait.ge [sflag:s4], $0x0  }
0x19: {  	s7 =	sld [smem:$0x3F9B]  }
0x1a: {  	s8 =	sadd.s32 $0xFFFFE003, lr  }
0x1b: {  	s9 =	sadd.s32 $0xFFFFFEF7, lr;
	s5 =	simm.s32 $0xFFFFFFFF;
	p2 =	slt.u32 s8, $0xFFFFF086  }
0x1c: {  	p1 =	slt.u32 s9, $0xF7A;
	s5 =	simm.s32 @!p2 $0x0  }
0x1d: {  	s5 =	simm.s32 @p1 $0x1;
	p0 =	seq.s32 s7, s2  }
0x1e: {  	s7 =	smul.u32 @!p0 $0xF7A, s2;
	p2 =	seq.s32 @!p0 s5, $0x0  }
0x1f: {  	s9 =	smul.u32 $0xF7A, s1;
	s8 =	simm.s32 @!p0 $0x1BF5;
	p2 =	por !p2, p0  }
0x20: {  	[sflag:s8] =	ssyncset.s32 @!p0 $0xFFFFF086;
	s6 =	sadd.s32 @!p0 s3, s7;
	s7 =	simm.s32 @!p0 $0x108  }
0x21: {  	s3 =	sadd.s32 s3, s9;
	s6 =	sadd.s32 @!p0 $0x88, s6;
	s7 =	simm.s32 @p2 $0x1082  }
0x22: {  	[simem:s7], [sflag:s8] =	dma.local @!p0 [hbm:s6], $0xF7A  }
0x23: {  	s9 =	sor.u32 $0xD0000000, s2;
	s6 =	simm.s32 $0x108;
	_ =	swait.ge @!p0 [sflag:s8], $0x0  }
0x24: {  	s3 =	sadd.s32 $0x88, s3;
	s6 =	simm.s32 @!p1 $0x1082;
	[sflag:s4] =	ssyncset.s32 $0xFFFFF086  }
0x25: {  	[simem:s6], [sflag:s4] =	dma.local [hbm:s3], $0xF7A  }
0x26: {  	[smem:$0x3F9B] =	sst s1;
	(tag) =	ssettag s2;
	_ =	strace s9  }
0x27: {  	s1 =	sld [smem:$0x3FAB]  }
0x28: {  	s2 =	sld [smem:$0x3FAC]  }
0x29: {  	s4 =	sld [smem:$0x3FAE]  }
0x2a: {  	p0 =	seq.s32 s5, $0x0;
	s5 =	sld [smem:$0x3FAF]  }
0x2b: {  	s6 =	sld [smem:$0x3FB0]  }
0x2c: {  	s7 =	sld [smem:$0x3FB1]  }
0x2d: {  	s3 =	simm.s32 $0x108;
	s8 =	sld [smem:$0x3FB2]  }
0x2e: {  	s3 =	simm.s32 @!p0 $0x1082;
	s9 =	sld [smem:$0x3FB3]  }
0x2f: {  	lr =	sadd.s32 s0, s3;
	s0 =	sld [smem:$0x3FAA]  }
0x30: {  	s3 =	sld [smem:$0x3FAD]  }
0x31: {  	[smem:$0x3FB6] =	sst s10  }
0x32: {  	s10 =	sld [smem:$0x3FB4];
	_ =	sdelay $0x3  }
0x33: {  	p0 =	seq.s32 s10, $0x1;
	s10 =	sld [smem:$0x3FB6];
	_ =	sdelay $0x3  }
0x34: {  	[smem:$0x3FB6] =	sst s10  }
0x35: {  	s10 =	sld [smem:$0x3FB5];
	_ =	sdelay $0x3  }
0x36: {  	p1 =	seq.s32 s10, $0x1;
	s10 =	sld [smem:$0x3FB6];
	_ =	sdelay $0x3  }
0x37: {  	[smem:$0x3FB6] =	sst s10  }
0x38: {  	s10 =	sld [smem:$0x3FB7]  }
0x39: {  	_ = 	snop;
	(pc) =	sbr.ind lr, $3  }
0x3a: {  	_ = 	snop  }
0x3b: {  	_ = 	snop  }
0x3c: {  	p2 =	seq.s32 s10, $0x1;
	s10 =	sld [smem:$0x3FB6]  }
0x3d: {  	_ =	shalt  }
0x3e: {  	_ =	shalt  }
0x3f: {  	_ =	shalt  }
0x40: {  	_ =	shalt  }
0x41: {  	_ =	shalt  }
0x42: {  	_ =	shalt  }
0x43: {  	_ =	shalt  }
0x44: {  	_ =	shalt  }
0x45: {  	_ =	shalt  }
0x46: {  	_ =	shalt  }
0x47: {  	_ =	shalt  }
0x48: {  	_ =	shalt  }
0x49: {  	_ =	shalt  }
0x4a: {  	_ =	shalt  }
0x4b: {  	_ =	shalt  }
0x4c: {  	_ =	shalt  }
0x4d: {  	_ =	shalt  }
0x4e: {  	_ =	shalt  }
0x4f: {  	_ =	shalt  }
0x50: {  	_ =	shalt  }
0x51: {  	_ =	shalt  }
0x52: {  	_ =	shalt  }
0x53: {  	_ =	shalt  }
0x54: {  	_ =	shalt  }
0x55: {  	_ =	shalt  }
0x56: {  	_ =	shalt  }
0x57: {  	_ =	shalt  }
0x58: {  	_ =	shalt  }
0x59: {  	_ =	shalt  }
0x5a: {  	_ =	shalt  }
0x5b: {  	_ =	shalt  }
0x5c: {  	_ =	shalt  }
0x5d: {  	_ =	shalt  }
0x5e: {  	_ =	shalt  }
0x5f: {  	_ =	shalt  }
0x60: {  	_ =	shalt  }
0x61: {  	_ =	shalt  }
0x62: {  	_ =	shalt  }
0x63: {  	_ =	shalt  }
0x64: {  	_ =	shalt  }
0x65: {  	_ =	shalt  }
0x66: {  	_ =	shalt  }
0x67: {  	_ =	shalt  }
0x68: {  	_ =	shalt  }
0x69: {  	_ =	shalt  }
0x6a: {  	_ =	shalt  }
0x6b: {  	_ =	shalt  }
0x6c: {  	_ =	shalt  }
0x6d: {  	_ =	shalt  }
0x6e: {  	_ =	shalt  }
0x6f: {  	_ =	shalt  }
0x70: {  	_ =	shalt  }
0x71: {  	_ =	shalt  }
0x72: {  	_ =	shalt  }
0x73: {  	_ =	shalt  }
0x74: {  	_ =	shalt  }
0x75: {  	_ =	shalt  }
0x76: {  	_ =	shalt  }
0x77: {  	_ =	shalt  }
0x78: {  	_ =	shalt  }
0x79: {  	_ =	shalt  }
0x7a: {  	_ =	shalt  }
0x7b: {  	_ =	shalt  }
0x7c: {  	_ =	shalt  }
0x7d: {  	_ =	shalt  }
0x7e: {  	_ =	shalt  }
0x7f: {  	_ =	shalt  }
0x80: {  	_ =	shalt  }
0x81: {  	_ =	shalt  }
0x82: {  	_ =	shalt  }
0x83: {  	_ =	shalt  }
0x84: {  	_ =	shalt  }
0x85: {  	_ =	shalt  }
0x86: {  	_ =	shalt  }
0x87: {  	_ =	shalt  }
.Lfunc_end0:
.L_simem_size_0:
called_computation.1_lowered:
.L_overlay_start_0:
0x88: {  	s2 =	sld [smem:$0x3FD9]  }
0x89: {  	s3 =	sld [smem:$0x3FFE];
	_ =	sdelay $0x1  }
0x8a: {  	s1 =	srdreg.scid  }
0x8b: {  	s0 =	sand.u32 $0x1, s1  }
0x8c: {  	s16 =	sshll.u32 s0, $0xA;
	s2 =	sadd.s32 s3, s2  }
0x8d: {  	s2 =	sadd.s32 s2, s16  }
0x8e: {  	[smem:$0x3FC2] =	sst s2  }
0x8f: {  	_ = 	snop  }
0x90: {  	(tm) =	ssettm $0x1  }
0x91: {  	s17 =	sld [smem:$0x3FFB];
	_ =	sdelay $0x3  }
0x92: {  	_ =	strace s17  }
0x93: {  	s2 =	sld [smem:$0x3FFC];
	_ =	sdelay $0x3  }
0x94: {  	_ =	strace s2  }
0x95: {  	s2 =	sld [smem:$0x3FFD];
	_ =	sdelay $0x3  }
0x96: {  	_ =	strace s2  }
0x97: {  	_ =	strace $0x8FFFFFFF  }
0x98: {  	s18 =	sld [smem:$0x3FDB];
	_ =	sdelay $0x1  }
0x99: {  	s19 =	simm.s32 $_scs_section_size  }
0x9a: {  	s4 =	simm.s32 $_size__tile_overlayer_lowered;
	s5 =	simm.s32 $_tile_overlayer_lowered  }
0x9b: {  	s22 =	simm.s32 $0x1BFF;
	s21 =	sshll.u32 s5, $0x1;
	s2 =	sadd.s32 s19, s18  }
0x9c: {  	s6 =	simm.s32 $0x0;
	s20 =	sshll.u32 s4, $0x1;
	s4 =	sadd.s32 s21, s2  }
0x9d: {  	[timem:s6], [sflag:s22] =	dma.local [hbm:s4], s20  }
0x9e: {  	_ =	swait.ge [sflag:s22], s20  }
0x9f: {  	s3 =	ssub.s32 $0x0, s20;
	[sflag:s22] =	ssyncset.done $0x0  }
0xa0: {  	[sflag:s22] =	ssyncadd.s32 s3;
	_ =	sdelay $0x1  }
0xa1: {  	s23 =	simm.s32 $0x1B8B  }
0xa2: {  	_ =	swait.ge [sflag:s23], $0x1  }
0xa3: {  	[sflag:s23] =	ssyncset.done $0x0  }
0xa4: {  	s25 =	simm.s32 $0x1B8E;
	s24 =	sld [smem:$0x3FFE];
	[sflag:s23] =	ssyncadd.s32 $0xFFFFFFFF  }
0xa5: {  	s26 =	simm.s32 $execute0_lowered;
	[smem:$0x3FD2] =	sst s25  }
0xa6: {  	s4 =	sshll.u32 s26, $0x1;
	_ =	strace $0x80000049;
	[dreg:$0x1] =	wrdreg $0xFFFFFFFF  }
0xa7: {  	s28 =	simm.s32 $_size_execute0_lowered;
	s2 =	sadd.s32 s2, s4;
	[dreg:$0x0] =	wrdreg $0x0  }
0xa8: {  	s4 =	sshll.u32 s28, $0x1;
	[dreg:$0x2] =	wrdreg s2  }
0xa9: {  	[dreg:$0x3] =	wrdreg s4  }
0xaa: {  	[dreg:$0x4] =	wrdreg $0xC0  }
0xab: {  	_ =	task [dreg:s6], $0x5FFFF  }
0xac: {  	[dreg:$0x1] =	wrdreg $0xFFFFFFFF  }
0xad: {  	[dreg:$0x0] =	wrdreg $0x60  }
0xae: {  	[dreg:$0x2] =	wrdreg s24  }
0xaf: {  	[dreg:$0x3] =	wrdreg $0xA8000  }
0xb0: {  	[dreg:$0x4] =	wrdreg $0x9  }
0xb1: {  	_ =	task.clear_ibuf [dreg:s6], $0x5FFFF;
	_ =	strace $0x90000049  }
0xb2: {  	s29 =	simm.s32 $0x9;
	_ =	strace $0x8000004B  }
0xb3: {  	_ =	swait.ge [sflag:s29], $0x1  }
0xb4: {  	[sflag:s29] =	ssyncadd.s32 $0xFFFFFFFF  }
0xb5: {  	_ =	strace $0x9000004B  }
0xb6: {  	_ =	sfence  }
0xb7: {  	s30 =	sld [smem:$0x0];
	_ =	sdelay $0x2  }
0xb8: {  	s31 =	sshll.u32 s1, $0xD;
	s1 =	sshrl.u32 s1, $0x2  }
0xb9: {  	s3 =	sand.u32 $0x4000, s31;
	s1 =	sadd.s32 s1, s30  }
0xba: {  	s0 =	sor.u32 s3, s0;
	s1 =	sshll.u32 s1, $0x11  }
0xbb: {  	s0 =	sor.u32 s1, s0  }
0xbc: {  	s0 =	sadd.s32 $0x8F2B, s0  }
0xbd: {  	[sflag:s0] =	ssyncadd.remote.s32 $0x1  }
0xbe: {  	_ =	sfence.sel $0xFFFF  }
0xbf: {  	[dreg:$0x0] =	wrdreg $0xFFFFFFFF;
	(pc) =	sbr.abs _section_cstart, $3  }
0xc0: {  	[dreg:$0x1] =	wrdreg $0xFFFFFFFF  }
0xc1: {  	_ =	task.clear_ibuf [dreg:s6], $0x2FFFF;
	_ =	strace $0x9FFFFFFF  }
0xc2: {  	(tm) =	ssettm $0x7FFFFFFF  }
0xc3: {  	_ =	shalt  }
tec
execute0_lowered:
.L_overlay_start_1:
0x0: {  	(tag) =	ssettag $0x1  }
0x1: {  	s5 =	rddreg [dreg:$0x0]  }
0x2: {  	s1 =	rddreg [dreg:$0x1];
	s3 =	simm.s32 $0x0;
	s4 =	srdreg.scid  }
0x3: {  	s2 =	stileid.u32;
	s16 =	simm.s32 $0x3;
	s17 =	simm.s32 $0x1400  }
0x4: {  	s18 =	simm.s32 $0x80;
	s19 =	simm.s32 $0x2800;
	s20 =	simm.s32 $0x6800  }
0x5: {  	s21 =	simm.s32 $0x1;
	s22 =	simm.s32 $0x2;
	s23 =	simm.s32 $0x1380  }
0x6: {  	s24 =	simm.s32 $0x2700;
	s25 =	simm.s32 $0x2780;
	s26 =	simm.s32 $0x0  }
0x7: {  	[smem:$0x7FF] =	sst s3;
	s6 =	sand.u32 $0x1, s4;
	s9 =	smul.u32 $0x14000, s2  }
0x8: {  	s8 =	sshll.u32 s2, $0x1;
	s4 =	sadd.s32 $0x21E00, s5;
	s13 =	smul.u32 $0x50000, s2  }
0x9: {  	s10 =	sadd.s32 $0xDE00, s5;
	s7 =	smul.u32 $0x140000, s6;
	s8 =	sor.u32 s6, s8  }
0xa: {  	s11 =	sadd.s32 $0x17E00, s5;
	s6 =	ssub.s32 $0x2, s6;
	s12 =	smul.u32 $0x500, s8  }
0xb: {  	_ =	strace $0x8000004A;
	s8 =	smul.u32 $0x2800, s8;
	s28 =	sshrl.u32 s6, $0x1  }
0xc: {  	s30 =	sshrl.u32 s13, $0x2;
	s7 =	sadd.s32 s9, s7;
	s15 =	ssub.s32 s6, s28  }
0xd: {  	s7 =	sshrl.u32 s7, $0x3;
	s29 =	sshrl.u32 s8, $0x3;
	s6 =	sadd.s32 s11, s12  }
0xe: {  	s14 =	sadd.s32 s7, s5;
	s5 =	sadd.s32 s10, s12;
	s31 =	sadd.s32 $0x280, s29  }
0xf: {  	s7 =	sadd.s32 s30, s1;
	s8 =	sadd.s32 s10, s31;
	s9 =	sadd.s32 s11, s31  }
0x10: {  	s10 =	sadd.s32 $0x49E00, s14;
	s11 =	smax.u32 s15, $0x1;
	s12 =	sadd.s32 $0x4000, s7  }
0x11: {  	v0 =	vimm.f32 $0.0e+00;
	s13 =	sadd.s32 $0x8000, s7;
	s14 =	sadd.s32 $0xC000, s7;
	s15 =	sadd.s32 $0x10000, s7  }
.LBB2_1:
0x12: {  	[tilespmem:s3], [sflag:$0x3] =	stream.linear.gather [hbm4b:s5+s3], $0x1400, $0x38;
	[tilespmem:$0x1E800] =	vst v63  }
0x13: {  	_ =	swait.ge [sflag:s16], $0x1400  }
0x14: {  	[sflag:s16] =	ssyncset.done $0x0  }
0x15: {  	[sflag:s16] =	ssyncadd.s32 $0xFFFFEC00  }
0x16: {  	[tilespmem:s17], [sflag:$0x3] =	stream.linear.gather [hbm4b:s6+s3], $0x1400, $0x38;
	[tilespmem:$0x1E800] =	vst v63  }
0x17: {  	_ =	swait.ge [sflag:s16], $0x1400  }
0x18: {  	[sflag:s16] =	ssyncset.done $0x0  }
0x19: {  	s28 =	simm.s32 $0x0;
	s29 =	simm.s32 $0x200;
	[sflag:s16] =	ssyncadd.s32 $0xFFFFEC00  }
0x1a: {  	[tilespmem:s19], [sflag:$0x1] =	stream.indirect.gather [hbm4b:s4+s18], $0x80, s3, s18, $0xb8;
	[tilespmem:$0x1E800] =	vst v63  }
.LBB2_2:
0x1b: {  	p0 =	sne.s32 s29, $0xFE00;
	[tilespmem:s28+$0x6870] =	vst v0  }
0x1c: {  	[tilespmem:s28+$0x6800] =	vst v0  }
0x1d: {  	[tilespmem:s28+$0x6810] =	vst v0  }
.Ltmp0:
0x1e: {  	[tilespmem:s28+$0x6820] =	vst v0;
	(pc) =	sbr.rel @p0 .LBB2_2-.Ltmp0, $4  }
0x1f: {  	[tilespmem:s28+$0x6830] =	vst v0  }
0x20: {  	[tilespmem:s28+$0x6840] =	vst v0  }
0x21: {  	[tilespmem:s28+$0x6850] =	vst v0  }
0x22: {  	[tilespmem:s28+$0x6860] =	vst v0;
	s28 =	sshra.s32 s29, $0x2;
	s29 =	sadd.s32 $0x200, s29  }
0x23: {  	[tilespmem:s28+$0x6870] =	vst v0  }
0x24: {  	[tilespmem:s28+$0x6800] =	vst v0  }
0x25: {  	[tilespmem:s28+$0x6810] =	vst v0  }
0x26: {  	[tilespmem:s28+$0x6820] =	vst v0  }
0x27: {  	[tilespmem:s28+$0x6830] =	vst v0  }
0x28: {  	[tilespmem:s28+$0x6840] =	vst v0  }
0x29: {  	[tilespmem:s28+$0x6850] =	vst v0  }
0x2a: {  	[tilespmem:s28+$0x6860] =	vst v0  }
0x2b: {  	[spmem:s7] =	stream.linear.scatter [tilespmem:s20], [sflag:$0x3], $0x4000, $0x38;
	[tilespmem:$0x1E800] =	vst v63  }
0x2c: {  	_ =	swait.ge [sflag:s16], $0x4000  }
0x2d: {  	[sflag:s16] =	ssyncset.done $0x0  }
0x2e: {  	[sflag:s16] =	ssyncadd.s32 $0xFFFFC000  }
0x2f: {  	[spmem:s12] =	stream.linear.scatter [tilespmem:s20], [sflag:$0x3], $0x4000, $0x38;
	[tilespmem:$0x1E800] =	vst v63  }
0x30: {  	_ =	swait.ge [sflag:s16], $0x4000  }
0x31: {  	[sflag:s16] =	ssyncset.done $0x0  }
0x32: {  	[sflag:s16] =	ssyncadd.s32 $0xFFFFC000  }
0x33: {  	[spmem:s13] =	stream.linear.scatter [tilespmem:s20], [sflag:$0x3], $0x4000, $0x38;
	[tilespmem:$0x1E800] =	vst v63  }
0x34: {  	_ =	swait.ge [sflag:s16], $0x4000  }
0x35: {  	[sflag:s16] =	ssyncset.done $0x0  }
0x36: {  	[sflag:s16] =	ssyncadd.s32 $0xFFFFC000  }
0x37: {  	[spmem:s14] =	stream.linear.scatter [tilespmem:s20], [sflag:$0x3], $0x4000, $0x38;
	[tilespmem:$0x1E800] =	vst v63  }
0x38: {  	_ =	swait.ge [sflag:s16], $0x4000  }
0x39: {  	[sflag:s16] =	ssyncset.done $0x0  }
0x3a: {  	[sflag:s16] =	ssyncadd.s32 $0xFFFFC000  }
0x3b: {  	[spmem:s15] =	stream.linear.scatter [tilespmem:s20], [sflag:$0x3], $0x4000, $0x38;
	[tilespmem:$0x1E800] =	vst v63  }
0x3c: {  	_ =	swait.ge [sflag:s16], $0x4000  }
0x3d: {  	[sflag:s16] =	ssyncset.done $0x0  }
0x3e: {  	[sflag:s16] =	ssyncadd.s32 $0xFFFFC000  }
0x3f: {  	s28 =	simm.s32 $0x80;
	[bflag:$0x0] =	sbarrier.arrive $0xFFFF  }
0x40: {  	[tilespmem:s20], [sflag:$0x2] =	stream.indirect.gather [hbm4b:s4+s18], $0x80, s28, s18, $0xb8;
	[tilespmem:$0x1E800] =	vst v63  }
0x41: {  	_ =	swait.ge [sflag:s21], $0x4000  }
0x42: {  	[sflag:s21] =	ssyncset.done $0x0  }
0x43: {  	s28 =	simm.s32 $0x1400;
	[sflag:s21] =	ssyncadd.s32 $0xFFFFC000  }
0x44: {  	[spmem:s1] =	stream.indirect.scatter.add.f32 [tilespmem:s19], [sflag:$0x3], $0x80, s28, s18, $0xb8;
	[tilespmem:$0x1E800] =	vst v63  }
0x45: {  	_ =	swait.ge [sflag:s16], $0x4000  }
0x46: {  	[sflag:s16] =	ssyncset.done $0x0  }
0x47: {  	s28 =	simm.s32 $0x100;
	[sflag:s16] =	ssyncadd.s32 $0xFFFFC000  }
0x48: {  	[tilespmem:s19], [sflag:$0x1] =	stream.indirect.gather [hbm4b:s4+s18], $0x80, s28, s18, $0xb8;
	[tilespmem:$0x1E800] =	vst v63  }
0x49: {  	_ =	swait.ge [sflag:s22], $0x4000  }
0x4a: {  	[sflag:s22] =	ssyncset.done $0x0  }
0x4b: {  	s28 =	simm.s32 $0x1480;
	[sflag:s22] =	ssyncadd.s32 $0xFFFFC000  }
0x4c: {  	[spmem:s1] =	stream.indirect.scatter.add.f32 [tilespmem:s20], [sflag:$0x3], $0x80, s28, s18, $0xb8;
	[tilespmem:$0x1E800] =	vst v63  }
0x4d: {  	_ =	swait.ge [sflag:s16], $0x4000  }
0x4e: {  	s29 =	simm.s32 $0x800;
	s28 =	simm.s32 $0x100;
	[sflag:s16] =	ssyncset.done $0x0  }
.LBB2_4:
0x4f: {  	s30 =	sadd.s32 $0x80, s28  }
0x50: {  	[sflag:s16] =	ssyncadd.s32 $0xFFFFC000;
	s31 =	smov.u32 s29;
	s0 =	sadd.s32 $0x400, s29  }
0x51: {  	[tilespmem:s20], [sflag:$0x2] =	stream.indirect.gather [hbm4b:s4+s18], $0x80, s30, s18, $0xb8;
	[tilespmem:$0x1E800] =	vst v63  }
0x52: {  	p0 =	sne.s32 s29, $0x4800;
	_ =	swait.ge [sflag:s21], $0x4000  }
0x53: {  	[sflag:s21] =	ssyncset.done $0x0  }
0x54: {  	s29 =	sadd.s32 $0x1400, s28;
	[sflag:s21] =	ssyncadd.s32 $0xFFFFC000  }
0x55: {  	[spmem:s1] =	stream.indirect.scatter.add.f32 [tilespmem:s19], [sflag:$0x3], $0x80, s29, s18, $0xb8;
	[tilespmem:$0x1E800] =	vst v63  }
0x56: {  	_ =	swait.ge [sflag:s16], $0x4000  }
0x57: {  	[sflag:s16] =	ssyncset.done $0x0  }
0x58: {  	s29 =	sadd.s32 $0x100, s28;
	[sflag:s16] =	ssyncadd.s32 $0xFFFFC000  }
0x59: {  	[tilespmem:s19], [sflag:$0x1] =	stream.indirect.gather [hbm4b:s4+s18], $0x80, s29, s18, $0xb8;
	[tilespmem:$0x1E800] =	vst v63  }
0x5a: {  	_ =	swait.ge [sflag:s22], $0x4000  }
.Ltmp1:
0x5b: {  	[sflag:s22] =	ssyncset.done $0x0;
	(pc) =	sbr.rel @p0 .LBB2_4-.Ltmp1, $4  }
0x5c: {  	s28 =	sadd.s32 $0x1480, s28;
	[sflag:s22] =	ssyncadd.s32 $0xFFFFC000  }
0x5d: {  	[spmem:s1] =	stream.indirect.scatter.add.f32 [tilespmem:s20], [sflag:$0x3], $0x80, s28, s18, $0xb8;
	[tilespmem:$0x1E800] =	vst v63  }
0x5e: {  	_ =	swait.ge [sflag:s16], $0x4000  }
0x5f: {  	s29 =	smov.u32 s0;
	s28 =	sshra.s32 s31, $0x2;
	[sflag:s16] =	ssyncset.done $0x0  }
0x60: {  	s0 =	sadd.s32 $0x80, s28;
	[sflag:s16] =	ssyncadd.s32 $0xFFFFC000  }
0x61: {  	[tilespmem:s20], [sflag:$0x2] =	stream.indirect.gather [hbm4b:s4+s18], $0x80, s0, s18, $0xb8;
	[tilespmem:$0x1E800] =	vst v63  }
0x62: {  	_ =	swait.ge [sflag:s21], $0x4000  }
0x63: {  	[sflag:s21] =	ssyncset.done $0x0  }
0x64: {  	s30 =	sadd.s32 $0x1400, s28;
	[sflag:s21] =	ssyncadd.s32 $0xFFFFC000  }
0x65: {  	[spmem:s1] =	stream.indirect.scatter.add.f32 [tilespmem:s19], [sflag:$0x3], $0x80, s30, s18, $0xb8;
	[tilespmem:$0x1E800] =	vst v63  }
0x66: {  	_ =	swait.ge [sflag:s16], $0x4000  }
0x67: {  	[sflag:s16] =	ssyncset.done $0x0  }
0x68: {  	s31 =	sadd.s32 $0x100, s28;
	[sflag:s16] =	ssyncadd.s32 $0xFFFFC000  }
0x69: {  	[tilespmem:s19], [sflag:$0x1] =	stream.indirect.gather [hbm4b:s4+s18], $0x80, s31, s18, $0xb8;
	[tilespmem:$0x1E800] =	vst v63  }
0x6a: {  	_ =	swait.ge [sflag:s22], $0x4000  }
0x6b: {  	[sflag:s22] =	ssyncset.done $0x0  }
0x6c: {  	s30 =	sadd.s32 $0x1480, s28;
	[sflag:s22] =	ssyncadd.s32 $0xFFFFC000  }
0x6d: {  	[spmem:s1] =	stream.indirect.scatter.add.f32 [tilespmem:s20], [sflag:$0x3], $0x80, s30, s18, $0xb8;
	[tilespmem:$0x1E800] =	vst v63  }
0x6e: {  	_ =	swait.ge [sflag:s16], $0x4000  }
0x6f: {  	[sflag:s16] =	ssyncset.done $0x0  }
0x70: {  	[sflag:s16] =	ssyncadd.s32 $0xFFFFC000  }
0x71: {  	[tilespmem:s20], [sflag:$0x2] =	stream.indirect.gather [hbm4b:s4+s18], $0x80, s23, s18, $0xb8;
	[tilespmem:$0x1E800] =	vst v63  }
0x72: {  	_ =	swait.ge [sflag:s21], $0x4000  }
0x73: {  	[sflag:s21] =	ssyncset.done $0x0  }
0x74: {  	[sflag:s21] =	ssyncadd.s32 $0xFFFFC000  }
0x75: {  	[spmem:s1] =	stream.indirect.scatter.add.f32 [tilespmem:s19], [sflag:$0x3], $0x80, s24, s18, $0xb8;
	[tilespmem:$0x1E800] =	vst v63  }
0x76: {  	_ =	swait.ge [sflag:s16], $0x4000  }
0x77: {  	[sflag:s16] =	ssyncset.done $0x0  }
0x78: {  	[sflag:s16] =	ssyncadd.s32 $0xFFFFC000  }
0x79: {  	_ =	swait.ge [sflag:s22], $0x4000  }
0x7a: {  	[sflag:s22] =	ssyncset.done $0x0  }
0x7b: {  	[sflag:s22] =	ssyncadd.s32 $0xFFFFC000  }
0x7c: {  	[spmem:s1] =	stream.indirect.scatter.add.f32 [tilespmem:s20], [sflag:$0x3], $0x80, s25, s18, $0xb8;
	[tilespmem:$0x1E800] =	vst v63  }
0x7d: {  	_ =	swait.ge [sflag:s16], $0x4000  }
0x7e: {  	[sflag:s16] =	ssyncset.done $0x0  }
0x7f: {  	s31 =	simm.s32 $0x0;
	[sflag:s16] =	ssyncadd.s32 $0xFFFFC000  }
0x80: {  	[tilespmem:s31], [sflag:$0x3] =	stream.linear.gather [hbm4b:s8+s31], $0x1400, $0x38;
	[tilespmem:$0x1E800] =	vst v63  }
0x81: {  	_ =	swait.ge [sflag:s16], $0x1400  }
0x82: {  	[sflag:s16] =	ssyncset.done $0x0  }
0x83: {  	[sflag:s16] =	ssyncadd.s32 $0xFFFFEC00  }
0x84: {  	[tilespmem:s17], [sflag:$0x3] =	stream.linear.gather [hbm4b:s9+s31], $0x1400, $0x38;
	[tilespmem:$0x1E800] =	vst v63  }
0x85: {  	_ =	swait.ge [sflag:s16], $0x1400  }
0x86: {  	[sflag:s16] =	ssyncset.done $0x0  }
0x87: {  	[sflag:s16] =	ssyncadd.s32 $0xFFFFEC00  }
0x88: {  	[tilespmem:s19], [sflag:$0x1] =	stream.indirect.gather [hbm4b:s4+s18], $0x80, s31, s18, $0xb8;
	[tilespmem:$0x1E800] =	vst v63  }
0x89: {  	s30 =	simm.s32 $0x80  }
0x8a: {  	[tilespmem:s20], [sflag:$0x2] =	stream.indirect.gather [hbm4b:s4+s18], $0x80, s30, s18, $0xb8;
	[tilespmem:$0x1E800] =	vst v63  }
0x8b: {  	_ =	swait.ge [sflag:s21], $0x4000  }
0x8c: {  	[sflag:s21] =	ssyncset.done $0x0  }
0x8d: {  	s31 =	simm.s32 $0x1400;
	[sflag:s21] =	ssyncadd.s32 $0xFFFFC000  }
0x8e: {  	[spmem:s1] =	stream.indirect.scatter.add.f32 [tilespmem:s19], [sflag:$0x3], $0x80, s31, s18, $0xb8;
	[tilespmem:$0x1E800] =	vst v63  }
0x8f: {  	_ =	swait.ge [sflag:s16], $0x4000  }
0x90: {  	[sflag:s16] =	ssyncset.done $0x0  }
0x91: {  	s30 =	simm.s32 $0x100;
	[sflag:s16] =	ssyncadd.s32 $0xFFFFC000  }
0x92: {  	[tilespmem:s19], [sflag:$0x1] =	stream.indirect.gather [hbm4b:s4+s18], $0x80, s30, s18, $0xb8;
	[tilespmem:$0x1E800] =	vst v63  }
0x93: {  	_ =	swait.ge [sflag:s22], $0x4000  }
0x94: {  	[sflag:s22] =	ssyncset.done $0x0  }
0x95: {  	s31 =	simm.s32 $0x1480;
	[sflag:s22] =	ssyncadd.s32 $0xFFFFC000  }
0x96: {  	[spmem:s1] =	stream.indirect.scatter.add.f32 [tilespmem:s20], [sflag:$0x3], $0x80, s31, s18, $0xb8;
	[tilespmem:$0x1E800] =	vst v63  }
0x97: {  	_ =	swait.ge [sflag:s16], $0x4000  }
0x98: {  	s29 =	simm.s32 $0x800;
	s28 =	simm.s32 $0x100;
	[sflag:s16] =	ssyncset.done $0x0  }
.LBB2_6:
0x99: {  	s0 =	sadd.s32 $0x80, s28  }
0x9a: {  	[sflag:s16] =	ssyncadd.s32 $0xFFFFC000;
	s30 =	smov.u32 s29;
	s31 =	sadd.s32 $0x400, s29  }
0x9b: {  	[tilespmem:s20], [sflag:$0x2] =	stream.indirect.gather [hbm4b:s4+s18], $0x80, s0, s18, $0xb8;
	[tilespmem:$0x1E800] =	vst v63  }
0x9c: {  	p0 =	sne.s32 s29, $0x4800;
	_ =	swait.ge [sflag:s21], $0x4000  }
0x9d: {  	[sflag:s21] =	ssyncset.done $0x0  }
0x9e: {  	s0 =	sadd.s32 $0x1400, s28;
	[sflag:s21] =	ssyncadd.s32 $0xFFFFC000  }
0x9f: {  	[spmem:s1] =	stream.indirect.scatter.add.f32 [tilespmem:s19], [sflag:$0x3], $0x80, s0, s18, $0xb8;
	[tilespmem:$0x1E800] =	vst v63  }
0xa0: {  	_ =	swait.ge [sflag:s16], $0x4000  }
0xa1: {  	[sflag:s16] =	ssyncset.done $0x0  }
0xa2: {  	s0 =	sadd.s32 $0x100, s28;
	[sflag:s16] =	ssyncadd.s32 $0xFFFFC000  }
0xa3: {  	[tilespmem:s19], [sflag:$0x1] =	stream.indirect.gather [hbm4b:s4+s18], $0x80, s0, s18, $0xb8;
	[tilespmem:$0x1E800] =	vst v63  }
0xa4: {  	_ =	swait.ge [sflag:s22], $0x4000  }
.Ltmp2:
0xa5: {  	[sflag:s22] =	ssyncset.done $0x0;
	(pc) =	sbr.rel @p0 .LBB2_6-.Ltmp2, $4  }
0xa6: {  	s0 =	sadd.s32 $0x1480, s28;
	[sflag:s22] =	ssyncadd.s32 $0xFFFFC000  }
0xa7: {  	[spmem:s1] =	stream.indirect.scatter.add.f32 [tilespmem:s20], [sflag:$0x3], $0x80, s0, s18, $0xb8;
	[tilespmem:$0x1E800] =	vst v63  }
0xa8: {  	_ =	swait.ge [sflag:s16], $0x4000  }
0xa9: {  	s29 =	smov.u32 s31;
	s28 =	sshra.s32 s30, $0x2;
	[sflag:s16] =	ssyncset.done $0x0  }
0xaa: {  	s0 =	sadd.s32 $0x80, s28;
	[sflag:s16] =	ssyncadd.s32 $0xFFFFC000  }
0xab: {  	[tilespmem:s20], [sflag:$0x2] =	stream.indirect.gather [hbm4b:s4+s18], $0x80, s0, s18, $0xb8;
	[tilespmem:$0x1E800] =	vst v63  }
0xac: {  	_ =	swait.ge [sflag:s21], $0x4000  }
0xad: {  	[sflag:s21] =	ssyncset.done $0x0  }
0xae: {  	s30 =	sadd.s32 $0x1400, s28;
	[sflag:s21] =	ssyncadd.s32 $0xFFFFC000  }
0xaf: {  	[spmem:s1] =	stream.indirect.scatter.add.f32 [tilespmem:s19], [sflag:$0x3], $0x80, s30, s18, $0xb8;
	[tilespmem:$0x1E800] =	vst v63  }
0xb0: {  	_ =	swait.ge [sflag:s16], $0x4000  }
0xb1: {  	[sflag:s16] =	ssyncset.done $0x0  }
0xb2: {  	s31 =	sadd.s32 $0x100, s28;
	[sflag:s16] =	ssyncadd.s32 $0xFFFFC000  }
0xb3: {  	[tilespmem:s19], [sflag:$0x1] =	stream.indirect.gather [hbm4b:s4+s18], $0x80, s31, s18, $0xb8;
	[tilespmem:$0x1E800] =	vst v63  }
0xb4: {  	_ =	swait.ge [sflag:s22], $0x4000  }
0xb5: {  	[sflag:s22] =	ssyncset.done $0x0  }
0xb6: {  	s29 =	sadd.s32 $0x1480, s28;
	[sflag:s22] =	ssyncadd.s32 $0xFFFFC000  }
0xb7: {  	[spmem:s1] =	stream.indirect.scatter.add.f32 [tilespmem:s20], [sflag:$0x3], $0x80, s29, s18, $0xb8;
	[tilespmem:$0x1E800] =	vst v63  }
0xb8: {  	_ =	swait.ge [sflag:s16], $0x4000  }
0xb9: {  	[sflag:s16] =	ssyncset.done $0x0  }
0xba: {  	[sflag:s16] =	ssyncadd.s32 $0xFFFFC000  }
0xbb: {  	[tilespmem:s20], [sflag:$0x2] =	stream.indirect.gather [hbm4b:s4+s18], $0x80, s23, s18, $0xb8;
	[tilespmem:$0x1E800] =	vst v63  }
0xbc: {  	_ =	swait.ge [sflag:s21], $0x4000  }
0xbd: {  	[sflag:s21] =	ssyncset.done $0x0  }
0xbe: {  	[sflag:s21] =	ssyncadd.s32 $0xFFFFC000  }
0xbf: {  	[spmem:s1] =	stream.indirect.scatter.add.f32 [tilespmem:s19], [sflag:$0x3], $0x80, s24, s18, $0xb8;
	[tilespmem:$0x1E800] =	vst v63  }
0xc0: {  	_ =	swait.ge [sflag:s16], $0x4000  }
0xc1: {  	[sflag:s16] =	ssyncset.done $0x0  }
0xc2: {  	[sflag:s16] =	ssyncadd.s32 $0xFFFFC000  }
0xc3: {  	_ =	swait.ge [sflag:s22], $0x4000  }
0xc4: {  	[sflag:s22] =	ssyncset.done $0x0  }
0xc5: {  	[sflag:s22] =	ssyncadd.s32 $0xFFFFC000  }
0xc6: {  	[spmem:s1] =	stream.indirect.scatter.add.f32 [tilespmem:s20], [sflag:$0x3], $0x80, s25, s18, $0xb8;
	[tilespmem:$0x1E800] =	vst v63  }
0xc7: {  	_ =	swait.ge [sflag:s16], $0x4000  }
0xc8: {  	s26 =	sadd.s32 $0x1, s26;
	s30 =	sshll.u32 s2, $0x6;
	[sflag:s16] =	ssyncset.done $0x0  }
0xc9: {  	p0 =	sne.s32 s26, s11;
	s0 =	sor.u32 $0x1C03, s30;
	[sflag:s16] =	ssyncadd.s32 $0xFFFFC000  }
.Ltmp3:
0xca: {  	s31 =	sshrl.u32 s7, $0x3;
	[bflag:$0x0] =	sbarrier.arrive $0xFFFF;
	(pc) =	sbr.rel @p0 .LBB2_1-.Ltmp3, $4  }
0xcb: {  	[hbm:s10], [sflag:s0] =	dma.local [spmem:s31], $0x2800  }
0xcc: {  	_ =	swait.ge [sflag:s16], $0x2800  }
0xcd: {  	[sflag:s16] =	ssyncset.done $0x0  }
0xce: {  	[sflag:s16] =	ssyncadd.s32 $0xFFFFD800  }
0xcf: {  	_ =	sfence.sel $0x180000  }
0xd0: {  	[bflag:$0x0] =	sbarrier.arrive $0xFFFF  }
0xd1: {  	_ =	strace $0x9000004A  }
0xd2: {  	[bflag:$0x2] =	sbarrier.arrive $0xFFFF  }
0xd3: {  	p0 =	sne.s32 s2, $0x0;
	s0 =	rddreg [dreg:$0x2]  }
0xd4: {  	s0 =	sadd.s32 @!p0 $0x100000, s0  }
0xd5: {  	[sflag:s0] =	ssyncadd.tile.s32 @!p0 $0x1;
	_ =	shalt  }
.Lfunc_end2:
_tile_overlayer_lowered:
.L_overlay_start_2:
0xd6: {  	(tag) =	ssettag $0x2  }
0xd7: {  	s0 =	rddreg [dreg:$0x0];
	s2 =	stileid.u32  }
0xd8: {  	s1 =	rddreg [dreg:$0x1];
	p0 =	sne.s32 s2, $0x0  }
0xd9: {  	s3 =	rddreg [dreg:$0x2];
	[bflag:$0x3] =	sbarrier.arrive $0xFFFF;
	s2 =	simm.s32 @!p0 $0x1C03  }
0xda: {  	[timem:s3], [sflag:s2] =	dma.local @!p0 [hbm:s0], s1  }
0xdb: {  	s0 =	simm.s32 @!p0 $0x3  }
0xdc: {  	_ =	swait.ge @!p0 [sflag:s0], s1  }
0xdd: {  	s1 =	ssub.s32 @!p0 $0x0, s1;
	[sflag:s0] =	ssyncset.done @!p0 $0x0  }
0xde: {  	[sflag:s0] =	ssyncadd.s32 @!p0 s1  }
0xdf: {  	[bflag:$0x3] =	sbarrier.arrive $0xFFFF  }
0xe0: {  	_ =	shalt  }

// kernel: kernel.14.cloned.1.call-start
scs
__scs_entry_jumppad:
0x0: {  	(pc) =	sbr.rel $0x88, $3  }
0x1: {  	(tag) =	ssettag $0x0;
	lr =	simm.s32 $0x1  }
0x2: {  	[smem:$0x3F9B] =	sst lr;
	_ =	strace $0xD0000000  }
0x3: {  	_ = 	snop  }
0x4: {  	_ = 	snop  }
0x5: {  	_ = 	snop  }
0x6: {  	_ = 	snop  }
0x7: {  	_ = 	snop  }
__scs_overlays_trampoline_lowered:
0x8: {  	[smem:$0x3FAA] =	sst s0  }
0x9: {  	[smem:$0x3FAB] =	sst s1  }
0xa: {  	[smem:$0x3FAC] =	sst s2  }
0xb: {  	[smem:$0x3FAD] =	sst s3  }
0xc: {  	[smem:$0x3FAE] =	sst s4  }
0xd: {  	[smem:$0x3FAF] =	sst s5  }
0xe: {  	[smem:$0x3FB0] =	sst s6  }
0xf: {  	[smem:$0x3FB1] =	sst s7  }
0x10: {  	[smem:$0x3FB2] =	sst s8  }
0x11: {  	[smem:$0x3FB3] =	sst s9;
	s0 =	simm.s32 @!p0 $0x0  }
0x12: {  	s1 =	sld [smem:$0x3F99];
	s0 =	simm.s32 @p0 $0x1  }
0x13: {  	[smem:$0x3FB4] =	sst s0;
	s0 =	simm.s32 @!p1 $0x0  }
0x14: {  	s2 =	sld [smem:$0x3F98];
	s0 =	simm.s32 @p1 $0x1  }
0x15: {  	[smem:$0x3FB5] =	sst s0;
	s0 =	simm.s32 @!p2 $0x0  }
0x16: {  	s3 =	sld [smem:$0x3FDB];
	s0 =	simm.s32 @p2 $0x1  }
0x17: {  	s4 =	simm.s32 $0x1BF5;
	[smem:$0x3FB7] =	sst s0  }
0x18: {  	s0 =	sld [smem:$0x3F9A];
	_ =	swait.ge [sflag:s4], $0x0  }
0x19: {  	s7 =	sld [smem:$0x3F9B]  }
0x1a: {  	s8 =	sadd.s32 $0xFFFFE003, lr  }
0x1b: {  	s9 =	sadd.s32 $0xFFFFFEF7, lr;
	s5 =	simm.s32 $0xFFFFFFFF;
	p2 =	slt.u32 s8, $0xFFFFF086  }
0x1c: {  	p1 =	slt.u32 s9, $0xF7A;
	s5 =	simm.s32 @!p2 $0x0  }
0x1d: {  	s5 =	simm.s32 @p1 $0x1;
	p0 =	seq.s32 s7, s2  }
0x1e: {  	s7 =	smul.u32 @!p0 $0xF7A, s2;
	p2 =	seq.s32 @!p0 s5, $0x0  }
0x1f: {  	s9 =	smul.u32 $0xF7A, s1;
	s8 =	simm.s32 @!p0 $0x1BF5;
	p2 =	por !p2, p0  }
0x20: {  	[sflag:s8] =	ssyncset.s32 @!p0 $0xFFFFF086;
	s6 =	sadd.s32 @!p0 s3, s7;
	s7 =	simm.s32 @!p0 $0x108  }
0x21: {  	s3 =	sadd.s32 s3, s9;
	s6 =	sadd.s32 @!p0 $0x88, s6;
	s7 =	simm.s32 @p2 $0x1082  }
0x22: {  	[simem:s7], [sflag:s8] =	dma.local @!p0 [hbm:s6], $0xF7A  }
0x23: {  	s9 =	sor.u32 $0xD0000000, s2;
	s6 =	simm.s32 $0x108;
	_ =	swait.ge @!p0 [sflag:s8], $0x0  }
0x24: {  	s3 =	sadd.s32 $0x88, s3;
	s6 =	simm.s32 @!p1 $0x1082;
	[sflag:s4] =	ssyncset.s32 $0xFFFFF086  }
0x25: {  	[simem:s6], [sflag:s4] =	dma.local [hbm:s3], $0xF7A  }
0x26: {  	[smem:$0x3F9B] =	sst s1;
	(tag) =	ssettag s2;
	_ =	strace s9  }
0x27: {  	s1 =	sld [smem:$0x3FAB]  }
0x28: {  	s2 =	sld [smem:$0x3FAC]  }
0x29: {  	s4 =	sld [smem:$0x3FAE]  }
0x2a: {  	p0 =	seq.s32 s5, $0x0;
	s5 =	sld [smem:$0x3FAF]  }
0x2b: {  	s6 =	sld [smem:$0x3FB0]  }
0x2c: {  	s7 =	sld [smem:$0x3FB1]  }
0x2d: {  	s3 =	simm.s32 $0x108;
	s8 =	sld [smem:$0x3FB2]  }
0x2e: {  	s3 =	simm.s32 @!p0 $0x1082;
	s9 =	sld [smem:$0x3FB3]  }
0x2f: {  	lr =	sadd.s32 s0, s3;
	s0 =	sld [smem:$0x3FAA]  }
0x30: {  	s3 =	sld [smem:$0x3FAD]  }
0x31: {  	[smem:$0x3FB6] =	sst s10  }
0x32: {  	s10 =	sld [smem:$0x3FB4];
	_ =	sdelay $0x3  }
0x33: {  	p0 =	seq.s32 s10, $0x1;
	s10 =	sld [smem:$0x3FB6];
	_ =	sdelay $0x3  }
0x34: {  	[smem:$0x3FB6] =	sst s10  }
0x35: {  	s10 =	sld [smem:$0x3FB5];
	_ =	sdelay $0x3  }
0x36: {  	p1 =	seq.s32 s10, $0x1;
	s10 =	sld [smem:$0x3FB6];
	_ =	sdelay $0x3  }
0x37: {  	[smem:$0x3FB6] =	sst s10  }
0x38: {  	s10 =	sld [smem:$0x3FB7]  }
0x39: {  	_ = 	snop;
	(pc) =	sbr.ind lr, $3  }
0x3a: {  	_ = 	snop  }
0x3b: {  	_ = 	snop  }
0x3c: {  	p2 =	seq.s32 s10, $0x1;
	s10 =	sld [smem:$0x3FB6]  }
0x3d: {  	_ =	shalt  }
0x3e: {  	_ =	shalt  }
0x3f: {  	_ =	shalt  }
0x40: {  	_ =	shalt  }
0x41: {  	_ =	shalt  }
0x42: {  	_ =	shalt  }
0x43: {  	_ =	shalt  }
0x44: {  	_ =	shalt  }
0x45: {  	_ =	shalt  }
0x46: {  	_ =	shalt  }
0x47: {  	_ =	shalt  }
0x48: {  	_ =	shalt  }
0x49: {  	_ =	shalt  }
0x4a: {  	_ =	shalt  }
0x4b: {  	_ =	shalt  }
0x4c: {  	_ =	shalt  }
0x4d: {  	_ =	shalt  }
0x4e: {  	_ =	shalt  }
0x4f: {  	_ =	shalt  }
0x50: {  	_ =	shalt  }
0x51: {  	_ =	shalt  }
0x52: {  	_ =	shalt  }
0x53: {  	_ =	shalt  }
0x54: {  	_ =	shalt  }
0x55: {  	_ =	shalt  }
0x56: {  	_ =	shalt  }
0x57: {  	_ =	shalt  }
0x58: {  	_ =	shalt  }
0x59: {  	_ =	shalt  }
0x5a: {  	_ =	shalt  }
0x5b: {  	_ =	shalt  }
0x5c: {  	_ =	shalt  }
0x5d: {  	_ =	shalt  }
0x5e: {  	_ =	shalt  }
0x5f: {  	_ =	shalt  }
0x60: {  	_ =	shalt  }
0x61: {  	_ =	shalt  }
0x62: {  	_ =	shalt  }
0x63: {  	_ =	shalt  }
0x64: {  	_ =	shalt  }
0x65: {  	_ =	shalt  }
0x66: {  	_ =	shalt  }
0x67: {  	_ =	shalt  }
0x68: {  	_ =	shalt  }
0x69: {  	_ =	shalt  }
0x6a: {  	_ =	shalt  }
0x6b: {  	_ =	shalt  }
0x6c: {  	_ =	shalt  }
0x6d: {  	_ =	shalt  }
0x6e: {  	_ =	shalt  }
0x6f: {  	_ =	shalt  }
0x70: {  	_ =	shalt  }
0x71: {  	_ =	shalt  }
0x72: {  	_ =	shalt  }
0x73: {  	_ =	shalt  }
0x74: {  	_ =	shalt  }
0x75: {  	_ =	shalt  }
0x76: {  	_ =	shalt  }
0x77: {  	_ =	shalt  }
0x78: {  	_ =	shalt  }
0x79: {  	_ =	shalt  }
0x7a: {  	_ =	shalt  }
0x7b: {  	_ =	shalt  }
0x7c: {  	_ =	shalt  }
0x7d: {  	_ =	shalt  }
0x7e: {  	_ =	shalt  }
0x7f: {  	_ =	shalt  }
0x80: {  	_ =	shalt  }
0x81: {  	_ =	shalt  }
0x82: {  	_ =	shalt  }
0x83: {  	_ =	shalt  }
0x84: {  	_ =	shalt  }
0x85: {  	_ =	shalt  }
0x86: {  	_ =	shalt  }
0x87: {  	_ =	shalt  }
.Lfunc_end0:
.L_simem_size_0:
called_computation.2_lowered:
.L_overlay_start_0:
0x88: {  	s2 =	sld [smem:$0x3FD9]  }
0x89: {  	s3 =	sld [smem:$0x3FFE];
	_ =	sdelay $0x1  }
0x8a: {  	s1 =	srdreg.scid  }
0x8b: {  	s0 =	sand.u32 $0x1, s1  }
0x8c: {  	s16 =	sshll.u32 s0, $0xA;
	s2 =	sadd.s32 s3, s2  }
0x8d: {  	s2 =	sadd.s32 s2, s16  }
0x8e: {  	[smem:$0x3FC2] =	sst s2  }
0x8f: {  	_ = 	snop  }
0x90: {  	(tm) =	ssettm $0x1  }
0x91: {  	s17 =	sld [smem:$0x3FFB];
	_ =	sdelay $0x3  }
0x92: {  	_ =	strace s17  }
0x93: {  	s2 =	sld [smem:$0x3FFC];
	_ =	sdelay $0x3  }
0x94: {  	_ =	strace s2  }
0x95: {  	s2 =	sld [smem:$0x3FFD];
	_ =	sdelay $0x3  }
0x96: {  	_ =	strace s2  }
0x97: {  	_ =	strace $0x8FFFFFFF  }
0x98: {  	s18 =	sld [smem:$0x3FDB];
	_ =	sdelay $0x1  }
0x99: {  	s19 =	simm.s32 $_scs_section_size  }
0x9a: {  	s4 =	simm.s32 $_size__tile_overlayer_lowered;
	s5 =	simm.s32 $_tile_overlayer_lowered  }
0x9b: {  	s22 =	simm.s32 $0x1BFF;
	s21 =	sshll.u32 s5, $0x1;
	s2 =	sadd.s32 s19, s18  }
0x9c: {  	s6 =	simm.s32 $0x0;
	s20 =	sshll.u32 s4, $0x1;
	s4 =	sadd.s32 s21, s2  }
0x9d: {  	[timem:s6], [sflag:s22] =	dma.local [hbm:s4], s20  }
0x9e: {  	_ =	swait.ge [sflag:s22], s20  }
0x9f: {  	s3 =	ssub.s32 $0x0, s20;
	[sflag:s22] =	ssyncset.done $0x0  }
0xa0: {  	[sflag:s22] =	ssyncadd.s32 s3;
	_ =	sdelay $0x1  }
0xa1: {  	s23 =	simm.s32 $0x1B8B  }
0xa2: {  	_ =	swait.ge [sflag:s23], $0x1  }
0xa3: {  	[sflag:s23] =	ssyncset.done $0x0  }
0xa4: {  	s25 =	simm.s32 $0x1B8E;
	s24 =	sld [smem:$0x3FFE];
	[sflag:s23] =	ssyncadd.s32 $0xFFFFFFFF  }
0xa5: {  	s26 =	simm.s32 $execute0_lowered;
	[smem:$0x3FD2] =	sst s25  }
0xa6: {  	s4 =	sshll.u32 s26, $0x1;
	_ =	strace $0x8000004C;
	[dreg:$0x1] =	wrdreg $0xFFFFFFFF  }
0xa7: {  	s28 =	simm.s32 $_size_execute0_lowered;
	s2 =	sadd.s32 s2, s4;
	[dreg:$0x0] =	wrdreg $0x0  }
0xa8: {  	s4 =	sshll.u32 s28, $0x1;
	[dreg:$0x2] =	wrdreg s2  }
0xa9: {  	[dreg:$0x3] =	wrdreg s4  }
0xaa: {  	[dreg:$0x4] =	wrdreg $0xC0  }
0xab: {  	_ =	task [dreg:s6], $0x5FFFF  }
0xac: {  	[dreg:$0x1] =	wrdreg $0xFFFFFFFF  }
0xad: {  	[dreg:$0x0] =	wrdreg $0x60  }
0xae: {  	[dreg:$0x2] =	wrdreg s24  }
0xaf: {  	[dreg:$0x3] =	wrdreg $0xA8000  }
0xb0: {  	[dreg:$0x4] =	wrdreg $0x9  }
0xb1: {  	_ =	task.clear_ibuf [dreg:s6], $0x5FFFF;
	_ =	strace $0x9000004C  }
0xb2: {  	s29 =	simm.s32 $0x9;
	_ =	strace $0x8000004E  }
0xb3: {  	_ =	swait.ge [sflag:s29], $0x1  }
0xb4: {  	[sflag:s29] =	ssyncadd.s32 $0xFFFFFFFF  }
0xb5: {  	_ =	strace $0x9000004E  }
0xb6: {  	_ =	sfence  }
0xb7: {  	s30 =	sld [smem:$0x0];
	_ =	sdelay $0x2  }
0xb8: {  	s31 =	sshll.u32 s1, $0xD;
	s1 =	sshrl.u32 s1, $0x2  }
0xb9: {  	s3 =	sand.u32 $0x4000, s31;
	s1 =	sadd.s32 s1, s30  }
0xba: {  	s0 =	sor.u32 s3, s0;
	s1 =	sshll.u32 s1, $0x11  }
0xbb: {  	s0 =	sor.u32 s1, s0  }
0xbc: {  	s0 =	sadd.s32 $0x8F2B, s0  }
0xbd: {  	[sflag:s0] =	ssyncadd.remote.s32 $0x1  }
0xbe: {  	_ =	sfence.sel $0xFFFF  }
0xbf: {  	[dreg:$0x0] =	wrdreg $0xFFFFFFFF;
	(pc) =	sbr.abs _section_cstart, $3  }
0xc0: {  	[dreg:$0x1] =	wrdreg $0xFFFFFFFF  }
0xc1: {  	_ =	task.clear_ibuf [dreg:s6], $0x2FFFF;
	_ =	strace $0x9FFFFFFF  }
0xc2: {  	(tm) =	ssettm $0x7FFFFFFF  }
0xc3: {  	_ =	shalt  }
tec
execute0_lowered:
.L_overlay_start_1:
0x0: {  	(tag) =	ssettag $0x1  }
0x1: {  	s5 =	rddreg [dreg:$0x0]  }
0x2: {  	s1 =	rddreg [dreg:$0x1];
	s3 =	simm.s32 $0x0;
	s4 =	srdreg.scid  }
0x3: {  	s2 =	stileid.u32;
	s16 =	simm.s32 $0x3;
	s17 =	simm.s32 $0x1400  }
0x4: {  	s18 =	simm.s32 $0x80;
	s19 =	simm.s32 $0x2800;
	s20 =	simm.s32 $0x6800  }
0x5: {  	s21 =	simm.s32 $0x1;
	s22 =	simm.s32 $0x2;
	s23 =	simm.s32 $0x1380  }
0x6: {  	s24 =	simm.s32 $0x2700;
	s25 =	simm.s32 $0x2780;
	s26 =	simm.s32 $0x0  }
0x7: {  	[smem:$0x7FF] =	sst s3;
	s6 =	sand.u32 $0x1, s4;
	s9 =	smul.u32 $0x14000, s2  }
0x8: {  	s8 =	sshll.u32 s2, $0x1;
	s4 =	sadd.s32 $0x21E00, s5;
	s13 =	smul.u32 $0x50000, s2  }
0x9: {  	s10 =	sadd.s32 $0xDE00, s5;
	s7 =	smul.u32 $0x140000, s6;
	s8 =	sor.u32 s6, s8  }
0xa: {  	s11 =	sadd.s32 $0x17E00, s5;
	s6 =	ssub.s32 $0x2, s6;
	s12 =	smul.u32 $0x500, s8  }
0xb: {  	_ =	strace $0x8000004D;
	s8 =	smul.u32 $0x2800, s8;
	s28 =	sshrl.u32 s6, $0x1  }
0xc: {  	s30 =	sshrl.u32 s13, $0x2;
	s7 =	sadd.s32 s9, s7;
	s15 =	ssub.s32 s6, s28  }
0xd: {  	s7 =	sshrl.u32 s7, $0x3;
	s29 =	sshrl.u32 s8, $0x3;
	s6 =	sadd.s32 s11, s12  }
0xe: {  	s14 =	sadd.s32 s7, s5;
	s5 =	sadd.s32 s10, s12;
	s31 =	sadd.s32 $0x280, s29  }
0xf: {  	s7 =	sadd.s32 s30, s1;
	s8 =	sadd.s32 s10, s31;
	s9 =	sadd.s32 s11, s31  }
0x10: {  	s10 =	sadd.s32 $0x49E00, s14;
	s11 =	smax.u32 s15, $0x1;
	s12 =	sadd.s32 $0x4000, s7  }
0x11: {  	v0 =	vimm.f32 $0.0e+00;
	s13 =	sadd.s32 $0x8000, s7;
	s14 =	sadd.s32 $0xC000, s7;
	s15 =	sadd.s32 $0x10000, s7  }
.LBB2_1:
0x12: {  	[tilespmem:s3], [sflag:$0x3] =	stream.linear.gather [hbm4b:s5+s3], $0x1400, $0x38;
	[tilespmem:$0x1E800] =	vst v63  }
0x13: {  	_ =	swait.ge [sflag:s16], $0x1400  }
0x14: {  	[sflag:s16] =	ssyncset.done $0x0  }
0x15: {  	[sflag:s16] =	ssyncadd.s32 $0xFFFFEC00  }
0x16: {  	[tilespmem:s17], [sflag:$0x3] =	stream.linear.gather [hbm4b:s6+s3], $0x1400, $0x38;
	[tilespmem:$0x1E800] =	vst v63  }
0x17: {  	_ =	swait.ge [sflag:s16], $0x1400  }
0x18: {  	[sflag:s16] =	ssyncset.done $0x0  }
0x19: {  	s28 =	simm.s32 $0x0;
	s29 =	simm.s32 $0x200;
	[sflag:s16] =	ssyncadd.s32 $0xFFFFEC00  }
0x1a: {  	[tilespmem:s19], [sflag:$0x1] =	stream.indirect.gather [hbm4b:s4+s18], $0x80, s3, s18, $0xb8;
	[tilespmem:$0x1E800] =	vst v63  }
.LBB2_2:
0x1b: {  	p0 =	sne.s32 s29, $0xFE00;
	[tilespmem:s28+$0x6870] =	vst v0  }
0x1c: {  	[tilespmem:s28+$0x6800] =	vst v0  }
0x1d: {  	[tilespmem:s28+$0x6810] =	vst v0  }
.Ltmp0:
0x1e: {  	[tilespmem:s28+$0x6820] =	vst v0;
	(pc) =	sbr.rel @p0 .LBB2_2-.Ltmp0, $4  }
0x1f: {  	[tilespmem:s28+$0x6830] =	vst v0  }
0x20: {  	[tilespmem:s28+$0x6840] =	vst v0  }
0x21: {  	[tilespmem:s28+$0x6850] =	vst v0  }
0x22: {  	[tilespmem:s28+$0x6860] =	vst v0;
	s28 =	sshra.s32 s29, $0x2;
	s29 =	sadd.s32 $0x200, s29  }
0x23: {  	[tilespmem:s28+$0x6870] =	vst v0  }
0x24: {  	[tilespmem:s28+$0x6800] =	vst v0  }
0x25: {  	[tilespmem:s28+$0x6810] =	vst v0  }
0x26: {  	[tilespmem:s28+$0x6820] =	vst v0  }
0x27: {  	[tilespmem:s28+$0x6830] =	vst v0  }
0x28: {  	[tilespmem:s28+$0x6840] =	vst v0  }
0x29: {  	[tilespmem:s28+$0x6850] =	vst v0  }
0x2a: {  	[tilespmem:s28+$0x6860] =	vst v0  }
0x2b: {  	[spmem:s7] =	stream.linear.scatter [tilespmem:s20], [sflag:$0x3], $0x4000, $0x38;
	[tilespmem:$0x1E800] =	vst v63  }
0x2c: {  	_ =	swait.ge [sflag:s16], $0x4000  }
0x2d: {  	[sflag:s16] =	ssyncset.done $0x0  }
0x2e: {  	[sflag:s16] =	ssyncadd.s32 $0xFFFFC000  }
0x2f: {  	[spmem:s12] =	stream.linear.scatter [tilespmem:s20], [sflag:$0x3], $0x4000, $0x38;
	[tilespmem:$0x1E800] =	vst v63  }
0x30: {  	_ =	swait.ge [sflag:s16], $0x4000  }
0x31: {  	[sflag:s16] =	ssyncset.done $0x0  }
0x32: {  	[sflag:s16] =	ssyncadd.s32 $0xFFFFC000  }
0x33: {  	[spmem:s13] =	stream.linear.scatter [tilespmem:s20], [sflag:$0x3], $0x4000, $0x38;
	[tilespmem:$0x1E800] =	vst v63  }
0x34: {  	_ =	swait.ge [sflag:s16], $0x4000  }
0x35: {  	[sflag:s16] =	ssyncset.done $0x0  }
0x36: {  	[sflag:s16] =	ssyncadd.s32 $0xFFFFC000  }
0x37: {  	[spmem:s14] =	stream.linear.scatter [tilespmem:s20], [sflag:$0x3], $0x4000, $0x38;
	[tilespmem:$0x1E800] =	vst v63  }
0x38: {  	_ =	swait.ge [sflag:s16], $0x4000  }
0x39: {  	[sflag:s16] =	ssyncset.done $0x0  }
0x3a: {  	[sflag:s16] =	ssyncadd.s32 $0xFFFFC000  }
0x3b: {  	[spmem:s15] =	stream.linear.scatter [tilespmem:s20], [sflag:$0x3], $0x4000, $0x38;
	[tilespmem:$0x1E800] =	vst v63  }
0x3c: {  	_ =	swait.ge [sflag:s16], $0x4000  }
0x3d: {  	[sflag:s16] =	ssyncset.done $0x0  }
0x3e: {  	[sflag:s16] =	ssyncadd.s32 $0xFFFFC000  }
0x3f: {  	s28 =	simm.s32 $0x80;
	[bflag:$0x0] =	sbarrier.arrive $0xFFFF  }
0x40: {  	[tilespmem:s20], [sflag:$0x2] =	stream.indirect.gather [hbm4b:s4+s18], $0x80, s28, s18, $0xb8;
	[tilespmem:$0x1E800] =	vst v63  }
0x41: {  	_ =	swait.ge [sflag:s21], $0x4000  }
0x42: {  	[sflag:s21] =	ssyncset.done $0x0  }
0x43: {  	s28 =	simm.s32 $0x1400;
	[sflag:s21] =	ssyncadd.s32 $0xFFFFC000  }
0x44: {  	[spmem:s1] =	stream.indirect.scatter.add.f32 [tilespmem:s19], [sflag:$0x3], $0x80, s28, s18, $0xb8;
	[tilespmem:$0x1E800] =	vst v63  }
0x45: {  	_ =	swait.ge [sflag:s16], $0x4000  }
0x46: {  	[sflag:s16] =	ssyncset.done $0x0  }
0x47: {  	s28 =	simm.s32 $0x100;
	[sflag:s16] =	ssyncadd.s32 $0xFFFFC000  }
0x48: {  	[tilespmem:s19], [sflag:$0x1] =	stream.indirect.gather [hbm4b:s4+s18], $0x80, s28, s18, $0xb8;
	[tilespmem:$0x1E800] =	vst v63  }
0x49: {  	_ =	swait.ge [sflag:s22], $0x4000  }
0x4a: {  	[sflag:s22] =	ssyncset.done $0x0  }
0x4b: {  	s28 =	simm.s32 $0x1480;
	[sflag:s22] =	ssyncadd.s32 $0xFFFFC000  }
0x4c: {  	[spmem:s1] =	stream.indirect.scatter.add.f32 [tilespmem:s20], [sflag:$0x3], $0x80, s28, s18, $0xb8;
	[tilespmem:$0x1E800] =	vst v63  }
0x4d: {  	_ =	swait.ge [sflag:s16], $0x4000  }
0x4e: {  	s29 =	simm.s32 $0x800;
	s28 =	simm.s32 $0x100;
	[sflag:s16] =	ssyncset.done $0x0  }
.LBB2_4:
0x4f: {  	s30 =	sadd.s32 $0x80, s28  }
0x50: {  	[sflag:s16] =	ssyncadd.s32 $0xFFFFC000;
	s31 =	smov.u32 s29;
	s0 =	sadd.s32 $0x400, s29  }
0x51: {  	[tilespmem:s20], [sflag:$0x2] =	stream.indirect.gather [hbm4b:s4+s18], $0x80, s30, s18, $0xb8;
	[tilespmem:$0x1E800] =	vst v63  }
0x52: {  	p0 =	sne.s32 s29, $0x4800;
	_ =	swait.ge [sflag:s21], $0x4000  }
0x53: {  	[sflag:s21] =	ssyncset.done $0x0  }
0x54: {  	s29 =	sadd.s32 $0x1400, s28;
	[sflag:s21] =	ssyncadd.s32 $0xFFFFC000  }
0x55: {  	[spmem:s1] =	stream.indirect.scatter.add.f32 [tilespmem:s19], [sflag:$0x3], $0x80, s29, s18, $0xb8;
	[tilespmem:$0x1E800] =	vst v63  }
0x56: {  	_ =	swait.ge [sflag:s16], $0x4000  }
0x57: {  	[sflag:s16] =	ssyncset.done $0x0  }
0x58: {  	s29 =	sadd.s32 $0x100, s28;
	[sflag:s16] =	ssyncadd.s32 $0xFFFFC000  }
0x59: {  	[tilespmem:s19], [sflag:$0x1] =	stream.indirect.gather [hbm4b:s4+s18], $0x80, s29, s18, $0xb8;
	[tilespmem:$0x1E800] =	vst v63  }
0x5a: {  	_ =	swait.ge [sflag:s22], $0x4000  }
.Ltmp1:
0x5b: {  	[sflag:s22] =	ssyncset.done $0x0;
	(pc) =	sbr.rel @p0 .LBB2_4-.Ltmp1, $4  }
0x5c: {  	s28 =	sadd.s32 $0x1480, s28;
	[sflag:s22] =	ssyncadd.s32 $0xFFFFC000  }
0x5d: {  	[spmem:s1] =	stream.indirect.scatter.add.f32 [tilespmem:s20], [sflag:$0x3], $0x80, s28, s18, $0xb8;
	[tilespmem:$0x1E800] =	vst v63  }
0x5e: {  	_ =	swait.ge [sflag:s16], $0x4000  }
0x5f: {  	s29 =	smov.u32 s0;
	s28 =	sshra.s32 s31, $0x2;
	[sflag:s16] =	ssyncset.done $0x0  }
0x60: {  	s0 =	sadd.s32 $0x80, s28;
	[sflag:s16] =	ssyncadd.s32 $0xFFFFC000  }
0x61: {  	[tilespmem:s20], [sflag:$0x2] =	stream.indirect.gather [hbm4b:s4+s18], $0x80, s0, s18, $0xb8;
	[tilespmem:$0x1E800] =	vst v63  }
0x62: {  	_ =	swait.ge [sflag:s21], $0x4000  }
0x63: {  	[sflag:s21] =	ssyncset.done $0x0  }
0x64: {  	s30 =	sadd.s32 $0x1400, s28;
	[sflag:s21] =	ssyncadd.s32 $0xFFFFC000  }
0x65: {  	[spmem:s1] =	stream.indirect.scatter.add.f32 [tilespmem:s19], [sflag:$0x3], $0x80, s30, s18, $0xb8;
	[tilespmem:$0x1E800] =	vst v63  }
0x66: {  	_ =	swait.ge [sflag:s16], $0x4000  }
0x67: {  	[sflag:s16] =	ssyncset.done $0x0  }
0x68: {  	s31 =	sadd.s32 $0x100, s28;
	[sflag:s16] =	ssyncadd.s32 $0xFFFFC000  }
0x69: {  	[tilespmem:s19], [sflag:$0x1] =	stream.indirect.gather [hbm4b:s4+s18], $0x80, s31, s18, $0xb8;
	[tilespmem:$0x1E800] =	vst v63  }
0x6a: {  	_ =	swait.ge [sflag:s22], $0x4000  }
0x6b: {  	[sflag:s22] =	ssyncset.done $0x0  }
0x6c: {  	s30 =	sadd.s32 $0x1480, s28;
	[sflag:s22] =	ssyncadd.s32 $0xFFFFC000  }
0x6d: {  	[spmem:s1] =	stream.indirect.scatter.add.f32 [tilespmem:s20], [sflag:$0x3], $0x80, s30, s18, $0xb8;
	[tilespmem:$0x1E800] =	vst v63  }
0x6e: {  	_ =	swait.ge [sflag:s16], $0x4000  }
0x6f: {  	[sflag:s16] =	ssyncset.done $0x0  }
0x70: {  	[sflag:s16] =	ssyncadd.s32 $0xFFFFC000  }
0x71: {  	[tilespmem:s20], [sflag:$0x2] =	stream.indirect.gather [hbm4b:s4+s18], $0x80, s23, s18, $0xb8;
	[tilespmem:$0x1E800] =	vst v63  }
0x72: {  	_ =	swait.ge [sflag:s21], $0x4000  }
0x73: {  	[sflag:s21] =	ssyncset.done $0x0  }
0x74: {  	[sflag:s21] =	ssyncadd.s32 $0xFFFFC000  }
0x75: {  	[spmem:s1] =	stream.indirect.scatter.add.f32 [tilespmem:s19], [sflag:$0x3], $0x80, s24, s18, $0xb8;
	[tilespmem:$0x1E800] =	vst v63  }
0x76: {  	_ =	swait.ge [sflag:s16], $0x4000  }
0x77: {  	[sflag:s16] =	ssyncset.done $0x0  }
0x78: {  	[sflag:s16] =	ssyncadd.s32 $0xFFFFC000  }
0x79: {  	_ =	swait.ge [sflag:s22], $0x4000  }
0x7a: {  	[sflag:s22] =	ssyncset.done $0x0  }
0x7b: {  	[sflag:s22] =	ssyncadd.s32 $0xFFFFC000  }
0x7c: {  	[spmem:s1] =	stream.indirect.scatter.add.f32 [tilespmem:s20], [sflag:$0x3], $0x80, s25, s18, $0xb8;
	[tilespmem:$0x1E800] =	vst v63  }
0x7d: {  	_ =	swait.ge [sflag:s16], $0x4000  }
0x7e: {  	[sflag:s16] =	ssyncset.done $0x0  }
0x7f: {  	s31 =	simm.s32 $0x0;
	[sflag:s16] =	ssyncadd.s32 $0xFFFFC000  }
0x80: {  	[tilespmem:s31], [sflag:$0x3] =	stream.linear.gather [hbm4b:s8+s31], $0x1400, $0x38;
	[tilespmem:$0x1E800] =	vst v63  }
0x81: {  	_ =	swait.ge [sflag:s16], $0x1400  }
0x82: {  	[sflag:s16] =	ssyncset.done $0x0  }
0x83: {  	[sflag:s16] =	ssyncadd.s32 $0xFFFFEC00  }
0x84: {  	[tilespmem:s17], [sflag:$0x3] =	stream.linear.gather [hbm4b:s9+s31], $0x1400, $0x38;
	[tilespmem:$0x1E800] =	vst v63  }
0x85: {  	_ =	swait.ge [sflag:s16], $0x1400  }
0x86: {  	[sflag:s16] =	ssyncset.done $0x0  }
0x87: {  	[sflag:s16] =	ssyncadd.s32 $0xFFFFEC00  }
0x88: {  	[tilespmem:s19], [sflag:$0x1] =	stream.indirect.gather [hbm4b:s4+s18], $0x80, s31, s18, $0xb8;
	[tilespmem:$0x1E800] =	vst v63  }
0x89: {  	s30 =	simm.s32 $0x80  }
0x8a: {  	[tilespmem:s20], [sflag:$0x2] =	stream.indirect.gather [hbm4b:s4+s18], $0x80, s30, s18, $0xb8;
	[tilespmem:$0x1E800] =	vst v63  }
0x8b: {  	_ =	swait.ge [sflag:s21], $0x4000  }
0x8c: {  	[sflag:s21] =	ssyncset.done $0x0  }
0x8d: {  	s31 =	simm.s32 $0x1400;
	[sflag:s21] =	ssyncadd.s32 $0xFFFFC000  }
0x8e: {  	[spmem:s1] =	stream.indirect.scatter.add.f32 [tilespmem:s19], [sflag:$0x3], $0x80, s31, s18, $0xb8;
	[tilespmem:$0x1E800] =	vst v63  }
0x8f: {  	_ =	swait.ge [sflag:s16], $0x4000  }
0x90: {  	[sflag:s16] =	ssyncset.done $0x0  }
0x91: {  	s30 =	simm.s32 $0x100;
	[sflag:s16] =	ssyncadd.s32 $0xFFFFC000  }
0x92: {  	[tilespmem:s19], [sflag:$0x1] =	stream.indirect.gather [hbm4b:s4+s18], $0x80, s30, s18, $0xb8;
	[tilespmem:$0x1E800] =	vst v63  }
0x93: {  	_ =	swait.ge [sflag:s22], $0x4000  }
0x94: {  	[sflag:s22] =	ssyncset.done $0x0  }
0x95: {  	s31 =	simm.s32 $0x1480;
	[sflag:s22] =	ssyncadd.s32 $0xFFFFC000  }
0x96: {  	[spmem:s1] =	stream.indirect.scatter.add.f32 [tilespmem:s20], [sflag:$0x3], $0x80, s31, s18, $0xb8;
	[tilespmem:$0x1E800] =	vst v63  }
0x97: {  	_ =	swait.ge [sflag:s16], $0x4000  }
0x98: {  	s29 =	simm.s32 $0x800;
	s28 =	simm.s32 $0x100;
	[sflag:s16] =	ssyncset.done $0x0  }
.LBB2_6:
0x99: {  	s0 =	sadd.s32 $0x80, s28  }
0x9a: {  	[sflag:s16] =	ssyncadd.s32 $0xFFFFC000;
	s30 =	smov.u32 s29;
	s31 =	sadd.s32 $0x400, s29  }
0x9b: {  	[tilespmem:s20], [sflag:$0x2] =	stream.indirect.gather [hbm4b:s4+s18], $0x80, s0, s18, $0xb8;
	[tilespmem:$0x1E800] =	vst v63  }
0x9c: {  	p0 =	sne.s32 s29, $0x4800;
	_ =	swait.ge [sflag:s21], $0x4000  }
0x9d: {  	[sflag:s21] =	ssyncset.done $0x0  }
0x9e: {  	s0 =	sadd.s32 $0x1400, s28;
	[sflag:s21] =	ssyncadd.s32 $0xFFFFC000  }
0x9f: {  	[spmem:s1] =	stream.indirect.scatter.add.f32 [tilespmem:s19], [sflag:$0x3], $0x80, s0, s18, $0xb8;
	[tilespmem:$0x1E800] =	vst v63  }
0xa0: {  	_ =	swait.ge [sflag:s16], $0x4000  }
0xa1: {  	[sflag:s16] =	ssyncset.done $0x0  }
0xa2: {  	s0 =	sadd.s32 $0x100, s28;
	[sflag:s16] =	ssyncadd.s32 $0xFFFFC000  }
0xa3: {  	[tilespmem:s19], [sflag:$0x1] =	stream.indirect.gather [hbm4b:s4+s18], $0x80, s0, s18, $0xb8;
	[tilespmem:$0x1E800] =	vst v63  }
0xa4: {  	_ =	swait.ge [sflag:s22], $0x4000  }
.Ltmp2:
0xa5: {  	[sflag:s22] =	ssyncset.done $0x0;
	(pc) =	sbr.rel @p0 .LBB2_6-.Ltmp2, $4  }
0xa6: {  	s0 =	sadd.s32 $0x1480, s28;
	[sflag:s22] =	ssyncadd.s32 $0xFFFFC000  }
0xa7: {  	[spmem:s1] =	stream.indirect.scatter.add.f32 [tilespmem:s20], [sflag:$0x3], $0x80, s0, s18, $0xb8;
	[tilespmem:$0x1E800] =	vst v63  }
0xa8: {  	_ =	swait.ge [sflag:s16], $0x4000  }
0xa9: {  	s29 =	smov.u32 s31;
	s28 =	sshra.s32 s30, $0x2;
	[sflag:s16] =	ssyncset.done $0x0  }
0xaa: {  	s0 =	sadd.s32 $0x80, s28;
	[sflag:s16] =	ssyncadd.s32 $0xFFFFC000  }
0xab: {  	[tilespmem:s20], [sflag:$0x2] =	stream.indirect.gather [hbm4b:s4+s18], $0x80, s0, s18, $0xb8;
	[tilespmem:$0x1E800] =	vst v63  }
0xac: {  	_ =	swait.ge [sflag:s21], $0x4000  }
0xad: {  	[sflag:s21] =	ssyncset.done $0x0  }
0xae: {  	s30 =	sadd.s32 $0x1400, s28;
	[sflag:s21] =	ssyncadd.s32 $0xFFFFC000  }
0xaf: {  	[spmem:s1] =	stream.indirect.scatter.add.f32 [tilespmem:s19], [sflag:$0x3], $0x80, s30, s18, $0xb8;
	[tilespmem:$0x1E800] =	vst v63  }
0xb0: {  	_ =	swait.ge [sflag:s16], $0x4000  }
0xb1: {  	[sflag:s16] =	ssyncset.done $0x0  }
0xb2: {  	s31 =	sadd.s32 $0x100, s28;
	[sflag:s16] =	ssyncadd.s32 $0xFFFFC000  }
0xb3: {  	[tilespmem:s19], [sflag:$0x1] =	stream.indirect.gather [hbm4b:s4+s18], $0x80, s31, s18, $0xb8;
	[tilespmem:$0x1E800] =	vst v63  }
0xb4: {  	_ =	swait.ge [sflag:s22], $0x4000  }
0xb5: {  	[sflag:s22] =	ssyncset.done $0x0  }
0xb6: {  	s29 =	sadd.s32 $0x1480, s28;
	[sflag:s22] =	ssyncadd.s32 $0xFFFFC000  }
0xb7: {  	[spmem:s1] =	stream.indirect.scatter.add.f32 [tilespmem:s20], [sflag:$0x3], $0x80, s29, s18, $0xb8;
	[tilespmem:$0x1E800] =	vst v63  }
0xb8: {  	_ =	swait.ge [sflag:s16], $0x4000  }
0xb9: {  	[sflag:s16] =	ssyncset.done $0x0  }
0xba: {  	[sflag:s16] =	ssyncadd.s32 $0xFFFFC000  }
0xbb: {  	[tilespmem:s20], [sflag:$0x2] =	stream.indirect.gather [hbm4b:s4+s18], $0x80, s23, s18, $0xb8;
	[tilespmem:$0x1E800] =	vst v63  }
0xbc: {  	_ =	swait.ge [sflag:s21], $0x4000  }
0xbd: {  	[sflag:s21] =	ssyncset.done $0x0  }
0xbe: {  	[sflag:s21] =	ssyncadd.s32 $0xFFFFC000  }
0xbf: {  	[spmem:s1] =	stream.indirect.scatter.add.f32 [tilespmem:s19], [sflag:$0x3], $0x80, s24, s18, $0xb8;
	[tilespmem:$0x1E800] =	vst v63  }
0xc0: {  	_ =	swait.ge [sflag:s16], $0x4000  }
0xc1: {  	[sflag:s16] =	ssyncset.done $0x0  }
0xc2: {  	[sflag:s16] =	ssyncadd.s32 $0xFFFFC000  }
0xc3: {  	_ =	swait.ge [sflag:s22], $0x4000  }
0xc4: {  	[sflag:s22] =	ssyncset.done $0x0  }
0xc5: {  	[sflag:s22] =	ssyncadd.s32 $0xFFFFC000  }
0xc6: {  	[spmem:s1] =	stream.indirect.scatter.add.f32 [tilespmem:s20], [sflag:$0x3], $0x80, s25, s18, $0xb8;
	[tilespmem:$0x1E800] =	vst v63  }
0xc7: {  	_ =	swait.ge [sflag:s16], $0x4000  }
0xc8: {  	s26 =	sadd.s32 $0x1, s26;
	s30 =	sshll.u32 s2, $0x6;
	[sflag:s16] =	ssyncset.done $0x0  }
0xc9: {  	p0 =	sne.s32 s26, s11;
	s0 =	sor.u32 $0x1C03, s30;
	[sflag:s16] =	ssyncadd.s32 $0xFFFFC000  }
.Ltmp3:
0xca: {  	s31 =	sshrl.u32 s7, $0x3;
	[bflag:$0x0] =	sbarrier.arrive $0xFFFF;
	(pc) =	sbr.rel @p0 .LBB2_1-.Ltmp3, $4  }
0xcb: {  	[hbm:s10], [sflag:s0] =	dma.local [spmem:s31], $0x2800  }
0xcc: {  	_ =	swait.ge [sflag:s16], $0x2800  }
0xcd: {  	[sflag:s16] =	ssyncset.done $0x0  }
0xce: {  	[sflag:s16] =	ssyncadd.s32 $0xFFFFD800  }
0xcf: {  	_ =	sfence.sel $0x180000  }
0xd0: {  	[bflag:$0x0] =	sbarrier.arrive $0xFFFF  }
0xd1: {  	_ =	strace $0x9000004D  }
0xd2: {  	[bflag:$0x2] =	sbarrier.arrive $0xFFFF  }
0xd3: {  	p0 =	sne.s32 s2, $0x0;
	s0 =	rddreg [dreg:$0x2]  }
0xd4: {  	s0 =	sadd.s32 @!p0 $0x100000, s0  }
0xd5: {  	[sflag:s0] =	ssyncadd.tile.s32 @!p0 $0x1;
	_ =	shalt  }
.Lfunc_end2:
_tile_overlayer_lowered:
.L_overlay_start_2:
0xd6: {  	(tag) =	ssettag $0x2  }
0xd7: {  	s0 =	rddreg [dreg:$0x0];
	s2 =	stileid.u32  }
0xd8: {  	s1 =	rddreg [dreg:$0x1];
	p0 =	sne.s32 s2, $0x0  }
0xd9: {  	s3 =	rddreg [dreg:$0x2];
	[bflag:$0x3] =	sbarrier.arrive $0xFFFF;
	s2 =	simm.s32 @!p0 $0x1C03  }
0xda: {  	[timem:s3], [sflag:s2] =	dma.local @!p0 [hbm:s0], s1  }
0xdb: {  	s0 =	simm.s32 @!p0 $0x3  }
0xdc: {  	_ =	swait.ge @!p0 [sflag:s0], s1  }
0xdd: {  	s1 =	ssub.s32 @!p0 $0x0, s1;
	[sflag:s0] =	ssyncset.done @!p0 $0x0  }
0xde: {  	[sflag:s0] =	ssyncadd.s32 @!p0 s1  }
0xdf: {  	[bflag:$0x3] =	sbarrier.arrive $0xFFFF  }
0xe0: {  	_ =	shalt  }

// kernel: kernel.8.cloned.1.call-start
scs
__scs_entry_jumppad:
0x0: {  	(pc) =	sbr.rel $0x88, $3  }
0x1: {  	(tag) =	ssettag $0x0;
	lr =	simm.s32 $0x1  }
0x2: {  	[smem:$0x3F9B] =	sst lr;
	_ =	strace $0xD0000000  }
0x3: {  	_ = 	snop  }
0x4: {  	_ = 	snop  }
0x5: {  	_ = 	snop  }
0x6: {  	_ = 	snop  }
0x7: {  	_ = 	snop  }
__scs_overlays_trampoline_lowered:
0x8: {  	[smem:$0x3FAA] =	sst s0  }
0x9: {  	[smem:$0x3FAB] =	sst s1  }
0xa: {  	[smem:$0x3FAC] =	sst s2  }
0xb: {  	[smem:$0x3FAD] =	sst s3  }
0xc: {  	[smem:$0x3FAE] =	sst s4  }
0xd: {  	[smem:$0x3FAF] =	sst s5  }
0xe: {  	[smem:$0x3FB0] =	sst s6  }
0xf: {  	[smem:$0x3FB1] =	sst s7  }
0x10: {  	[smem:$0x3FB2] =	sst s8  }
0x11: {  	[smem:$0x3FB3] =	sst s9;
	s0 =	simm.s32 @!p0 $0x0  }
0x12: {  	s1 =	sld [smem:$0x3F99];
	s0 =	simm.s32 @p0 $0x1  }
0x13: {  	[smem:$0x3FB4] =	sst s0;
	s0 =	simm.s32 @!p1 $0x0  }
0x14: {  	s2 =	sld [smem:$0x3F98];
	s0 =	simm.s32 @p1 $0x1  }
0x15: {  	[smem:$0x3FB5] =	sst s0;
	s0 =	simm.s32 @!p2 $0x0  }
0x16: {  	s3 =	sld [smem:$0x3FDB];
	s0 =	simm.s32 @p2 $0x1  }
0x17: {  	s4 =	simm.s32 $0x1BF5;
	[smem:$0x3FB7] =	sst s0  }
0x18: {  	s0 =	sld [smem:$0x3F9A];
	_ =	swait.ge [sflag:s4], $0x0  }
0x19: {  	s7 =	sld [smem:$0x3F9B]  }
0x1a: {  	s8 =	sadd.s32 $0xFFFFE003, lr  }
0x1b: {  	s9 =	sadd.s32 $0xFFFFFEF7, lr;
	s5 =	simm.s32 $0xFFFFFFFF;
	p2 =	slt.u32 s8, $0xFFFFF086  }
0x1c: {  	p1 =	slt.u32 s9, $0xF7A;
	s5 =	simm.s32 @!p2 $0x0  }
0x1d: {  	s5 =	simm.s32 @p1 $0x1;
	p0 =	seq.s32 s7, s2  }
0x1e: {  	s7 =	smul.u32 @!p0 $0xF7A, s2;
	p2 =	seq.s32 @!p0 s5, $0x0  }
0x1f: {  	s9 =	smul.u32 $0xF7A, s1;
	s8 =	simm.s32 @!p0 $0x1BF5;
	p2 =	por !p2, p0  }
0x20: {  	[sflag:s8] =	ssyncset.s32 @!p0 $0xFFFFF086;
	s6 =	sadd.s32 @!p0 s3, s7;
	s7 =	simm.s32 @!p0 $0x108  }
0x21: {  	s3 =	sadd.s32 s3, s9;
	s6 =	sadd.s32 @!p0 $0x88, s6;
	s7 =	simm.s32 @p2 $0x1082  }
0x22: {  	[simem:s7], [sflag:s8] =	dma.local @!p0 [hbm:s6], $0xF7A  }
0x23: {  	s9 =	sor.u32 $0xD0000000, s2;
	s6 =	simm.s32 $0x108;
	_ =	swait.ge @!p0 [sflag:s8], $0x0  }
0x24: {  	s3 =	sadd.s32 $0x88, s3;
	s6 =	simm.s32 @!p1 $0x1082;
	[sflag:s4] =	ssyncset.s32 $0xFFFFF086  }
0x25: {  	[simem:s6], [sflag:s4] =	dma.local [hbm:s3], $0xF7A  }
0x26: {  	[smem:$0x3F9B] =	sst s1;
	(tag) =	ssettag s2;
	_ =	strace s9  }
0x27: {  	s1 =	sld [smem:$0x3FAB]  }
0x28: {  	s2 =	sld [smem:$0x3FAC]  }
0x29: {  	s4 =	sld [smem:$0x3FAE]  }
0x2a: {  	p0 =	seq.s32 s5, $0x0;
	s5 =	sld [smem:$0x3FAF]  }
0x2b: {  	s6 =	sld [smem:$0x3FB0]  }
0x2c: {  	s7 =	sld [smem:$0x3FB1]  }
0x2d: {  	s3 =	simm.s32 $0x108;
	s8 =	sld [smem:$0x3FB2]  }
0x2e: {  	s3 =	simm.s32 @!p0 $0x1082;
	s9 =	sld [smem:$0x3FB3]  }
0x2f: {  	lr =	sadd.s32 s0, s3;
	s0 =	sld [smem:$0x3FAA]  }
0x30: {  	s3 =	sld [smem:$0x3FAD]  }
0x31: {  	[smem:$0x3FB6] =	sst s10  }
0x32: {  	s10 =	sld [smem:$0x3FB4];
	_ =	sdelay $0x3  }
0x33: {  	p0 =	seq.s32 s10, $0x1;
	s10 =	sld [smem:$0x3FB6];
	_ =	sdelay $0x3  }
0x34: {  	[smem:$0x3FB6] =	sst s10  }
0x35: {  	s10 =	sld [smem:$0x3FB5];
	_ =	sdelay $0x3  }
0x36: {  	p1 =	seq.s32 s10, $0x1;
	s10 =	sld [smem:$0x3FB6];
	_ =	sdelay $0x3  }
0x37: {  	[smem:$0x3FB6] =	sst s10  }
0x38: {  	s10 =	sld [smem:$0x3FB7]  }
0x39: {  	_ = 	snop;
	(pc) =	sbr.ind lr, $3  }
0x3a: {  	_ = 	snop  }
0x3b: {  	_ = 	snop  }
0x3c: {  	p2 =	seq.s32 s10, $0x1;
	s10 =	sld [smem:$0x3FB6]  }
0x3d: {  	_ =	shalt  }
0x3e: {  	_ =	shalt  }
0x3f: {  	_ =	shalt  }
0x40: {  	_ =	shalt  }
0x41: {  	_ =	shalt  }
0x42: {  	_ =	shalt  }
0x43: {  	_ =	shalt  }
0x44: {  	_ =	shalt  }
0x45: {  	_ =	shalt  }
0x46: {  	_ =	shalt  }
0x47: {  	_ =	shalt  }
0x48: {  	_ =	shalt  }
0x49: {  	_ =	shalt  }
0x4a: {  	_ =	shalt  }
0x4b: {  	_ =	shalt  }
0x4c: {  	_ =	shalt  }
0x4d: {  	_ =	shalt  }
0x4e: {  	_ =	shalt  }
0x4f: {  	_ =	shalt  }
0x50: {  	_ =	shalt  }
0x51: {  	_ =	shalt  }
0x52: {  	_ =	shalt  }
0x53: {  	_ =	shalt  }
0x54: {  	_ =	shalt  }
0x55: {  	_ =	shalt  }
0x56: {  	_ =	shalt  }
0x57: {  	_ =	shalt  }
0x58: {  	_ =	shalt  }
0x59: {  	_ =	shalt  }
0x5a: {  	_ =	shalt  }
0x5b: {  	_ =	shalt  }
0x5c: {  	_ =	shalt  }
0x5d: {  	_ =	shalt  }
0x5e: {  	_ =	shalt  }
0x5f: {  	_ =	shalt  }
0x60: {  	_ =	shalt  }
0x61: {  	_ =	shalt  }
0x62: {  	_ =	shalt  }
0x63: {  	_ =	shalt  }
0x64: {  	_ =	shalt  }
0x65: {  	_ =	shalt  }
0x66: {  	_ =	shalt  }
0x67: {  	_ =	shalt  }
0x68: {  	_ =	shalt  }
0x69: {  	_ =	shalt  }
0x6a: {  	_ =	shalt  }
0x6b: {  	_ =	shalt  }
0x6c: {  	_ =	shalt  }
0x6d: {  	_ =	shalt  }
0x6e: {  	_ =	shalt  }
0x6f: {  	_ =	shalt  }
0x70: {  	_ =	shalt  }
0x71: {  	_ =	shalt  }
0x72: {  	_ =	shalt  }
0x73: {  	_ =	shalt  }
0x74: {  	_ =	shalt  }
0x75: {  	_ =	shalt  }
0x76: {  	_ =	shalt  }
0x77: {  	_ =	shalt  }
0x78: {  	_ =	shalt  }
0x79: {  	_ =	shalt  }
0x7a: {  	_ =	shalt  }
0x7b: {  	_ =	shalt  }
0x7c: {  	_ =	shalt  }
0x7d: {  	_ =	shalt  }
0x7e: {  	_ =	shalt  }
0x7f: {  	_ =	shalt  }
0x80: {  	_ =	shalt  }
0x81: {  	_ =	shalt  }
0x82: {  	_ =	shalt  }
0x83: {  	_ =	shalt  }
0x84: {  	_ =	shalt  }
0x85: {  	_ =	shalt  }
0x86: {  	_ =	shalt  }
0x87: {  	_ =	shalt  }
.Lfunc_end0:
.L_simem_size_0:
called_computation_lowered:
.L_overlay_start_0:
0x88: {  	s2 =	sld [smem:$0x3FD9]  }
0x89: {  	s3 =	sld [smem:$0x3FFE];
	_ =	sdelay $0x1  }
0x8a: {  	s1 =	srdreg.scid  }
0x8b: {  	s0 =	sand.u32 $0x1, s1  }
0x8c: {  	s17 =	sshll.u32 s0, $0xA;
	s2 =	sadd.s32 s3, s2  }
0x8d: {  	s2 =	sadd.s32 s2, s17  }
0x8e: {  	[smem:$0x3FC2] =	sst s2  }
0x8f: {  	_ = 	snop  }
0x90: {  	s2 =	sld [smem:$0x3FD0];
	(tm) =	ssettm $0x1  }
0x91: {  	s18 =	sld [smem:$0x3FFB];
	_ =	sdelay $0x3  }
0x92: {  	_ =	strace s18  }
0x93: {  	s3 =	sld [smem:$0x3FFC];
	_ =	sdelay $0x3  }
0x94: {  	_ =	strace s3  }
0x95: {  	s3 =	sld [smem:$0x3FFD];
	_ =	sdelay $0x3  }
0x96: {  	_ =	strace s3  }
0x97: {  	_ =	strace $0x8FFFFFFF  }
0x98: {  	s19 =	sld [smem:$0x3FDB];
	_ =	sdelay $0x1  }
0x99: {  	s4 =	simm.s32 $_scs_section_size  }
0x9a: {  	s5 =	simm.s32 $_size__tile_overlayer_lowered;
	s6 =	simm.s32 $_tile_overlayer_lowered  }
0x9b: {  	s22 =	simm.s32 $0x1BFF;
	s21 =	sshll.u32 s6, $0x1;
	s3 =	sadd.s32 s4, s19  }
0x9c: {  	s7 =	simm.s32 $0x0;
	s20 =	sshll.u32 s5, $0x1;
	s5 =	sadd.s32 s21, s3  }
0x9d: {  	[timem:s7], [sflag:s22] =	dma.local [hbm:s5], s20  }
0x9e: {  	_ =	swait.ge [sflag:s22], s20  }
0x9f: {  	s4 =	ssub.s32 $0x0, s20;
	[sflag:s22] =	ssyncset.done $0x0  }
0xa0: {  	[sflag:s22] =	ssyncadd.s32 s4;
	_ =	sdelay $0x1  }
0xa1: {  	s23 =	simm.s32 $0x1B8B  }
0xa2: {  	_ =	swait.ge [sflag:s23], $0x1  }
0xa3: {  	[sflag:s23] =	ssyncset.done $0x0  }
0xa4: {  	s25 =	simm.s32 $0x1B8E;
	s24 =	sld [smem:$0x3FFE];
	[sflag:s23] =	ssyncadd.s32 $0xFFFFFFFF  }
0xa5: {  	s26 =	simm.s32 $execute0_lowered;
	[smem:$0x3FD2] =	sst s25  }
0xa6: {  	s5 =	sshll.u32 s26, $0x1;
	_ =	strace $0x80000046;
	[dreg:$0x1] =	wrdreg $0xFFFFFFFF  }
0xa7: {  	s28 =	simm.s32 $_size_execute0_lowered;
	s3 =	sadd.s32 s3, s5;
	[dreg:$0x0] =	wrdreg $0x0  }
0xa8: {  	s5 =	sshll.u32 s28, $0x1;
	[dreg:$0x2] =	wrdreg s3  }
0xa9: {  	[dreg:$0x3] =	wrdreg s5  }
0xaa: {  	[dreg:$0x4] =	wrdreg $0xC0  }
0xab: {  	_ =	task [dreg:s7], $0x5FFFF  }
0xac: {  	[dreg:$0x1] =	wrdreg $0xFFFFFFFF  }
0xad: {  	[dreg:$0x0] =	wrdreg $0x60  }
0xae: {  	[dreg:$0x2] =	wrdreg s24  }
0xaf: {  	[dreg:$0x3] =	wrdreg s2  }
0xb0: {  	[dreg:$0x4] =	wrdreg $0xA8800  }
0xb1: {  	[dreg:$0x5] =	wrdreg $0x9  }
0xb2: {  	_ =	task.clear_ibuf [dreg:s7], $0x6FFFF;
	_ =	strace $0x90000046  }
0xb3: {  	s29 =	simm.s32 $0x9;
	_ =	strace $0x80000048  }
0xb4: {  	_ =	swait.ge [sflag:s29], $0x1  }
0xb5: {  	[sflag:s29] =	ssyncadd.s32 $0xFFFFFFFF  }
0xb6: {  	_ =	strace $0x90000048  }
0xb7: {  	_ =	sfence  }
0xb8: {  	s30 =	sld [smem:$0x0];
	_ =	sdelay $0x2  }
0xb9: {  	s31 =	sshll.u32 s1, $0xD;
	s1 =	sshrl.u32 s1, $0x2  }
0xba: {  	s3 =	sand.u32 $0x4000, s31;
	s1 =	sadd.s32 s1, s30  }
0xbb: {  	s0 =	sor.u32 s3, s0;
	s1 =	sshll.u32 s1, $0x11  }
0xbc: {  	s0 =	sor.u32 s1, s0  }
0xbd: {  	s0 =	sadd.s32 $0x8F2B, s0  }
0xbe: {  	[sflag:s0] =	ssyncadd.remote.s32 $0x1  }
0xbf: {  	_ =	sfence.sel $0xFFFF  }
0xc0: {  	[dreg:$0x0] =	wrdreg $0xFFFFFFFF;
	(pc) =	sbr.abs _section_cstart, $3  }
0xc1: {  	[dreg:$0x1] =	wrdreg $0xFFFFFFFF  }
0xc2: {  	_ =	task.clear_ibuf [dreg:s7], $0x2FFFF;
	_ =	strace $0x9FFFFFFF  }
0xc3: {  	(tm) =	ssettm $0x7FFFFFFF  }
tec
execute0_lowered:
.L_overlay_start_1:
0x0: {  	(tag) =	ssettag $0x1  }
0x1: {  	s3 =	rddreg [dreg:$0x0]  }
0x2: {  	s4 =	rddreg [dreg:$0x1];
	s0 =	srdreg.scid  }
0x3: {  	s13 =	stileid.u32;
	s1 =	rddreg [dreg:$0x2];
	s2 =	simm.s32 $0x0  }
0x4: {  	s14 =	simm.s32 $0x2800;
	s15 =	simm.s32 $0xA080;
	s16 =	simm.s32 $0x5000  }
0x5: {  	s17 =	simm.s32 $0x7800;
	s18 =	simm.s32 $0x80;
	s19 =	simm.s32 $0xA000  }
0x6: {  	s21 =	simm.s32 $0x0;
	s5 =	sand.u32 $0x1, s0;
	s0 =	rddreg [dreg:$0x3]  }
0x7: {  	s6 =	sshll.u32 s13, $0x1;
	[smem:$0x7FF] =	sst s2;
	s10 =	sadd.s32 $0x1000, s1  }
0x8: {  	s11 =	sadd.s32 $0x1800, s1;
	s12 =	sadd.s32 $0x2000, s1;
	p0 =	sne.s32 s13, $0x0  }
0x9: {  	s13 =	simm.s32 $0x1;
	s6 =	sor.u32 s5, s6;
	_ =	strace $0x80000047  }
0xa: {  	s7 =	sshll.u32 s5, $0x4;
	s5 =	ssub.s32 $0x2, s5;
	s6 =	smul.u32 $0x500, s6  }
0xb: {  	v0 =	vimm.f32 $1.000000000e+00;
	v9 =	vlaneseq.u32;
	s20 =	sshrl.u32 @!p0 s1, $0x3;
	s7 =	sadd.s32 s7, s3;
	s31 =	sshrl.u32 s5, $0x1  }
0xc: {  	v1 =	vimm.f32 $0.0e+00;
	v2 =	vor.u32 $0x2710, v9;
	v3 =	vor.u32 $0x2720, v9;
	s9 =	ssub.s32 s5, s31;
	s7 =	sadd.s32 $0xD400, s7;
	s8 =	sadd.s32 s6, s3  }
0xd: {  	v4 =	vor.u32 $0x2730, v9;
	v5 =	vor.u32 $0x2740, v9;
	v6 =	vor.u32 $0x2750, v9;
	s4 =	sadd.s32 s4, s6;
	s3 =	sadd.s32 $0x3400, s8;
	s5 =	sadd.s32 $0xDE00, s8  }
0xe: {  	v7 =	vor.u32 $0x2760, v9;
	v8 =	vor.u32 $0x2770, v9;
	v9 =	vor.u32 $0x2780, v9;
	s6 =	sadd.s32 $0x17E00, s8;
	s8 =	smax.u32 s9, $0x1;
	s9 =	sadd.s32 $0x800, s1  }
.LBB2_1:
0xf: {  	[tilespmem:s2], [sflag:$0x1] =	stream.linear.gather [hbm4b:s3+s2], $0x2800, $0x38;
	[tilespmem:$0xAB00] =	vst v63  }
0x10: {  	_ =	swait.ge [sflag:s13], $0x2800  }
0x11: {  	[sflag:s13] =	ssyncset.done $0x0  }
0x12: {  	[sflag:s13] =	ssyncadd.s32 $0xFFFFD800  }
0x13: {  	[tilespmem:s14], [sflag:$0x1] =	stream.linear.gather [hbm4b:s4+s2], $0x2800, $0x38;
	[tilespmem:$0xAB00] =	vst v63  }
0x14: {  	_ =	swait.ge [sflag:s13], $0x2800  }
0x15: {  	[sflag:s13] =	ssyncset.done $0x0  }
0x16: {  	[sflag:s13] =	ssyncadd.s32 $0xFFFFD800  }
0x17: {  	[tilespmem:$0xA000] =	vst v0  }
0x18: {  	[tilespmem:$0xA010] =	vst v0  }
0x19: {  	[tilespmem:$0xA020] =	vst v0  }
.Ltmp0:
0x1a: {  	[tilespmem:$0xA030] =	vst v0;
	(pc) =	sbr.rel @p0 .LBB2_5-.Ltmp0, $4  }
0x1b: {  	[tilespmem:$0xA040] =	vst v0  }
0x1c: {  	[tilespmem:$0xA050] =	vst v0  }
0x1d: {  	[tilespmem:$0xA060] =	vst v0  }
0x1e: {  	[tilespmem:$0xA070] =	vst v0  }
0x1f: {  	s22 =	simm.s32 $0x40;
	s23 =	simm.s32 $0x0  }
.LBB2_3:
0x20: {  	p1 =	sne.s32 s22, $0x1FC0;
	[tilespmem:s23+$0xA080] =	vst v1;
	s23 =	smov.u32 s22;
	s22 =	sadd.s32 $0x40, s22  }
.Ltmp1:
0x21: {  	(pc) =	sbr.rel @p1 .LBB2_3-.Ltmp1, $2  }
0x22: {  	_ =	sdelay $0x2  }
0x23: {  	s23 =	sshra.s32 s23, $0x2  }
0x24: {  	[tilespmem:s23+$0xA080] =	vst v1  }
0x25: {  	[spmem:s1] =	stream.linear.scatter [tilespmem:s15], [sflag:$0x1], $0x800, $0x38;
	[tilespmem:$0xAB00] =	vst v63  }
0x26: {  	_ =	swait.ge [sflag:s13], $0x800  }
0x27: {  	[sflag:s13] =	ssyncset.done $0x0  }
0x28: {  	[sflag:s13] =	ssyncadd.s32 $0xFFFFF800  }
0x29: {  	[spmem:s9] =	stream.linear.scatter [tilespmem:s15], [sflag:$0x1], $0x800, $0x38;
	[tilespmem:$0xAB00] =	vst v63  }
0x2a: {  	_ =	swait.ge [sflag:s13], $0x800  }
0x2b: {  	[sflag:s13] =	ssyncset.done $0x0  }
0x2c: {  	[sflag:s13] =	ssyncadd.s32 $0xFFFFF800  }
0x2d: {  	[spmem:s10] =	stream.linear.scatter [tilespmem:s15], [sflag:$0x1], $0x800, $0x38;
	[tilespmem:$0xAB00] =	vst v63  }
0x2e: {  	_ =	swait.ge [sflag:s13], $0x800  }
0x2f: {  	[sflag:s13] =	ssyncset.done $0x0  }
0x30: {  	[sflag:s13] =	ssyncadd.s32 $0xFFFFF800  }
0x31: {  	[spmem:s11] =	stream.linear.scatter [tilespmem:s15], [sflag:$0x1], $0x800, $0x38;
	[tilespmem:$0xAB00] =	vst v63  }
0x32: {  	_ =	swait.ge [sflag:s13], $0x800  }
0x33: {  	[sflag:s13] =	ssyncset.done $0x0  }
0x34: {  	[sflag:s13] =	ssyncadd.s32 $0xFFFFF800  }
0x35: {  	[spmem:s12] =	stream.linear.scatter [tilespmem:s15], [sflag:$0x1], $0x800, $0x38;
	[tilespmem:$0xAB00] =	vst v63  }
0x36: {  	_ =	swait.ge [sflag:s13], $0x800  }
0x37: {  	[sflag:s13] =	ssyncset.done $0x0  }
0x38: {  	[sflag:s13] =	ssyncadd.s32 $0xFFFFF800  }
.LBB2_5:
0x39: {  	s22 =	simm.s32 $0x0  }
0x3a: {  	v10 =	vld [tilespmem:s22+$0x70]  }
0x3b: {  	v11 =	vld [tilespmem:s22+$0x2870]  }
0x3c: {  	v12 =	vld [tilespmem:s22+$0x0]  }
0x3d: {  	v13 =	vld [tilespmem:s22+$0x2800]  }
0x3e: {  	v14 =	vld [tilespmem:s22+$0x10]  }
0x3f: {  	v15 =	vld [tilespmem:s22+$0x2810]  }
0x40: {  	v16 =	vld [tilespmem:s22+$0x20];
	vm0 =	veq.s32 v10, v11  }
0x41: {  	v17 =	vld [tilespmem:s22+$0x2820];
	v11 =	vsel vm0, v9, v11  }
0x42: {  	v18 =	vld [tilespmem:s22+$0x30];
	v10 =	vsel vm0, v9, v10;
	vm0 =	veq.s32 v12, v13;
	[tilespmem:s22+$0x7870] =	vst v11  }
0x43: {  	v19 =	vld [tilespmem:s22+$0x2830];
	v11 =	vsel vm0, v2, v12;
	[tilespmem:s22+$0x5070] =	vst v10  }
0x44: {  	v10 =	vsel vm0, v2, v13;
	vm0 =	veq.s32 v14, v15;
	[tilespmem:s22+$0x5000] =	vst v11;
	v11 =	vld [tilespmem:s22+$0x40]  }
0x45: {  	[tilespmem:s22+$0x7800] =	vst v10;
	v10 =	vsel vm0, v3, v14;
	v14 =	vld [tilespmem:s22+$0x2840]  }
0x46: {  	v12 =	vld [tilespmem:s22+$0x50];
	[tilespmem:s22+$0x5010] =	vst v10;
	v10 =	vsel vm0, v3, v15;
	vm0 =	veq.s32 v16, v17  }
0x47: {  	v15 =	vld [tilespmem:s22+$0x2850];
	[tilespmem:s22+$0x7810] =	vst v10;
	v10 =	vsel vm0, v4, v16  }
0x48: {  	v13 =	vld [tilespmem:s22+$0x60];
	[tilespmem:s22+$0x5020] =	vst v10;
	v10 =	vsel vm0, v4, v17;
	vm0 =	veq.s32 v18, v19  }
0x49: {  	s23 =	simm.s32 $0x80;
	v16 =	vld [tilespmem:s22+$0x2860];
	[tilespmem:s22+$0x7820] =	vst v10;
	v18 =	vsel vm0, v5, v18  }
0x4a: {  	s24 =	simm.s32 $0x400;
	v17 =	vsel vm0, v5, v19;
	v10 =	vld [tilespmem:s23+$0x70];
	[tilespmem:s22+$0x5030] =	vst v18;
	vm0 =	veq.s32 v11, v14  }
.LBB2_6:
0x4b: {  	p1 =	sne.s32 s24, $0x9E00;
	v18 =	vld [tilespmem:s23+$0x2870];
	[tilespmem:s22+$0x7830] =	vst v17;
	v11 =	vsel vm0, v6, v11;
	v14 =	vsel vm0, v6, v14  }
0x4c: {  	v17 =	vld [tilespmem:s23+$0x0];
	[tilespmem:s22+$0x5040] =	vst v11;
	vm0 =	veq.s32 v12, v15  }
0x4d: {  	v11 =	vld [tilespmem:s23+$0x2800];
	[tilespmem:s22+$0x7840] =	vst v14;
	v12 =	vsel vm0, v7, v12;
	v14 =	vsel vm0, v7, v15  }
0x4e: {  	v15 =	vld [tilespmem:s23+$0x10];
	[tilespmem:s22+$0x5050] =	vst v12;
	vm0 =	veq.s32 v13, v16  }
0x4f: {  	v12 =	vld [tilespmem:s23+$0x2810];
	[tilespmem:s22+$0x7850] =	vst v14;
	v13 =	vsel vm0, v8, v13;
	v14 =	vsel vm0, v8, v16  }
0x50: {  	v16 =	vld [tilespmem:s23+$0x20];
	vm0 =	veq.s32 v10, v18;
	[tilespmem:s22+$0x5060] =	vst v13  }
0x51: {  	v13 =	vld [tilespmem:s23+$0x2820];
	v10 =	vsel vm0, v9, v10;
	v18 =	vsel vm0, v9, v18;
	[tilespmem:s22+$0x7860] =	vst v14;
	s22 =	smov.u32 s23  }
0x52: {  	vm0 =	veq.s32 v17, v11;
	v19 =	vld [tilespmem:s22+$0x30];
	[tilespmem:s22+$0x7870] =	vst v18  }
0x53: {  	v14 =	vsel vm0, v2, v17;
	v17 =	vsel vm0, v2, v11;
	v18 =	vld [tilespmem:s22+$0x2830];
	[tilespmem:s22+$0x5070] =	vst v10  }
0x54: {  	[tilespmem:s22+$0x5000] =	vst v14;
	vm0 =	veq.s32 v15, v12;
	v11 =	vld [tilespmem:s22+$0x40]  }
0x55: {  	[tilespmem:s22+$0x7800] =	vst v17;
	v10 =	vsel vm0, v3, v15;
	v15 =	vsel vm0, v3, v12;
	v14 =	vld [tilespmem:s22+$0x2840]  }
.Ltmp2:
0x56: {  	[tilespmem:s22+$0x5010] =	vst v10;
	vm0 =	veq.s32 v16, v13;
	v12 =	vld [tilespmem:s22+$0x50];
	(pc) =	sbr.rel @p1 .LBB2_6-.Ltmp2, $4  }
0x57: {  	[tilespmem:s22+$0x7810] =	vst v15;
	v10 =	vsel vm0, v4, v16;
	v16 =	vsel vm0, v4, v13;
	v15 =	vld [tilespmem:s22+$0x2850]  }
0x58: {  	[tilespmem:s22+$0x5020] =	vst v10;
	vm0 =	veq.s32 v19, v18;
	v13 =	vld [tilespmem:s22+$0x60]  }
0x59: {  	s23 =	sshra.s32 s24, $0x2;
	[tilespmem:s22+$0x7820] =	vst v16;
	v19 =	vsel vm0, v5, v19;
	v17 =	vsel vm0, v5, v18;
	v16 =	vld [tilespmem:s22+$0x2860]  }
0x5a: {  	s24 =	sadd.s32 $0x200, s24;
	v10 =	vld [tilespmem:s23+$0x70];
	[tilespmem:s22+$0x5030] =	vst v19;
	vm0 =	veq.s32 v11, v14  }
0x5b: {  	v18 =	vld [tilespmem:s23+$0x2870];
	[tilespmem:s22+$0x7830] =	vst v17;
	v11 =	vsel vm0, v6, v11  }
0x5c: {  	v17 =	vld [tilespmem:s23+$0x0];
	[tilespmem:s22+$0x5040] =	vst v11;
	v11 =	vsel vm0, v6, v14;
	vm6 =	veq.s32 v12, v15  }
0x5d: {  	v52 =	vld [tilespmem:s23+$0x2800];
	[tilespmem:s22+$0x7840] =	vst v11;
	v11 =	vsel vm6, v7, v12  }
0x5e: {  	v53 =	vld [tilespmem:s23+$0x10];
	[tilespmem:s22+$0x5050] =	vst v11;
	v11 =	vsel vm6, v7, v15;
	vm7 =	veq.s32 v13, v16  }
0x5f: {  	v54 =	vld [tilespmem:s23+$0x2810];
	[tilespmem:s22+$0x7850] =	vst v11;
	v11 =	vsel vm7, v8, v13  }
0x60: {  	v55 =	vld [tilespmem:s23+$0x20];
	[tilespmem:s22+$0x5060] =	vst v11;
	v11 =	vsel vm7, v8, v16;
	vm8 =	veq.s32 v10, v18  }
0x61: {  	v56 =	vld [tilespmem:s23+$0x2820];
	[tilespmem:s22+$0x7860] =	vst v11;
	v11 =	vsel vm8, v9, v18  }
0x62: {  	v10 =	vsel vm8, v9, v10;
	v57 =	vld [tilespmem:s23+$0x30];
	[tilespmem:s23+$0x7870] =	vst v11;
	vm9 =	veq.s32 v17, v52  }
0x63: {  	v11 =	vld [tilespmem:s23+$0x2830];
	[tilespmem:s23+$0x5070] =	vst v10;
	v17 =	vsel vm9, v2, v17  }
0x64: {  	v58 =	vld [tilespmem:s23+$0x40];
	v10 =	vsel vm9, v2, v52;
	[tilespmem:s23+$0x5000] =	vst v17;
	vm10 =	veq.s32 v53, v54  }
0x65: {  	v59 =	vld [tilespmem:s23+$0x2840];
	[tilespmem:s23+$0x7800] =	vst v10;
	v10 =	vsel vm10, v3, v53  }
0x66: {  	v60 =	vld [tilespmem:s23+$0x50];
	[tilespmem:s23+$0x5010] =	vst v10;
	v10 =	vsel vm10, v3, v54;
	vm11 =	veq.s32 v55, v56  }
0x67: {  	v61 =	vld [tilespmem:s23+$0x2850];
	[tilespmem:s23+$0x7810] =	vst v10;
	v10 =	vsel vm11, v4, v55  }
0x68: {  	v62 =	vld [tilespmem:s23+$0x60];
	vm12 =	veq.s32 v57, v11;
	[tilespmem:s23+$0x5020] =	vst v10;
	v10 =	vsel vm11, v4, v56  }
0x69: {  	v63 =	vld [tilespmem:s23+$0x2860];
	v11 =	vsel vm12, v5, v11;
	[tilespmem:s23+$0x7820] =	vst v10  }
0x6a: {  	vm13 =	veq.s32 v58, v59;
	v10 =	vsel vm12, v5, v57;
	[tilespmem:s23+$0x7830] =	vst v11  }
0x6b: {  	v11 =	vsel vm13, v6, v59;
	[tilespmem:s23+$0x5030] =	vst v10  }
0x6c: {  	vm14 =	veq.s32 v60, v61;
	v10 =	vsel vm13, v6, v58;
	[tilespmem:s23+$0x7840] =	vst v11  }
0x6d: {  	v11 =	vsel vm14, v7, v61;
	[tilespmem:s23+$0x5040] =	vst v10  }
0x6e: {  	vm15 =	veq.s32 v62, v63;
	v10 =	vsel vm14, v7, v60;
	[tilespmem:s23+$0x7850] =	vst v11  }
0x6f: {  	v11 =	vsel vm15, v8, v63;
	[tilespmem:s23+$0x5050] =	vst v10  }
0x70: {  	v10 =	vsel vm15, v8, v62;
	[tilespmem:s23+$0x7860] =	vst v11  }
0x71: {  	s30 =	simm.s32 $0x0;
	[tilespmem:s23+$0x5060] =	vst v10  }
0x72: {  	[hbm4b:s5+s30] =	stream.linear.scatter [tilespmem:s16], [sflag:$0x1], $0x2800, $0x38;
	[tilespmem:$0xAB00] =	vst v63  }
0x73: {  	_ =	swait.ge [sflag:s13], $0x2800  }
0x74: {  	[sflag:s13] =	ssyncset.done $0x0  }
0x75: {  	[sflag:s13] =	ssyncadd.s32 $0xFFFFD800  }
0x76: {  	[hbm4b:s6+s30] =	stream.linear.scatter [tilespmem:s17], [sflag:$0x1], $0x2800, $0x38;
	[tilespmem:$0xAB00] =	vst v63  }
0x77: {  	_ =	swait.ge [sflag:s13], $0x2800  }
0x78: {  	[sflag:s13] =	ssyncset.done $0x0  }
0x79: {  	[sflag:s13] =	ssyncadd.s32 $0xFFFFD800  }
0x7a: {  	s31 =	simm.s32 $0x5000;
	[bflag:$0x0] =	sbarrier.arrive $0xFFFF  }
0x7b: {  	[spmem:s1] =	stream.indirect.scatter.add.f32 [tilespmem:s19], [sflag:$0x1], $0x1, s31, s18, $0xb8;
	[tilespmem:$0xAB00] =	vst v63  }
0x7c: {  	s22 =	simm.s32 $0x200;
	_ =	swait.ge [sflag:s13], $0x80  }
.LBB2_8:
0x7d: {  	s23 =	sshra.s32 s22, $0x2;
	[sflag:s13] =	ssyncset.done $0x0;
	p1 =	sne.s32 s22, $0x9E00  }
.Ltmp3:
0x7e: {  	s23 =	sadd.s32 $0x5000, s23;
	[sflag:s13] =	ssyncadd.s32 $0xFFFFFF80;
	(pc) =	sbr.rel @p1 .LBB2_8-.Ltmp3, $3  }
0x7f: {  	[spmem:s1] =	stream.indirect.scatter.add.f32 [tilespmem:s19], [sflag:$0x1], $0x1, s23, s18, $0xb8;
	[tilespmem:$0xAB00] =	vst v63  }
0x80: {  	s22 =	sadd.s32 $0x200, s22;
	_ =	sdelay $0x1  }
0x81: {  	_ =	swait.ge [sflag:s13], $0x80  }
0x82: {  	[sflag:s13] =	ssyncset.done $0x0  }
0x83: {  	s22 =	simm.s32 @!p0 $0x1;
	s23 =	simm.s32 @!p0 $0x20;
	s21 =	sadd.s32 $0x1, s21  }
0x84: {  	s24 =	simm.s32 @!p0 $0x10;
	[sflag:s13] =	ssyncadd.s32 $0xFFFFFF80;
	p1 =	sne.s32 s21, s8  }
.Ltmp4:
0x85: {  	s25 =	simm.s32 @!p0 $0x1C01;
	[bflag:$0x0] =	sbarrier.arrive $0xFFFF;
	(pc) =	sbr.rel @p1 .LBB2_1-.Ltmp4, $4  }
0x86: {  	[hbm:s7@s23], [sflag:s25] =	dma.strided @!p0 [spmem:s20@s24], $0x500, s22, $0x10   }
0x87: {  	_ =	swait.ge @!p0 [sflag:s22], $0x500  }
0x88: {  	[sflag:s22] =	ssyncset.done @!p0 $0x0  }
0x89: {  	[sflag:s22] =	ssyncadd.s32 @!p0 $0xFFFFFB00  }
0x8a: {  	_ =	sfence.sel $0x180000  }
0x8b: {  	[bflag:$0x0] =	sbarrier.arrive $0xFFFF  }
0x8c: {  	_ =	strace $0x90000047  }
0x8d: {  	s0 =	sadd.s32 @!p0 $0x100000, s0;
	[bflag:$0x2] =	sbarrier.arrive $0xFFFF  }
0x8e: {  	[sflag:s0] =	ssyncadd.tile.s32 @!p0 $0x1;
	_ =	shalt  }
.Lfunc_end2:
_tile_overlayer_lowered:
.L_overlay_start_2:
0x8f: {  	(tag) =	ssettag $0x2  }
0x90: {  	s0 =	rddreg [dreg:$0x0];
	s2 =	stileid.u32  }
0x91: {  	s1 =	rddreg [dreg:$0x1];
	p0 =	sne.s32 s2, $0x0  }
0x92: {  	s3 =	rddreg [dreg:$0x2];
	[bflag:$0x3] =	sbarrier.arrive $0xFFFF;
	s2 =	simm.s32 @!p0 $0x1C01  }
0x93: {  	[timem:s3], [sflag:s2] =	dma.local @!p0 [hbm:s0], s1  }
0x94: {  	s0 =	simm.s32 @!p0 $0x1  }
0x95: {  	_ =	swait.ge @!p0 [sflag:s0], s1  }
0x96: {  	s1 =	ssub.s32 @!p0 $0x0, s1;
	[sflag:s0] =	ssyncset.done @!p0 $0x0  }
0x97: {  	[sflag:s0] =	ssyncadd.s32 @!p0 s1  }
0x98: {  	[bflag:$0x3] =	sbarrier.arrive $0xFFFF  }
0x99: {  	_ =	shalt  }

</sc_bundles>
